<compile_context>
chip_gen: v7x
topology: tpu7x:2x2x1
jax: 0.10.2.dev20260603
libtpu: 0.0.44.dev20260713+nightly
codegen_flags: <defaults>
</compile_context>

<pallas_src>
import functools

import jax
import jax.numpy as jnp
from jax import lax
from jax.experimental import pallas as pl
from jax.experimental.pallas import tpu as pltpu
from jax.experimental.pallas import tpu_sc as plsc

_NC = 2
_NS = 16
_C = 128
_NP = 102400


def _sc_segment_sum(zeros, tables, ei2, with_count):
    nf = len(tables)
    nr = ei2.shape[0] // 2
    nw = _NC * _NS
    nrowf = nr // nw
    nleft = nr - nrowf * nw

    mesh = plsc.VectorSubcoreMesh(core_axis_name="c", subcore_axis_name="s")
    nout = nf + (1 if with_count else 0)

    scratch = (
        [pltpu.VMEM_SHARED((_NP,), jnp.float32) for _ in range(nout)]
        + [
            pltpu.VMEM((8, 2, _C), jnp.int32),
            pltpu.VMEM((8, nf, _C), jnp.float32),
            pltpu.VMEM((_C,), jnp.float32),
            pltpu.VMEM((nout, _C), jnp.int32),
            pltpu.SemaphoreType.DMA,
            pltpu.SemaphoreType.DMA,
            pltpu.SemaphoreType.DMA,
        ]
    )

    @functools.partial(
        pl.kernel,
        out_type=[jax.ShapeDtypeStruct((_NC * _NP,), jnp.float32)] * nout,
        mesh=mesh,
        scratch_types=scratch,
    )
    def body(*refs):
        zeros_hbm = refs[0]
        tab_hbm = refs[1:1 + nf]
        ei_hbm = refs[1 + nf]
        outs = refs[2 + nf:2 + nf + nout]
        r = refs[2 + nf + nout:]
        acc_sp = r[:nout]
        (ibuf, gbuf, ones_b, dwait, isem, gsem, ssem) = r[nout:]

        cid = lax.axis_index("c")
        sid = lax.axis_index("s")
        wid = sid * _NC + cid
        r0 = wid * nrowf

        @pl.when(sid == 0)
        def _stage():
            for k in range(nout):
                pltpu.sync_copy(zeros_hbm, acc_sp[k])

        if with_count:
            one = jnp.ones((16,), jnp.float32)
            for i in range(_C // 16):
                ones_b[pl.ds(i * 16, 16)] = one

        plsc.subcore_barrier()

        def fire_idx(row, j):
            pltpu.async_copy(ei_hbm.at[pl.ds(2 * row, 2)], ibuf.at[j], isem)

        def drain_idx(j):
            pltpu.make_async_copy(
                ei_hbm.at[pl.ds(0, 2)], ibuf.at[j], isem).wait()

        def fire_gathers(j):
            for k in range(nf):
                pltpu.async_copy(tab_hbm[k].at[ibuf.at[j, 0]], gbuf.at[j, k],
                                 gsem)

        def drain_gathers(j):
            pltpu.make_async_copy(
                ei_hbm.at[pl.ds(0, nf)], dwait.at[pl.ds(0, nf)], gsem).wait()

        def fire_scats(j):
            for k in range(nf):
                pltpu.async_copy(gbuf.at[j, k], acc_sp[k].at[ibuf.at[j, 1]],
                                 ssem, add=True)
            if with_count:
                pltpu.async_copy(ones_b, acc_sp[nf].at[ibuf.at[j, 1]],
                                 ssem, add=True)

        def drain_scats(j):
            pltpu.make_async_copy(
                ei_hbm.at[pl.ds(0, nout)], dwait, ssem).wait()

        _D = 6
        _G = 2
        for rr in range(min(_D, nrowf)):
            fire_idx(r0 + rr, rr)
        for rr in range(min(_G, nrowf)):
            drain_idx(rr)
            fire_gathers(rr)

        def iter_body(g, carry):
            @pl.when(g + _G < nrowf)
            def _gather_next():
                drain_idx((g + _G) % 8)
                fire_gathers((g + _G) % 8)

            @pl.when(g + _D < nrowf)
            def _prefetch_idx():
                fire_idx(r0 + g + _D, (g + _D) % 8)

            drain_gathers(g % 8)
            fire_scats(g % 8)

            @pl.when(g > 0)
            def _drain_prev_scats():
                drain_scats((g - 1) % 8)

            return carry

        lax.fori_loop(0, nrowf, iter_body, 0)
        drain_scats((nrowf - 1) % 8)

        if nleft:
            @pl.when((cid == 0) & (sid < nleft))
            def _leftover():
                row = nw * nrowf + sid
                fire_idx(row, 0)
                drain_idx(0)
                fire_gathers(0)
                drain_gathers(0)
                fire_scats(0)
                drain_scats(0)

        plsc.subcore_barrier()

        @pl.when(sid == 0)
        def _writeout():
            for k in range(nout):
                pltpu.sync_copy(acc_sp[k], outs[k].at[pl.ds(cid * _NP, _NP)])

    return body(zeros, *tables, ei2)


def _dense_tc(a0, a1, a2, acnt, x0, x1, x2,
              w1l, b1c, w1r, w2l, w2r, wlin, b2c, blinc):
    bk = 10240
    grid = (_NP // bk,)
    nb = _NP // bk

    def body(a0r0, a0r1, a1r0, a1r1, a2r0, a2r1, cr0, cr1, x0r, x1r, x2r,
             w1l_r, b1_r, w1r_r, w2l_r, w2r_r, wlin_r, b2_r, blin_r,
             p0_r, p1_r, qc0_r, qc1_r):
        cnt = cr0[...] + cr1[...]
        inv = 1.0 / jnp.maximum(cnt, 1.0)
        m0 = (a0r0[...] + a0r1[...]) * inv
        m1 = (a1r0[...] + a1r1[...]) * inv
        m2 = (a2r0[...] + a2r1[...]) * inv
        mean = jnp.concatenate(
            [m0.reshape(1, bk), m1.reshape(1, bk), m2.reshape(1, bk)], axis=0)
        xb = jnp.concatenate(
            [x0r[...].reshape(1, bk), x1r[...].reshape(1, bk),
             x2r[...].reshape(1, bk)], axis=0)
        h = (jnp.dot(w1l_r[...], mean, preferred_element_type=jnp.float32)
             + jnp.dot(w1r_r[...], xb, preferred_element_type=jnp.float32)
             + b1_r[...])
        h = jnp.maximum(h, 0.0)
        amat = jnp.dot(wlin_r[...], w2l_r[...],
                       preferred_element_type=jnp.float32)
        bmat = jnp.dot(wlin_r[...], w2r_r[...],
                       preferred_element_type=jnp.float32)
        cvec = (jnp.dot(wlin_r[...], b2_r[...],
                        preferred_element_type=jnp.float32)
                + blin_r[...])
        p = jnp.dot(amat, h, preferred_element_type=jnp.float32)
        q = jnp.dot(bmat, h, preferred_element_type=jnp.float32) + cvec
        p0_r[...] = p[0:1, :].reshape(bk)
        p1_r[...] = p[1:2, :].reshape(bk)
        qc0_r[...] = q[0:1, :].reshape(bk)
        qc1_r[...] = q[1:2, :].reshape(bk)

    part = lambda: pl.BlockSpec((bk,), lambda i: (i,))
    part1 = lambda: pl.BlockSpec((bk,), lambda i: (nb + i,))
    wfull = lambda a, b: pl.BlockSpec((a, b), lambda i: (0, 0))
    return pl.pallas_call(
        body,
        grid=grid,
        in_specs=[
            part(), part1(), part(), part1(), part(), part1(), part(), part1(),
            part(), part(), part(),
            wfull(32, 3), wfull(32, 1), wfull(32, 3),
            wfull(16, 32), wfull(16, 32), wfull(2, 16),
            wfull(16, 1), wfull(2, 1),
        ],
        out_specs=[part(), part(), part(), part()],
        out_shape=[jax.ShapeDtypeStruct((_NP,), jnp.float32)] * 4,
    )(a0, a0, a1, a1, a2, a2, acnt, acnt, x0, x1, x2,
      w1l, b1c, w1r, w2l, w2r, wlin, b2c, blinc)


def _combine_tc(c0, c1, acnt, qc0, qc1):
    bk = 10240
    nb = _NP // bk

    def body(c0r0, c0r1, c1r0, c1r1, cr0, cr1, qc0_r, qc1_r, o0_r, o1_r):
        inv = 1.0 / jnp.maximum(cr0[...] + cr1[...], 1.0)
        o0_r[...] = (c0r0[...] + c0r1[...]) * inv + qc0_r[...]
        o1_r[...] = (c1r0[...] + c1r1[...]) * inv + qc1_r[...]

    part = lambda: pl.BlockSpec((bk,), lambda i: (i,))
    part1 = lambda: pl.BlockSpec((bk,), lambda i: (nb + i,))
    return pl.pallas_call(
        body,
        grid=(_NP // bk,),
        in_specs=[part(), part1(), part(), part1(), part(), part1(),
                  part(), part()],
        out_specs=[part(), part()],
        out_shape=[jax.ShapeDtypeStruct((_NP,), jnp.float32)] * 2,
    )(c0, c0, c1, c1, acnt, acnt, qc0, qc1)


def kernel(x, edge_index, W1l, b1, W1r, W2l, b2, W2r, Wlin, blin):
    n = x.shape[0]
    e = edge_index.shape[1]
    ei2 = jnp.stack(
        [edge_index[0].reshape(e // _C, _C), edge_index[1].reshape(e // _C, _C)],
        axis=1).reshape(2 * (e // _C), _C)
    pad = jnp.zeros((_NP - n,), jnp.float32)
    x0 = jnp.concatenate([x[:, 0], pad])
    x1 = jnp.concatenate([x[:, 1], pad])
    x2 = jnp.concatenate([x[:, 2], pad])
    zeros = jnp.zeros((_NP,), jnp.float32)

    a0, a1, a2, acnt = _sc_segment_sum(
        zeros, [x0, x1, x2], ei2, with_count=True)

    p0, p1, qc0, qc1 = _dense_tc(
        a0, a1, a2, acnt, x0, x1, x2,
        W1l, b1.reshape(-1, 1), W1r, W2l, W2r, Wlin,
        b2.reshape(-1, 1), blin.reshape(-1, 1))

    c0, c1 = _sc_segment_sum(zeros, [p0, p1], ei2, with_count=False)
    o0, o1 = _combine_tc(c0, c1, acnt, qc0, qc1)
    return jnp.stack([o0[:n], o1[:n]], axis=1)

# --- scband reference (transcript-rebuilt; emitter-appended) ---
"""Pipeline reference for scband-tgnn-5531917877811 (READ-ONLY COPY).

The authoritative reference and input builder live on the scoring server;
editing this copy changes nothing except your own understanding.
"""

import jax, jax.numpy as jnp
import numpy as np

N = 100000
E = 6400000

def setup_inputs(seed: int = 0) -> dict:
    key = jax.random.key(seed)
    ks = jax.random.split(key, 12)
    x = jax.random.normal(ks[0], (N, 3), dtype=jnp.float32)
    edge_index = jax.random.randint(ks[1], (2, E), 0, N, dtype=jnp.int32)
    # SAGEConv(3, 32): lin_l (neighbors, with bias), lin_r (root, no bias)
    W1l = jax.random.normal(ks[2], (32, 3), dtype=jnp.float32) / jnp.sqrt(3.0)
    b1  = jnp.zeros((32,), dtype=jnp.float32)
    W1r = jax.random.normal(ks[3], (32, 3), dtype=jnp.float32) / jnp.sqrt(3.0)
    # SAGEConv(32, 16)
    W2l = jax.random.normal(ks[4], (16, 32), dtype=jnp.float32) / jnp.sqrt(32.0)
    b2  = jnp.zeros((16,), dtype=jnp.float32)
    W2r = jax.random.normal(ks[5], (16, 32), dtype=jnp.float32) / jnp.sqrt(32.0)
    # Linear(16, 2)
    Wlin = jax.random.normal(ks[6], (2, 16), dtype=jnp.float32) / jnp.sqrt(16.0)
    blin = jnp.zeros((2,), dtype=jnp.float32)
    return {"x": x, "edge_index": edge_index, "W1l": W1l, "b1": b1, "W1r": W1r,
            "W2l": W2l, "b2": b2, "W2r": W2r, "Wlin": Wlin, "blin": blin}


def _sage(h, edge_index, Wl, bl, Wr, num_nodes):
    # PyG SAGEConv with aggr='mean': out = lin_l(mean_{j in N(i)} x_j) + lin_r(x_i)
    src = edge_index[0]
    dst = edge_index[1]
    msgs = h[src]  # gather from source nodes
    agg = jax.ops.segment_sum(msgs, dst, num_segments=num_nodes)
    cnt = jax.ops.segment_sum(jnp.ones((edge_index.shape[1],), dtype=h.dtype), dst,
                              num_segments=num_nodes)
    mean = agg / jnp.clip(cnt, 1.0)[:, None]  # zero-degree nodes -> 0 (PyG scatter-mean behavior)
    return mean @ Wl.T + bl + h @ Wr.T


def reference(x, edge_index, W1l, b1, W1r, W2l, b2, W2r, Wlin, blin):
    h = jax.nn.relu(_sage(x, edge_index, W1l, b1, W1r, N))
    h = _sage(h, edge_index, W2l, b2, W2r, N)
    return h @ Wlin.T + blin

if __name__ == "__main__":
    import jax
    _d = setup_inputs()
    print(jax.jit(kernel)(*tuple(_d.values())))

</pallas_src>

<mosaic_0001>
#map = affine_map<(d0, d1) -> (0)>
#map1 = affine_map<(d0, d1) -> (0, 0)>
module attributes {stable_mosaic.version = 14 : i64} {
  func.func @body(%arg0: i32, %arg1: i32, %arg2: memref<102400xf32, #tpu.memory_space<hbm>>, %arg3: memref<102400xf32, #tpu.memory_space<hbm>>, %arg4: memref<102400xf32, #tpu.memory_space<hbm>>, %arg5: memref<100000x128xi32, #tpu.memory_space<hbm>>, %arg6: memref<204800xf32, #tpu.memory_space<hbm>>, %arg7: memref<204800xf32, #tpu.memory_space<hbm>>, %arg8: memref<102400xf32, #tpu.memory_space<vmem_shared>>, %arg9: memref<102400xf32, #tpu.memory_space<vmem_shared>>, %arg10: memref<8x2x128xi32, #tpu.memory_space<vmem>>, %arg11: memref<8x2x128xf32, #tpu.memory_space<vmem>>, %arg12: memref<128xf32, #tpu.memory_space<vmem>>, %arg13: memref<2x128xi32, #tpu.memory_space<vmem>>, %arg14: memref<!tpu.dma_semaphore, #tpu.memory_space<semaphore_mem>>, %arg15: memref<!tpu.dma_semaphore, #tpu.memory_space<semaphore_mem>>, %arg16: memref<!tpu.dma_semaphore, #tpu.memory_space<semaphore_mem>>) attributes {dimension_semantics = [#tpu.dimension_semantics<core_parallel>, #tpu.dimension_semantics<subcore_parallel>], iteration_bounds = array<i64: 2, 16>, scalar_prefetch = 0 : i64, scratch_operands = 9 : i64, tpu.core_type = #tpu.core_type<sc_vector_subcore>, window_params = [{transform_indices = #map}, {transform_indices = #map}, {transform_indices = #map}, {transform_indices = #map1}, {transform_indices = #map}, {transform_indices = #map}]} {
    %mul3A = arith.constant 2 : i32
    %mul3A_0 = arith.muli %arg1, %mul3A : i32
    %add3A = arith.addi %mul3A_0, %arg0 : i32
    %mul3A_1 = arith.constant 1562 : i32
    %mul3A_2 = arith.muli %add3A, %mul3A_1 : i32
    %eq3A = arith.constant 0 : i32
    %eq3A_3 = arith.cmpi eq, %arg1, %eq3A : i32
    %convert_element_type3A = arith.extui %eq3A_3 : i1 to i32
    %cond3A = arith.constant 0 : i32
    %cond3A_4 = arith.cmpi ne, %convert_element_type3A, %cond3A : i32
    scf.if %cond3A_4 {
      "tpu.region"() ({
        %run_scoped3A = tpu.sem_alloc : memref<!tpu.dma_semaphore, #tpu.memory_space<semaphore_mem>>
        tpu.enqueue_dma source(%arg2 : memref<102400xf32, #tpu.memory_space<hbm>>) target(%arg8 : memref<102400xf32, #tpu.memory_space<vmem_shared>>) target_semaphore(%run_scoped3A : memref<!tpu.dma_semaphore, #tpu.memory_space<semaphore_mem>>)
        tpu.wait_dma2 semaphore(%run_scoped3A : memref<!tpu.dma_semaphore, #tpu.memory_space<semaphore_mem>>) src(%arg2 : memref<102400xf32, #tpu.memory_space<hbm>>) dst(%arg8 : memref<102400xf32, #tpu.memory_space<vmem_shared>>)
        tpu.yield
      }) : () -> ()
      "tpu.region"() ({
        %run_scoped3A = tpu.sem_alloc : memref<!tpu.dma_semaphore, #tpu.memory_space<semaphore_mem>>
        tpu.enqueue_dma source(%arg2 : memref<102400xf32, #tpu.memory_space<hbm>>) target(%arg9 : memref<102400xf32, #tpu.memory_space<vmem_shared>>) target_semaphore(%run_scoped3A : memref<!tpu.dma_semaphore, #tpu.memory_space<semaphore_mem>>)
        tpu.wait_dma2 semaphore(%run_scoped3A : memref<!tpu.dma_semaphore, #tpu.memory_space<semaphore_mem>>) src(%arg2 : memref<102400xf32, #tpu.memory_space<hbm>>) dst(%arg9 : memref<102400xf32, #tpu.memory_space<vmem_shared>>)
        tpu.yield
      }) : () -> ()
    } else {
    }
    %barrier3A = arith.constant 0 : index
    tpu.barrier barrier_id(%barrier3A)
    %add3A_5 = arith.constant 0 : i32
    %add3A_6 = arith.addi %mul3A_2, %add3A_5 : i32
    %mul3A_7 = arith.constant 2 : i32
    %mul3A_8 = arith.muli %mul3A_7, %add3A_6 : i32
    %dma_start3A = arith.constant 0 : i32
    %dma_start3A_9 = arith.constant 0 : i32
    %dma_start3A_10 = arith.constant 0 : i32
    %dma_start3A_11 = tpu.memref_slice %arg10[%dma_start3A, %dma_start3A_9, %dma_start3A_10] : memref<8x2x128xi32, #tpu.memory_space<vmem>> -> memref<1x2x128xi32, #tpu.memory_space<vmem>>
    %dma_start3A_12 = tpu.memref_squeeze %dma_start3A_11 : memref<1x2x128xi32, #tpu.memory_space<vmem>> -> memref<2x128xi32, #tpu.memory_space<vmem>>
    %dma_start3A_13 = arith.constant 0 : i32
    %dma_start3A_14 = tpu.memref_slice %arg5[%mul3A_8, %dma_start3A_13] : memref<100000x128xi32, #tpu.memory_space<hbm>> -> memref<2x128xi32, #tpu.memory_space<hbm>>
    %dma_start3A_15 = arith.constant 0 : i32
    %dma_start3A_16 = arith.constant 0 : i32
    %dma_start3A_17 = tpu.memref_slice %arg10[%dma_start3A, %dma_start3A_15, %dma_start3A_16] : memref<8x2x128xi32, #tpu.memory_space<vmem>> -> memref<1x2x128xi32, #tpu.memory_space<vmem>>
    %dma_start3A_18 = tpu.memref_squeeze %dma_start3A_17 : memref<1x2x128xi32, #tpu.memory_space<vmem>> -> memref<2x128xi32, #tpu.memory_space<vmem>>
    %dma_start3A_19 = arith.constant 0 : i32
    %dma_start3A_20 = tpu.memref_slice %arg5[%mul3A_8, %dma_start3A_19] : memref<100000x128xi32, #tpu.memory_space<hbm>> -> memref<2x128xi32, #tpu.memory_space<hbm>>
    tpu.enqueue_dma source(%dma_start3A_20 : memref<2x128xi32, #tpu.memory_space<hbm>>) target(%dma_start3A_18 : memref<2x128xi32, #tpu.memory_space<vmem>>) target_semaphore(%arg14 : memref<!tpu.dma_semaphore, #tpu.memory_space<semaphore_mem>>)
    %add3A_21 = arith.constant 1 : i32
    %add3A_22 = arith.addi %mul3A_2, %add3A_21 : i32
    %mul3A_23 = arith.constant 2 : i32
    %mul3A_24 = arith.muli %mul3A_23, %add3A_22 : i32
    %dma_start3A_25 = arith.constant 1 : i32
    %dma_start3A_26 = arith.constant 0 : i32
    %dma_start3A_27 = arith.constant 0 : i32
    %dma_start3A_28 = tpu.memref_slice %arg10[%dma_start3A_25, %dma_start3A_26, %dma_start3A_27] : memref<8x2x128xi32, #tpu.memory_space<vmem>> -> memref<1x2x128xi32, #tpu.memory_space<vmem>>
    %dma_start3A_29 = tpu.memref_squeeze %dma_start3A_28 : memref<1x2x128xi32, #tpu.memory_space<vmem>> -> memref<2x128xi32, #tpu.memory_space<vmem>>
    %dma_start3A_30 = arith.constant 0 : i32
    %dma_start3A_31 = tpu.memref_slice %arg5[%mul3A_24, %dma_start3A_30] : memref<100000x128xi32, #tpu.memory_space<hbm>> -> memref<2x128xi32, #tpu.memory_space<hbm>>
    %dma_start3A_32 = arith.constant 0 : i32
    %dma_start3A_33 = arith.constant 0 : i32
    %dma_start3A_34 = tpu.memref_slice %arg10[%dma_start3A_25, %dma_start3A_32, %dma_start3A_33] : memref<8x2x128xi32, #tpu.memory_space<vmem>> -> memref<1x2x128xi32, #tpu.memory_space<vmem>>
    %dma_start3A_35 = tpu.memref_squeeze %dma_start3A_34 : memref<1x2x128xi32, #tpu.memory_space<vmem>> -> memref<2x128xi32, #tpu.memory_space<vmem>>
    %dma_start3A_36 = arith.constant 0 : i32
    %dma_start3A_37 = tpu.memref_slice %arg5[%mul3A_24, %dma_start3A_36] : memref<100000x128xi32, #tpu.memory_space<hbm>> -> memref<2x128xi32, #tpu.memory_space<hbm>>
    tpu.enqueue_dma source(%dma_start3A_37 : memref<2x128xi32, #tpu.memory_space<hbm>>) target(%dma_start3A_35 : memref<2x128xi32, #tpu.memory_space<vmem>>) target_semaphore(%arg14 : memref<!tpu.dma_semaphore, #tpu.memory_space<semaphore_mem>>)
    %add3A_38 = arith.constant 2 : i32
    %add3A_39 = arith.addi %mul3A_2, %add3A_38 : i32
    %mul3A_40 = arith.constant 2 : i32
    %mul3A_41 = arith.muli %mul3A_40, %add3A_39 : i32
    %dma_start3A_42 = arith.constant 2 : i32
    %dma_start3A_43 = arith.constant 0 : i32
    %dma_start3A_44 = arith.constant 0 : i32
    %dma_start3A_45 = tpu.memref_slice %arg10[%dma_start3A_42, %dma_start3A_43, %dma_start3A_44] : memref<8x2x128xi32, #tpu.memory_space<vmem>> -> memref<1x2x128xi32, #tpu.memory_space<vmem>>
    %dma_start3A_46 = tpu.memref_squeeze %dma_start3A_45 : memref<1x2x128xi32, #tpu.memory_space<vmem>> -> memref<2x128xi32, #tpu.memory_space<vmem>>
    %dma_start3A_47 = arith.constant 0 : i32
    %dma_start3A_48 = tpu.memref_slice %arg5[%mul3A_41, %dma_start3A_47] : memref<100000x128xi32, #tpu.memory_space<hbm>> -> memref<2x128xi32, #tpu.memory_space<hbm>>
    %dma_start3A_49 = arith.constant 0 : i32
    %dma_start3A_50 = arith.constant 0 : i32
    %dma_start3A_51 = tpu.memref_slice %arg10[%dma_start3A_42, %dma_start3A_49, %dma_start3A_50] : memref<8x2x128xi32, #tpu.memory_space<vmem>> -> memref<1x2x128xi32, #tpu.memory_space<vmem>>
    %dma_start3A_52 = tpu.memref_squeeze %dma_start3A_51 : memref<1x2x128xi32, #tpu.memory_space<vmem>> -> memref<2x128xi32, #tpu.memory_space<vmem>>
    %dma_start3A_53 = arith.constant 0 : i32
    %dma_start3A_54 = tpu.memref_slice %arg5[%mul3A_41, %dma_start3A_53] : memref<100000x128xi32, #tpu.memory_space<hbm>> -> memref<2x128xi32, #tpu.memory_space<hbm>>
    tpu.enqueue_dma source(%dma_start3A_54 : memref<2x128xi32, #tpu.memory_space<hbm>>) target(%dma_start3A_52 : memref<2x128xi32, #tpu.memory_space<vmem>>) target_semaphore(%arg14 : memref<!tpu.dma_semaphore, #tpu.memory_space<semaphore_mem>>)
    %add3A_55 = arith.constant 3 : i32
    %add3A_56 = arith.addi %mul3A_2, %add3A_55 : i32
    %mul3A_57 = arith.constant 2 : i32
    %mul3A_58 = arith.muli %mul3A_57, %add3A_56 : i32
    %dma_start3A_59 = arith.constant 3 : i32
    %dma_start3A_60 = arith.constant 0 : i32
    %dma_start3A_61 = arith.constant 0 : i32
    %dma_start3A_62 = tpu.memref_slice %arg10[%dma_start3A_59, %dma_start3A_60, %dma_start3A_61] : memref<8x2x128xi32, #tpu.memory_space<vmem>> -> memref<1x2x128xi32, #tpu.memory_space<vmem>>
    %dma_start3A_63 = tpu.memref_squeeze %dma_start3A_62 : memref<1x2x128xi32, #tpu.memory_space<vmem>> -> memref<2x128xi32, #tpu.memory_space<vmem>>
    %dma_start3A_64 = arith.constant 0 : i32
    %dma_start3A_65 = tpu.memref_slice %arg5[%mul3A_58, %dma_start3A_64] : memref<100000x128xi32, #tpu.memory_space<hbm>> -> memref<2x128xi32, #tpu.memory_space<hbm>>
    %dma_start3A_66 = arith.constant 0 : i32
    %dma_start3A_67 = arith.constant 0 : i32
    %dma_start3A_68 = tpu.memref_slice %arg10[%dma_start3A_59, %dma_start3A_66, %dma_start3A_67] : memref<8x2x128xi32, #tpu.memory_space<vmem>> -> memref<1x2x128xi32, #tpu.memory_space<vmem>>
    %dma_start3A_69 = tpu.memref_squeeze %dma_start3A_68 : memref<1x2x128xi32, #tpu.memory_space<vmem>> -> memref<2x128xi32, #tpu.memory_space<vmem>>
    %dma_start3A_70 = arith.constant 0 : i32
    %dma_start3A_71 = tpu.memref_slice %arg5[%mul3A_58, %dma_start3A_70] : memref<100000x128xi32, #tpu.memory_space<hbm>> -> memref<2x128xi32, #tpu.memory_space<hbm>>
    tpu.enqueue_dma source(%dma_start3A_71 : memref<2x128xi32, #tpu.memory_space<hbm>>) target(%dma_start3A_69 : memref<2x128xi32, #tpu.memory_space<vmem>>) target_semaphore(%arg14 : memref<!tpu.dma_semaphore, #tpu.memory_space<semaphore_mem>>)
    %add3A_72 = arith.constant 4 : i32
    %add3A_73 = arith.addi %mul3A_2, %add3A_72 : i32
    %mul3A_74 = arith.constant 2 : i32
    %mul3A_75 = arith.muli %mul3A_74, %add3A_73 : i32
    %dma_start3A_76 = arith.constant 4 : i32
    %dma_start3A_77 = arith.constant 0 : i32
    %dma_start3A_78 = arith.constant 0 : i32
    %dma_start3A_79 = tpu.memref_slice %arg10[%dma_start3A_76, %dma_start3A_77, %dma_start3A_78] : memref<8x2x128xi32, #tpu.memory_space<vmem>> -> memref<1x2x128xi32, #tpu.memory_space<vmem>>
    %dma_start3A_80 = tpu.memref_squeeze %dma_start3A_79 : memref<1x2x128xi32, #tpu.memory_space<vmem>> -> memref<2x128xi32, #tpu.memory_space<vmem>>
    %dma_start3A_81 = arith.constant 0 : i32
    %dma_start3A_82 = tpu.memref_slice %arg5[%mul3A_75, %dma_start3A_81] : memref<100000x128xi32, #tpu.memory_space<hbm>> -> memref<2x128xi32, #tpu.memory_space<hbm>>
    %dma_start3A_83 = arith.constant 0 : i32
    %dma_start3A_84 = arith.constant 0 : i32
    %dma_start3A_85 = tpu.memref_slice %arg10[%dma_start3A_76, %dma_start3A_83, %dma_start3A_84] : memref<8x2x128xi32, #tpu.memory_space<vmem>> -> memref<1x2x128xi32, #tpu.memory_space<vmem>>
    %dma_start3A_86 = tpu.memref_squeeze %dma_start3A_85 : memref<1x2x128xi32, #tpu.memory_space<vmem>> -> memref<2x128xi32, #tpu.memory_space<vmem>>
    %dma_start3A_87 = arith.constant 0 : i32
    %dma_start3A_88 = tpu.memref_slice %arg5[%mul3A_75, %dma_start3A_87] : memref<100000x128xi32, #tpu.memory_space<hbm>> -> memref<2x128xi32, #tpu.memory_space<hbm>>
    tpu.enqueue_dma source(%dma_start3A_88 : memref<2x128xi32, #tpu.memory_space<hbm>>) target(%dma_start3A_86 : memref<2x128xi32, #tpu.memory_space<vmem>>) target_semaphore(%arg14 : memref<!tpu.dma_semaphore, #tpu.memory_space<semaphore_mem>>)
    %add3A_89 = arith.constant 5 : i32
    %add3A_90 = arith.addi %mul3A_2, %add3A_89 : i32
    %mul3A_91 = arith.constant 2 : i32
    %mul3A_92 = arith.muli %mul3A_91, %add3A_90 : i32
    %dma_start3A_93 = arith.constant 5 : i32
    %dma_start3A_94 = arith.constant 0 : i32
    %dma_start3A_95 = arith.constant 0 : i32
    %dma_start3A_96 = tpu.memref_slice %arg10[%dma_start3A_93, %dma_start3A_94, %dma_start3A_95] : memref<8x2x128xi32, #tpu.memory_space<vmem>> -> memref<1x2x128xi32, #tpu.memory_space<vmem>>
    %dma_start3A_97 = tpu.memref_squeeze %dma_start3A_96 : memref<1x2x128xi32, #tpu.memory_space<vmem>> -> memref<2x128xi32, #tpu.memory_space<vmem>>
    %dma_start3A_98 = arith.constant 0 : i32
    %dma_start3A_99 = tpu.memref_slice %arg5[%mul3A_92, %dma_start3A_98] : memref<100000x128xi32, #tpu.memory_space<hbm>> -> memref<2x128xi32, #tpu.memory_space<hbm>>
    %dma_start3A_100 = arith.constant 0 : i32
    %dma_start3A_101 = arith.constant 0 : i32
    %dma_start3A_102 = tpu.memref_slice %arg10[%dma_start3A_93, %dma_start3A_100, %dma_start3A_101] : memref<8x2x128xi32, #tpu.memory_space<vmem>> -> memref<1x2x128xi32, #tpu.memory_space<vmem>>
    %dma_start3A_103 = tpu.memref_squeeze %dma_start3A_102 : memref<1x2x128xi32, #tpu.memory_space<vmem>> -> memref<2x128xi32, #tpu.memory_space<vmem>>
    %dma_start3A_104 = arith.constant 0 : i32
    %dma_start3A_105 = tpu.memref_slice %arg5[%mul3A_92, %dma_start3A_104] : memref<100000x128xi32, #tpu.memory_space<hbm>> -> memref<2x128xi32, #tpu.memory_space<hbm>>
    tpu.enqueue_dma source(%dma_start3A_105 : memref<2x128xi32, #tpu.memory_space<hbm>>) target(%dma_start3A_103 : memref<2x128xi32, #tpu.memory_space<vmem>>) target_semaphore(%arg14 : memref<!tpu.dma_semaphore, #tpu.memory_space<semaphore_mem>>)
    %dma_wait3A = arith.constant 0 : i32
    %dma_wait3A_106 = arith.constant 0 : i32
    %dma_wait3A_107 = arith.constant 0 : i32
    %dma_wait3A_108 = tpu.memref_slice %arg10[%dma_wait3A, %dma_wait3A_106, %dma_wait3A_107] : memref<8x2x128xi32, #tpu.memory_space<vmem>> -> memref<1x2x128xi32, #tpu.memory_space<vmem>>
    %dma_wait3A_109 = tpu.memref_squeeze %dma_wait3A_108 : memref<1x2x128xi32, #tpu.memory_space<vmem>> -> memref<2x128xi32, #tpu.memory_space<vmem>>
    %dma_wait3A_110 = arith.constant 0 : i32
    %dma_wait3A_111 = arith.constant 0 : i32
    %dma_wait3A_112 = tpu.memref_slice %arg5[%dma_wait3A_110, %dma_wait3A_111] : memref<100000x128xi32, #tpu.memory_space<hbm>> -> memref<2x128xi32, #tpu.memory_space<hbm>>
    %dma_wait3A_113 = arith.constant 0 : i32
    %dma_wait3A_114 = arith.constant 0 : i32
    %dma_wait3A_115 = tpu.memref_slice %arg10[%dma_wait3A, %dma_wait3A_113, %dma_wait3A_114] : memref<8x2x128xi32, #tpu.memory_space<vmem>> -> memref<1x2x128xi32, #tpu.memory_space<vmem>>
    %dma_wait3A_116 = tpu.memref_squeeze %dma_wait3A_115 : memref<1x2x128xi32, #tpu.memory_space<vmem>> -> memref<2x128xi32, #tpu.memory_space<vmem>>
    %dma_wait3A_117 = arith.constant 0 : i32
    %dma_wait3A_118 = arith.constant 0 : i32
    %dma_wait3A_119 = tpu.memref_slice %arg5[%dma_wait3A_117, %dma_wait3A_118] : memref<100000x128xi32, #tpu.memory_space<hbm>> -> memref<2x128xi32, #tpu.memory_space<hbm>>
    tpu.wait_dma2 semaphore(%arg14 : memref<!tpu.dma_semaphore, #tpu.memory_space<semaphore_mem>>) src(%dma_wait3A_119 : memref<2x128xi32, #tpu.memory_space<hbm>>) dst(%dma_wait3A_116 : memref<2x128xi32, #tpu.memory_space<vmem>>)
    %dma_start3A_120 = arith.constant 0 : i32
    %dma_start3A_121 = arith.constant 0 : i32
    %dma_start3A_122 = arith.constant 0 : i32
    %dma_start3A_123 = arith.constant 0 : i32
    %dma_start3A_124 = arith.constant 0 : i32
    %dma_start3A_125 = tpu.memref_slice %arg11[%dma_start3A_122, %dma_start3A_123, %dma_start3A_124] : memref<8x2x128xf32, #tpu.memory_space<vmem>> -> memref<1x1x128xf32, #tpu.memory_space<vmem>>
    %dma_start3A_126 = tpu.memref_squeeze %dma_start3A_125 : memref<1x1x128xf32, #tpu.memory_space<vmem>> -> memref<128xf32, #tpu.memory_space<vmem>>
    %dma_start3A_127 = arith.constant 0 : i32
    %dma_start3A_128 = tpu.memref_slice %arg10[%dma_start3A_120, %dma_start3A_121, %dma_start3A_127] : memref<8x2x128xi32, #tpu.memory_space<vmem>> -> memref<1x1x128xi32, #tpu.memory_space<vmem>>
    %dma_start3A_129 = tpu.memref_squeeze %dma_start3A_128 : memref<1x1x128xi32, #tpu.memory_space<vmem>> -> memref<128xi32, #tpu.memory_space<vmem>>
    %dma_start3A_130 = arith.constant 0 : i32
    %dma_start3A_131 = tpu.memref_slice %arg3[%dma_start3A_130] : memref<102400xf32, #tpu.memory_space<hbm>> -> memref<102400xf32, #tpu.memory_space<hbm>>
    tpu.enqueue_indirect_dma source(%dma_start3A_131 : memref<102400xf32, #tpu.memory_space<hbm>>) target(%dma_start3A_126 : memref<128xf32, #tpu.memory_space<vmem>>) offsets(%dma_start3A_129 : memref<128xi32, #tpu.memory_space<vmem>>) semaphore(%arg15 : memref<!tpu.dma_semaphore, #tpu.memory_space<semaphore_mem>>)
    %dma_start3A_132 = arith.constant 0 : i32
    %dma_start3A_133 = arith.constant 0 : i32
    %dma_start3A_134 = arith.constant 0 : i32
    %dma_start3A_135 = arith.constant 1 : i32
    %dma_start3A_136 = arith.constant 0 : i32
    %dma_start3A_137 = tpu.memref_slice %arg11[%dma_start3A_134, %dma_start3A_135, %dma_start3A_136] : memref<8x2x128xf32, #tpu.memory_space<vmem>> -> memref<1x1x128xf32, #tpu.memory_space<vmem>>
    %dma_start3A_138 = tpu.memref_squeeze %dma_start3A_137 : memref<1x1x128xf32, #tpu.memory_space<vmem>> -> memref<128xf32, #tpu.memory_space<vmem>>
    %dma_start3A_139 = arith.constant 0 : i32
    %dma_start3A_140 = tpu.memref_slice %arg10[%dma_start3A_132, %dma_start3A_133, %dma_start3A_139] : memref<8x2x128xi32, #tpu.memory_space<vmem>> -> memref<1x1x128xi32, #tpu.memory_space<vmem>>
    %dma_start3A_141 = tpu.memref_squeeze %dma_start3A_140 : memref<1x1x128xi32, #tpu.memory_space<vmem>> -> memref<128xi32, #tpu.memory_space<vmem>>
    %dma_start3A_142 = arith.constant 0 : i32
    %dma_start3A_143 = tpu.memref_slice %arg4[%dma_start3A_142] : memref<102400xf32, #tpu.memory_space<hbm>> -> memref<102400xf32, #tpu.memory_space<hbm>>
    tpu.enqueue_indirect_dma source(%dma_start3A_143 : memref<102400xf32, #tpu.memory_space<hbm>>) target(%dma_start3A_138 : memref<128xf32, #tpu.memory_space<vmem>>) offsets(%dma_start3A_141 : memref<128xi32, #tpu.memory_space<vmem>>) semaphore(%arg15 : memref<!tpu.dma_semaphore, #tpu.memory_space<semaphore_mem>>)
    %dma_wait3A_144 = arith.constant 1 : i32
    %dma_wait3A_145 = arith.constant 0 : i32
    %dma_wait3A_146 = arith.constant 0 : i32
    %dma_wait3A_147 = tpu.memref_slice %arg10[%dma_wait3A_144, %dma_wait3A_145, %dma_wait3A_146] : memref<8x2x128xi32, #tpu.memory_space<vmem>> -> memref<1x2x128xi32, #tpu.memory_space<vmem>>
    %dma_wait3A_148 = tpu.memref_squeeze %dma_wait3A_147 : memref<1x2x128xi32, #tpu.memory_space<vmem>> -> memref<2x128xi32, #tpu.memory_space<vmem>>
    %dma_wait3A_149 = arith.constant 0 : i32
    %dma_wait3A_150 = arith.constant 0 : i32
    %dma_wait3A_151 = tpu.memref_slice %arg5[%dma_wait3A_149, %dma_wait3A_150] : memref<100000x128xi32, #tpu.memory_space<hbm>> -> memref<2x128xi32, #tpu.memory_space<hbm>>
    %dma_wait3A_152 = arith.constant 0 : i32
    %dma_wait3A_153 = arith.constant 0 : i32
    %dma_wait3A_154 = tpu.memref_slice %arg10[%dma_wait3A_144, %dma_wait3A_152, %dma_wait3A_153] : memref<8x2x128xi32, #tpu.memory_space<vmem>> -> memref<1x2x128xi32, #tpu.memory_space<vmem>>
    %dma_wait3A_155 = tpu.memref_squeeze %dma_wait3A_154 : memref<1x2x128xi32, #tpu.memory_space<vmem>> -> memref<2x128xi32, #tpu.memory_space<vmem>>
    %dma_wait3A_156 = arith.constant 0 : i32
    %dma_wait3A_157 = arith.constant 0 : i32
    %dma_wait3A_158 = tpu.memref_slice %arg5[%dma_wait3A_156, %dma_wait3A_157] : memref<100000x128xi32, #tpu.memory_space<hbm>> -> memref<2x128xi32, #tpu.memory_space<hbm>>
    tpu.wait_dma2 semaphore(%arg14 : memref<!tpu.dma_semaphore, #tpu.memory_space<semaphore_mem>>) src(%dma_wait3A_158 : memref<2x128xi32, #tpu.memory_space<hbm>>) dst(%dma_wait3A_155 : memref<2x128xi32, #tpu.memory_space<vmem>>)
    %dma_start3A_159 = arith.constant 1 : i32
    %dma_start3A_160 = arith.constant 0 : i32
    %dma_start3A_161 = arith.constant 1 : i32
    %dma_start3A_162 = arith.constant 0 : i32
    %dma_start3A_163 = arith.constant 0 : i32
    %dma_start3A_164 = tpu.memref_slice %arg11[%dma_start3A_161, %dma_start3A_162, %dma_start3A_163] : memref<8x2x128xf32, #tpu.memory_space<vmem>> -> memref<1x1x128xf32, #tpu.memory_space<vmem>>
    %dma_start3A_165 = tpu.memref_squeeze %dma_start3A_164 : memref<1x1x128xf32, #tpu.memory_space<vmem>> -> memref<128xf32, #tpu.memory_space<vmem>>
    %dma_start3A_166 = arith.constant 0 : i32
    %dma_start3A_167 = tpu.memref_slice %arg10[%dma_start3A_159, %dma_start3A_160, %dma_start3A_166] : memref<8x2x128xi32, #tpu.memory_space<vmem>> -> memref<1x1x128xi32, #tpu.memory_space<vmem>>
    %dma_start3A_168 = tpu.memref_squeeze %dma_start3A_167 : memref<1x1x128xi32, #tpu.memory_space<vmem>> -> memref<128xi32, #tpu.memory_space<vmem>>
    %dma_start3A_169 = arith.constant 0 : i32
    %dma_start3A_170 = tpu.memref_slice %arg3[%dma_start3A_169] : memref<102400xf32, #tpu.memory_space<hbm>> -> memref<102400xf32, #tpu.memory_space<hbm>>
    tpu.enqueue_indirect_dma source(%dma_start3A_170 : memref<102400xf32, #tpu.memory_space<hbm>>) target(%dma_start3A_165 : memref<128xf32, #tpu.memory_space<vmem>>) offsets(%dma_start3A_168 : memref<128xi32, #tpu.memory_space<vmem>>) semaphore(%arg15 : memref<!tpu.dma_semaphore, #tpu.memory_space<semaphore_mem>>)
    %dma_start3A_171 = arith.constant 1 : i32
    %dma_start3A_172 = arith.constant 0 : i32
    %dma_start3A_173 = arith.constant 1 : i32
    %dma_start3A_174 = arith.constant 1 : i32
    %dma_start3A_175 = arith.constant 0 : i32
    %dma_start3A_176 = tpu.memref_slice %arg11[%dma_start3A_173, %dma_start3A_174, %dma_start3A_175] : memref<8x2x128xf32, #tpu.memory_space<vmem>> -> memref<1x1x128xf32, #tpu.memory_space<vmem>>
    %dma_start3A_177 = tpu.memref_squeeze %dma_start3A_176 : memref<1x1x128xf32, #tpu.memory_space<vmem>> -> memref<128xf32, #tpu.memory_space<vmem>>
    %dma_start3A_178 = arith.constant 0 : i32
    %dma_start3A_179 = tpu.memref_slice %arg10[%dma_start3A_171, %dma_start3A_172, %dma_start3A_178] : memref<8x2x128xi32, #tpu.memory_space<vmem>> -> memref<1x1x128xi32, #tpu.memory_space<vmem>>
    %dma_start3A_180 = tpu.memref_squeeze %dma_start3A_179 : memref<1x1x128xi32, #tpu.memory_space<vmem>> -> memref<128xi32, #tpu.memory_space<vmem>>
    %dma_start3A_181 = arith.constant 0 : i32
    %dma_start3A_182 = tpu.memref_slice %arg4[%dma_start3A_181] : memref<102400xf32, #tpu.memory_space<hbm>> -> memref<102400xf32, #tpu.memory_space<hbm>>
    tpu.enqueue_indirect_dma source(%dma_start3A_182 : memref<102400xf32, #tpu.memory_space<hbm>>) target(%dma_start3A_177 : memref<128xf32, #tpu.memory_space<vmem>>) offsets(%dma_start3A_180 : memref<128xi32, #tpu.memory_space<vmem>>) semaphore(%arg15 : memref<!tpu.dma_semaphore, #tpu.memory_space<semaphore_mem>>)
    %scan3A = arith.constant 0 : i32
    %scan3A_183 = arith.constant 0 : i32
    %scan3A_184 = arith.constant 1562 : i32
    %scan3A_185 = arith.addi %scan3A_183, %scan3A_184 : i32
    %scan3A_186 = arith.constant 1 : i32
    scf.for %scan3A_206 = %scan3A_183 to %scan3A_185 step %scan3A_186  : i32 {
      %add3A_207 = arith.constant 2 : i32
      %add3A_208 = arith.addi %scan3A_206, %add3A_207 : i32
      %lt3A_209 = arith.constant 1562 : i32
      %lt3A_210 = arith.cmpi slt, %add3A_208, %lt3A_209 : i32
      %convert_element_type3A_211 = arith.extui %lt3A_210 : i1 to i32
      %cond3A_212 = arith.constant 0 : i32
      %cond3A_213 = arith.cmpi ne, %convert_element_type3A_211, %cond3A_212 : i32
      scf.if %cond3A_213 {
        %add3A_285 = arith.constant 2 : i32
        %add3A_286 = arith.addi %scan3A_206, %add3A_285 : i32
        %jit3A_287 = arith.constant 8 : i32
        %eq3A_288 = arith.constant 0 : i32
        %eq3A_289 = arith.cmpi eq, %jit3A_287, %eq3A_288 : i32
        %jit3A_290 = arith.constant 1 : i32
        %select_n3A_291 = arith.select %eq3A_289, %jit3A_290, %jit3A_287 : i32
        %rem3A_292 = arith.remsi %add3A_286, %select_n3A_291 : i32
        %ne3A_293 = arith.constant 0 : i32
        %ne3A_294 = arith.cmpi ne, %rem3A_292, %ne3A_293 : i32
        %lt3A_295 = arith.constant 0 : i32
        %lt3A_296 = arith.cmpi slt, %rem3A_292, %lt3A_295 : i32
        %lt3A_297 = arith.constant 0 : i32
        %lt3A_298 = arith.cmpi slt, %select_n3A_291, %lt3A_297 : i32
        %ne3A_299 = arith.xori %lt3A_296, %lt3A_298 : i1
        %and3A_300 = arith.andi %ne3A_299, %ne3A_294 : i1
        %add3A_301 = arith.addi %rem3A_292, %select_n3A_291 : i32
        %select_n3A_302 = arith.select %and3A_300, %add3A_301, %rem3A_292 : i32
        %dma_wait3A_303 = arith.constant 0 : i32
        %dma_wait3A_304 = arith.constant 0 : i32
        %dma_wait3A_305 = tpu.memref_slice %arg10[%select_n3A_302, %dma_wait3A_303, %dma_wait3A_304] : memref<8x2x128xi32, #tpu.memory_space<vmem>> -> memref<1x2x128xi32, #tpu.memory_space<vmem>>
        %dma_wait3A_306 = tpu.memref_squeeze %dma_wait3A_305 : memref<1x2x128xi32, #tpu.memory_space<vmem>> -> memref<2x128xi32, #tpu.memory_space<vmem>>
        %dma_wait3A_307 = arith.constant 0 : i32
        %dma_wait3A_308 = arith.constant 0 : i32
        %dma_wait3A_309 = tpu.memref_slice %arg5[%dma_wait3A_307, %dma_wait3A_308] : memref<100000x128xi32, #tpu.memory_space<hbm>> -> memref<2x128xi32, #tpu.memory_space<hbm>>
        %dma_wait3A_310 = arith.constant 0 : i32
        %dma_wait3A_311 = arith.constant 0 : i32
        %dma_wait3A_312 = tpu.memref_slice %arg10[%select_n3A_302, %dma_wait3A_310, %dma_wait3A_311] : memref<8x2x128xi32, #tpu.memory_space<vmem>> -> memref<1x2x128xi32, #tpu.memory_space<vmem>>
        %dma_wait3A_313 = tpu.memref_squeeze %dma_wait3A_312 : memref<1x2x128xi32, #tpu.memory_space<vmem>> -> memref<2x128xi32, #tpu.memory_space<vmem>>
        %dma_wait3A_314 = arith.constant 0 : i32
        %dma_wait3A_315 = arith.constant 0 : i32
        %dma_wait3A_316 = tpu.memref_slice %arg5[%dma_wait3A_314, %dma_wait3A_315] : memref<100000x128xi32, #tpu.memory_space<hbm>> -> memref<2x128xi32, #tpu.memory_space<hbm>>
        tpu.wait_dma2 semaphore(%arg14 : memref<!tpu.dma_semaphore, #tpu.memory_space<semaphore_mem>>) src(%dma_wait3A_316 : memref<2x128xi32, #tpu.memory_space<hbm>>) dst(%dma_wait3A_313 : memref<2x128xi32, #tpu.memory_space<vmem>>)
        %add3A_317 = arith.constant 2 : i32
        %add3A_318 = arith.addi %scan3A_206, %add3A_317 : i32
        %jit3A_319 = arith.constant 8 : i32
        %eq3A_320 = arith.constant 0 : i32
        %eq3A_321 = arith.cmpi eq, %jit3A_319, %eq3A_320 : i32
        %jit3A_322 = arith.constant 1 : i32
        %select_n3A_323 = arith.select %eq3A_321, %jit3A_322, %jit3A_319 : i32
        %rem3A_324 = arith.remsi %add3A_318, %select_n3A_323 : i32
        %ne3A_325 = arith.constant 0 : i32
        %ne3A_326 = arith.cmpi ne, %rem3A_324, %ne3A_325 : i32
        %lt3A_327 = arith.constant 0 : i32
        %lt3A_328 = arith.cmpi slt, %rem3A_324, %lt3A_327 : i32
        %lt3A_329 = arith.constant 0 : i32
        %lt3A_330 = arith.cmpi slt, %select_n3A_323, %lt3A_329 : i32
        %ne3A_331 = arith.xori %lt3A_328, %lt3A_330 : i1
        %and3A_332 = arith.andi %ne3A_331, %ne3A_326 : i1
        %add3A_333 = arith.addi %rem3A_324, %select_n3A_323 : i32
        %select_n3A_334 = arith.select %and3A_332, %add3A_333, %rem3A_324 : i32
        %dma_start3A_335 = arith.constant 0 : i32
        %dma_start3A_336 = arith.constant 0 : i32
        %dma_start3A_337 = arith.constant 0 : i32
        %dma_start3A_338 = tpu.memref_slice %arg11[%select_n3A_334, %dma_start3A_336, %dma_start3A_337] : memref<8x2x128xf32, #tpu.memory_space<vmem>> -> memref<1x1x128xf32, #tpu.memory_space<vmem>>
        %dma_start3A_339 = tpu.memref_squeeze %dma_start3A_338 : memref<1x1x128xf32, #tpu.memory_space<vmem>> -> memref<128xf32, #tpu.memory_space<vmem>>
        %dma_start3A_340 = arith.constant 0 : i32
        %dma_start3A_341 = tpu.memref_slice %arg10[%select_n3A_334, %dma_start3A_335, %dma_start3A_340] : memref<8x2x128xi32, #tpu.memory_space<vmem>> -> memref<1x1x128xi32, #tpu.memory_space<vmem>>
        %dma_start3A_342 = tpu.memref_squeeze %dma_start3A_341 : memref<1x1x128xi32, #tpu.memory_space<vmem>> -> memref<128xi32, #tpu.memory_space<vmem>>
        %dma_start3A_343 = arith.constant 0 : i32
        %dma_start3A_344 = tpu.memref_slice %arg3[%dma_start3A_343] : memref<102400xf32, #tpu.memory_space<hbm>> -> memref<102400xf32, #tpu.memory_space<hbm>>
        tpu.enqueue_indirect_dma source(%dma_start3A_344 : memref<102400xf32, #tpu.memory_space<hbm>>) target(%dma_start3A_339 : memref<128xf32, #tpu.memory_space<vmem>>) offsets(%dma_start3A_342 : memref<128xi32, #tpu.memory_space<vmem>>) semaphore(%arg15 : memref<!tpu.dma_semaphore, #tpu.memory_space<semaphore_mem>>)
        %dma_start3A_345 = arith.constant 0 : i32
        %dma_start3A_346 = arith.constant 1 : i32
        %dma_start3A_347 = arith.constant 0 : i32
        %dma_start3A_348 = tpu.memref_slice %arg11[%select_n3A_334, %dma_start3A_346, %dma_start3A_347] : memref<8x2x128xf32, #tpu.memory_space<vmem>> -> memref<1x1x128xf32, #tpu.memory_space<vmem>>
        %dma_start3A_349 = tpu.memref_squeeze %dma_start3A_348 : memref<1x1x128xf32, #tpu.memory_space<vmem>> -> memref<128xf32, #tpu.memory_space<vmem>>
        %dma_start3A_350 = arith.constant 0 : i32
        %dma_start3A_351 = tpu.memref_slice %arg10[%select_n3A_334, %dma_start3A_345, %dma_start3A_350] : memref<8x2x128xi32, #tpu.memory_space<vmem>> -> memref<1x1x128xi32, #tpu.memory_space<vmem>>
        %dma_start3A_352 = tpu.memref_squeeze %dma_start3A_351 : memref<1x1x128xi32, #tpu.memory_space<vmem>> -> memref<128xi32, #tpu.memory_space<vmem>>
        %dma_start3A_353 = arith.constant 0 : i32
        %dma_start3A_354 = tpu.memref_slice %arg4[%dma_start3A_353] : memref<102400xf32, #tpu.memory_space<hbm>> -> memref<102400xf32, #tpu.memory_space<hbm>>
        tpu.enqueue_indirect_dma source(%dma_start3A_354 : memref<102400xf32, #tpu.memory_space<hbm>>) target(%dma_start3A_349 : memref<128xf32, #tpu.memory_space<vmem>>) offsets(%dma_start3A_352 : memref<128xi32, #tpu.memory_space<vmem>>) semaphore(%arg15 : memref<!tpu.dma_semaphore, #tpu.memory_space<semaphore_mem>>)
      } else {
      }
      %add3A_214 = arith.constant 6 : i32
      %add3A_215 = arith.addi %scan3A_206, %add3A_214 : i32
      %lt3A_216 = arith.constant 1562 : i32
      %lt3A_217 = arith.cmpi slt, %add3A_215, %lt3A_216 : i32
      %convert_element_type3A_218 = arith.extui %lt3A_217 : i1 to i32
      %cond3A_219 = arith.constant 0 : i32
      %cond3A_220 = arith.cmpi ne, %convert_element_type3A_218, %cond3A_219 : i32
      scf.if %cond3A_220 {
        %add3A_285 = arith.addi %mul3A_2, %scan3A_206 : i32
        %add3A_286 = arith.constant 6 : i32
        %add3A_287 = arith.addi %add3A_285, %add3A_286 : i32
        %add3A_288 = arith.constant 6 : i32
        %add3A_289 = arith.addi %scan3A_206, %add3A_288 : i32
        %jit3A_290 = arith.constant 8 : i32
        %eq3A_291 = arith.constant 0 : i32
        %eq3A_292 = arith.cmpi eq, %jit3A_290, %eq3A_291 : i32
        %jit3A_293 = arith.constant 1 : i32
        %select_n3A_294 = arith.select %eq3A_292, %jit3A_293, %jit3A_290 : i32
        %rem3A_295 = arith.remsi %add3A_289, %select_n3A_294 : i32
        %ne3A_296 = arith.constant 0 : i32
        %ne3A_297 = arith.cmpi ne, %rem3A_295, %ne3A_296 : i32
        %lt3A_298 = arith.constant 0 : i32
        %lt3A_299 = arith.cmpi slt, %rem3A_295, %lt3A_298 : i32
        %lt3A_300 = arith.constant 0 : i32
        %lt3A_301 = arith.cmpi slt, %select_n3A_294, %lt3A_300 : i32
        %ne3A_302 = arith.xori %lt3A_299, %lt3A_301 : i1
        %and3A_303 = arith.andi %ne3A_302, %ne3A_297 : i1
        %add3A_304 = arith.addi %rem3A_295, %select_n3A_294 : i32
        %select_n3A_305 = arith.select %and3A_303, %add3A_304, %rem3A_295 : i32
        %mul3A_306 = arith.constant 2 : i32
        %mul3A_307 = arith.muli %mul3A_306, %add3A_287 : i32
        %dma_start3A_308 = arith.constant 0 : i32
        %dma_start3A_309 = arith.constant 0 : i32
        %dma_start3A_310 = tpu.memref_slice %arg10[%select_n3A_305, %dma_start3A_308, %dma_start3A_309] : memref<8x2x128xi32, #tpu.memory_space<vmem>> -> memref<1x2x128xi32, #tpu.memory_space<vmem>>
        %dma_start3A_311 = tpu.memref_squeeze %dma_start3A_310 : memref<1x2x128xi32, #tpu.memory_space<vmem>> -> memref<2x128xi32, #tpu.memory_space<vmem>>
        %dma_start3A_312 = arith.constant 0 : i32
        %dma_start3A_313 = tpu.memref_slice %arg5[%mul3A_307, %dma_start3A_312] : memref<100000x128xi32, #tpu.memory_space<hbm>> -> memref<2x128xi32, #tpu.memory_space<hbm>>
        %dma_start3A_314 = arith.constant 0 : i32
        %dma_start3A_315 = arith.constant 0 : i32
        %dma_start3A_316 = tpu.memref_slice %arg10[%select_n3A_305, %dma_start3A_314, %dma_start3A_315] : memref<8x2x128xi32, #tpu.memory_space<vmem>> -> memref<1x2x128xi32, #tpu.memory_space<vmem>>
        %dma_start3A_317 = tpu.memref_squeeze %dma_start3A_316 : memref<1x2x128xi32, #tpu.memory_space<vmem>> -> memref<2x128xi32, #tpu.memory_space<vmem>>
        %dma_start3A_318 = arith.constant 0 : i32
        %dma_start3A_319 = tpu.memref_slice %arg5[%mul3A_307, %dma_start3A_318] : memref<100000x128xi32, #tpu.memory_space<hbm>> -> memref<2x128xi32, #tpu.memory_space<hbm>>
        tpu.enqueue_dma source(%dma_start3A_319 : memref<2x128xi32, #tpu.memory_space<hbm>>) target(%dma_start3A_317 : memref<2x128xi32, #tpu.memory_space<vmem>>) target_semaphore(%arg14 : memref<!tpu.dma_semaphore, #tpu.memory_space<semaphore_mem>>)
      } else {
      }
      %jit3A = arith.constant 8 : i32
      %eq3A_221 = arith.constant 0 : i32
      %eq3A_222 = arith.cmpi eq, %jit3A, %eq3A_221 : i32
      %jit3A_223 = arith.constant 1 : i32
      %select_n3A = arith.select %eq3A_222, %jit3A_223, %jit3A : i32
      %rem3A = arith.remsi %scan3A_206, %select_n3A : i32
      %ne3A = arith.constant 0 : i32
      %ne3A_224 = arith.cmpi ne, %rem3A, %ne3A : i32
      %lt3A_225 = arith.constant 0 : i32
      %lt3A_226 = arith.cmpi slt, %rem3A, %lt3A_225 : i32
      %lt3A_227 = arith.constant 0 : i32
      %lt3A_228 = arith.cmpi slt, %select_n3A, %lt3A_227 : i32
      %ne3A_229 = arith.xori %lt3A_226, %lt3A_228 : i1
      %and3A_230 = arith.andi %ne3A_229, %ne3A_224 : i1
      %add3A_231 = arith.addi %rem3A, %select_n3A : i32
      %select_n3A_232 = arith.select %and3A_230, %add3A_231, %rem3A : i32
      %dma_wait3A_233 = arith.constant 0 : i32
      %dma_wait3A_234 = arith.constant 0 : i32
      %dma_wait3A_235 = tpu.memref_slice %arg13[%dma_wait3A_233, %dma_wait3A_234] : memref<2x128xi32, #tpu.memory_space<vmem>> -> memref<2x128xi32, #tpu.memory_space<vmem>>
      %dma_wait3A_236 = arith.constant 0 : i32
      %dma_wait3A_237 = arith.constant 0 : i32
      %dma_wait3A_238 = tpu.memref_slice %arg5[%dma_wait3A_236, %dma_wait3A_237] : memref<100000x128xi32, #tpu.memory_space<hbm>> -> memref<2x128xi32, #tpu.memory_space<hbm>>
      %dma_wait3A_239 = arith.constant 0 : i32
      %dma_wait3A_240 = arith.constant 0 : i32
      %dma_wait3A_241 = tpu.memref_slice %arg13[%dma_wait3A_239, %dma_wait3A_240] : memref<2x128xi32, #tpu.memory_space<vmem>> -> memref<2x128xi32, #tpu.memory_space<vmem>>
      %dma_wait3A_242 = arith.constant 0 : i32
      %dma_wait3A_243 = arith.constant 0 : i32
      %dma_wait3A_244 = tpu.memref_slice %arg5[%dma_wait3A_242, %dma_wait3A_243] : memref<100000x128xi32, #tpu.memory_space<hbm>> -> memref<2x128xi32, #tpu.memory_space<hbm>>
      tpu.wait_dma2 semaphore(%arg15 : memref<!tpu.dma_semaphore, #tpu.memory_space<semaphore_mem>>) src(%dma_wait3A_244 : memref<2x128xi32, #tpu.memory_space<hbm>>) dst(%dma_wait3A_241 : memref<2x128xi32, #tpu.memory_space<vmem>>)
      %jit3A_245 = arith.constant 8 : i32
      %eq3A_246 = arith.constant 0 : i32
      %eq3A_247 = arith.cmpi eq, %jit3A_245, %eq3A_246 : i32
      %jit3A_248 = arith.constant 1 : i32
      %select_n3A_249 = arith.select %eq3A_247, %jit3A_248, %jit3A_245 : i32
      %rem3A_250 = arith.remsi %scan3A_206, %select_n3A_249 : i32
      %ne3A_251 = arith.constant 0 : i32
      %ne3A_252 = arith.cmpi ne, %rem3A_250, %ne3A_251 : i32
      %lt3A_253 = arith.constant 0 : i32
      %lt3A_254 = arith.cmpi slt, %rem3A_250, %lt3A_253 : i32
      %lt3A_255 = arith.constant 0 : i32
      %lt3A_256 = arith.cmpi slt, %select_n3A_249, %lt3A_255 : i32
      %ne3A_257 = arith.xori %lt3A_254, %lt3A_256 : i1
      %and3A_258 = arith.andi %ne3A_257, %ne3A_252 : i1
      %add3A_259 = arith.addi %rem3A_250, %select_n3A_249 : i32
      %select_n3A_260 = arith.select %and3A_258, %add3A_259, %rem3A_250 : i32
      %dma_start3A_261 = arith.constant 0 : i32
      %dma_start3A_262 = arith.constant 1 : i32
      %dma_start3A_263 = arith.constant 0 : i32
      %dma_start3A_264 = tpu.memref_slice %arg11[%select_n3A_260, %dma_start3A_261, %dma_start3A_263] : memref<8x2x128xf32, #tpu.memory_space<vmem>> -> memref<1x1x128xf32, #tpu.memory_space<vmem>>
      %dma_start3A_265 = tpu.memref_squeeze %dma_start3A_264 : memref<1x1x128xf32, #tpu.memory_space<vmem>> -> memref<128xf32, #tpu.memory_space<vmem>>
      %dma_start3A_266 = arith.constant 0 : i32
      %dma_start3A_267 = tpu.memref_slice %arg10[%select_n3A_260, %dma_start3A_262, %dma_start3A_266] : memref<8x2x128xi32, #tpu.memory_space<vmem>> -> memref<1x1x128xi32, #tpu.memory_space<vmem>>
      %dma_start3A_268 = tpu.memref_squeeze %dma_start3A_267 : memref<1x1x128xi32, #tpu.memory_space<vmem>> -> memref<128xi32, #tpu.memory_space<vmem>>
      %dma_start3A_269 = arith.constant 0 : i32
      %dma_start3A_270 = tpu.memref_slice %arg8[%dma_start3A_269] : memref<102400xf32, #tpu.memory_space<vmem_shared>> -> memref<102400xf32, #tpu.memory_space<vmem_shared>>
      tpu.enqueue_indirect_dma source(%dma_start3A_265 : memref<128xf32, #tpu.memory_space<vmem>>) target(%dma_start3A_270 : memref<102400xf32, #tpu.memory_space<vmem_shared>>) offsets(%dma_start3A_268 : memref<128xi32, #tpu.memory_space<vmem>>) semaphore(%arg16 : memref<!tpu.dma_semaphore, #tpu.memory_space<semaphore_mem>>) {add = true}
      %dma_start3A_271 = arith.constant 1 : i32
      %dma_start3A_272 = arith.constant 1 : i32
      %dma_start3A_273 = arith.constant 0 : i32
      %dma_start3A_274 = tpu.memref_slice %arg11[%select_n3A_260, %dma_start3A_271, %dma_start3A_273] : memref<8x2x128xf32, #tpu.memory_space<vmem>> -> memref<1x1x128xf32, #tpu.memory_space<vmem>>
      %dma_start3A_275 = tpu.memref_squeeze %dma_start3A_274 : memref<1x1x128xf32, #tpu.memory_space<vmem>> -> memref<128xf32, #tpu.memory_space<vmem>>
      %dma_start3A_276 = arith.constant 0 : i32
      %dma_start3A_277 = tpu.memref_slice %arg10[%select_n3A_260, %dma_start3A_272, %dma_start3A_276] : memref<8x2x128xi32, #tpu.memory_space<vmem>> -> memref<1x1x128xi32, #tpu.memory_space<vmem>>
      %dma_start3A_278 = tpu.memref_squeeze %dma_start3A_277 : memref<1x1x128xi32, #tpu.memory_space<vmem>> -> memref<128xi32, #tpu.memory_space<vmem>>
      %dma_start3A_279 = arith.constant 0 : i32
      %dma_start3A_280 = tpu.memref_slice %arg9[%dma_start3A_279] : memref<102400xf32, #tpu.memory_space<vmem_shared>> -> memref<102400xf32, #tpu.memory_space<vmem_shared>>
      tpu.enqueue_indirect_dma source(%dma_start3A_275 : memref<128xf32, #tpu.memory_space<vmem>>) target(%dma_start3A_280 : memref<102400xf32, #tpu.memory_space<vmem_shared>>) offsets(%dma_start3A_278 : memref<128xi32, #tpu.memory_space<vmem>>) semaphore(%arg16 : memref<!tpu.dma_semaphore, #tpu.memory_space<semaphore_mem>>) {add = true}
      %gt3A = arith.constant 0 : i32
      %gt3A_281 = arith.cmpi sgt, %scan3A_206, %gt3A : i32
      %convert_element_type3A_282 = arith.extui %gt3A_281 : i1 to i32
      %cond3A_283 = arith.constant 0 : i32
      %cond3A_284 = arith.cmpi ne, %convert_element_type3A_282, %cond3A_283 : i32
      scf.if %cond3A_284 {
        %sub3A = arith.constant 1 : i32
        %sub3A_285 = arith.subi %scan3A_206, %sub3A : i32
        %jit3A_286 = arith.constant 8 : i32
        %eq3A_287 = arith.constant 0 : i32
        %eq3A_288 = arith.cmpi eq, %jit3A_286, %eq3A_287 : i32
        %jit3A_289 = arith.constant 1 : i32
        %select_n3A_290 = arith.select %eq3A_288, %jit3A_289, %jit3A_286 : i32
        %rem3A_291 = arith.remsi %sub3A_285, %select_n3A_290 : i32
        %ne3A_292 = arith.constant 0 : i32
        %ne3A_293 = arith.cmpi ne, %rem3A_291, %ne3A_292 : i32
        %lt3A_294 = arith.constant 0 : i32
        %lt3A_295 = arith.cmpi slt, %rem3A_291, %lt3A_294 : i32
        %lt3A_296 = arith.constant 0 : i32
        %lt3A_297 = arith.cmpi slt, %select_n3A_290, %lt3A_296 : i32
        %ne3A_298 = arith.xori %lt3A_295, %lt3A_297 : i1
        %and3A_299 = arith.andi %ne3A_298, %ne3A_293 : i1
        %add3A_300 = arith.addi %rem3A_291, %select_n3A_290 : i32
        %select_n3A_301 = arith.select %and3A_299, %add3A_300, %rem3A_291 : i32
        %dma_wait3A_302 = arith.constant 0 : i32
        %dma_wait3A_303 = arith.constant 0 : i32
        %dma_wait3A_304 = tpu.memref_slice %arg5[%dma_wait3A_302, %dma_wait3A_303] : memref<100000x128xi32, #tpu.memory_space<hbm>> -> memref<2x128xi32, #tpu.memory_space<hbm>>
        %dma_wait3A_305 = arith.constant 0 : i32
        %dma_wait3A_306 = arith.constant 0 : i32
        %dma_wait3A_307 = tpu.memref_slice %arg5[%dma_wait3A_305, %dma_wait3A_306] : memref<100000x128xi32, #tpu.memory_space<hbm>> -> memref<2x128xi32, #tpu.memory_space<hbm>>
        tpu.wait_dma2 semaphore(%arg16 : memref<!tpu.dma_semaphore, #tpu.memory_space<semaphore_mem>>) src(%dma_wait3A_307 : memref<2x128xi32, #tpu.memory_space<hbm>>) dst(%arg13 : memref<2x128xi32, #tpu.memory_space<vmem>>)
      } else {
      }
    }
    %scan3A_187 = arith.constant 1562 : i32
    %dma_wait3A_188 = arith.constant 0 : i32
    %dma_wait3A_189 = arith.constant 0 : i32
    %dma_wait3A_190 = tpu.memref_slice %arg5[%dma_wait3A_188, %dma_wait3A_189] : memref<100000x128xi32, #tpu.memory_space<hbm>> -> memref<2x128xi32, #tpu.memory_space<hbm>>
    %dma_wait3A_191 = arith.constant 0 : i32
    %dma_wait3A_192 = arith.constant 0 : i32
    %dma_wait3A_193 = tpu.memref_slice %arg5[%dma_wait3A_191, %dma_wait3A_192] : memref<100000x128xi32, #tpu.memory_space<hbm>> -> memref<2x128xi32, #tpu.memory_space<hbm>>
    tpu.wait_dma2 semaphore(%arg16 : memref<!tpu.dma_semaphore, #tpu.memory_space<semaphore_mem>>) src(%dma_wait3A_193 : memref<2x128xi32, #tpu.memory_space<hbm>>) dst(%arg13 : memref<2x128xi32, #tpu.memory_space<vmem>>)
    %eq3A_194 = arith.constant 0 : i32
    %eq3A_195 = arith.cmpi eq, %arg0, %eq3A_194 : i32
    %lt3A = arith.constant 16 : i32
    %lt3A_196 = arith.cmpi slt, %arg1, %lt3A : i32
    %and3A = arith.andi %eq3A_195, %lt3A_196 : i1
    %convert_element_type3A_197 = arith.extui %and3A : i1 to i32
    %cond3A_198 = arith.constant 0 : i32
    %cond3A_199 = arith.cmpi ne, %convert_element_type3A_197, %cond3A_198 : i32
    scf.if %cond3A_199 {
      %add3A_206 = arith.constant 49984 : i32
      %add3A_207 = arith.addi %add3A_206, %arg1 : i32
      %mul3A_208 = arith.constant 2 : i32
      %mul3A_209 = arith.muli %mul3A_208, %add3A_207 : i32
      %dma_start3A_210 = arith.constant 0 : i32
      %dma_start3A_211 = arith.constant 0 : i32
      %dma_start3A_212 = arith.constant 0 : i32
      %dma_start3A_213 = tpu.memref_slice %arg10[%dma_start3A_210, %dma_start3A_211, %dma_start3A_212] : memref<8x2x128xi32, #tpu.memory_space<vmem>> -> memref<1x2x128xi32, #tpu.memory_space<vmem>>
      %dma_start3A_214 = tpu.memref_squeeze %dma_start3A_213 : memref<1x2x128xi32, #tpu.memory_space<vmem>> -> memref<2x128xi32, #tpu.memory_space<vmem>>
      %dma_start3A_215 = arith.constant 0 : i32
      %dma_start3A_216 = tpu.memref_slice %arg5[%mul3A_209, %dma_start3A_215] : memref<100000x128xi32, #tpu.memory_space<hbm>> -> memref<2x128xi32, #tpu.memory_space<hbm>>
      %dma_start3A_217 = arith.constant 0 : i32
      %dma_start3A_218 = arith.constant 0 : i32
      %dma_start3A_219 = tpu.memref_slice %arg10[%dma_start3A_210, %dma_start3A_217, %dma_start3A_218] : memref<8x2x128xi32, #tpu.memory_space<vmem>> -> memref<1x2x128xi32, #tpu.memory_space<vmem>>
      %dma_start3A_220 = tpu.memref_squeeze %dma_start3A_219 : memref<1x2x128xi32, #tpu.memory_space<vmem>> -> memref<2x128xi32, #tpu.memory_space<vmem>>
      %dma_start3A_221 = arith.constant 0 : i32
      %dma_start3A_222 = tpu.memref_slice %arg5[%mul3A_209, %dma_start3A_221] : memref<100000x128xi32, #tpu.memory_space<hbm>> -> memref<2x128xi32, #tpu.memory_space<hbm>>
      tpu.enqueue_dma source(%dma_start3A_222 : memref<2x128xi32, #tpu.memory_space<hbm>>) target(%dma_start3A_220 : memref<2x128xi32, #tpu.memory_space<vmem>>) target_semaphore(%arg14 : memref<!tpu.dma_semaphore, #tpu.memory_space<semaphore_mem>>)
      %dma_wait3A_223 = arith.constant 0 : i32
      %dma_wait3A_224 = arith.constant 0 : i32
      %dma_wait3A_225 = arith.constant 0 : i32
      %dma_wait3A_226 = tpu.memref_slice %arg10[%dma_wait3A_223, %dma_wait3A_224, %dma_wait3A_225] : memref<8x2x128xi32, #tpu.memory_space<vmem>> -> memref<1x2x128xi32, #tpu.memory_space<vmem>>
      %dma_wait3A_227 = tpu.memref_squeeze %dma_wait3A_226 : memref<1x2x128xi32, #tpu.memory_space<vmem>> -> memref<2x128xi32, #tpu.memory_space<vmem>>
      %dma_wait3A_228 = arith.constant 0 : i32
      %dma_wait3A_229 = arith.constant 0 : i32
      %dma_wait3A_230 = tpu.memref_slice %arg5[%dma_wait3A_228, %dma_wait3A_229] : memref<100000x128xi32, #tpu.memory_space<hbm>> -> memref<2x128xi32, #tpu.memory_space<hbm>>
      %dma_wait3A_231 = arith.constant 0 : i32
      %dma_wait3A_232 = arith.constant 0 : i32
      %dma_wait3A_233 = tpu.memref_slice %arg10[%dma_wait3A_223, %dma_wait3A_231, %dma_wait3A_232] : memref<8x2x128xi32, #tpu.memory_space<vmem>> -> memref<1x2x128xi32, #tpu.memory_space<vmem>>
      %dma_wait3A_234 = tpu.memref_squeeze %dma_wait3A_233 : memref<1x2x128xi32, #tpu.memory_space<vmem>> -> memref<2x128xi32, #tpu.memory_space<vmem>>
      %dma_wait3A_235 = arith.constant 0 : i32
      %dma_wait3A_236 = arith.constant 0 : i32
      %dma_wait3A_237 = tpu.memref_slice %arg5[%dma_wait3A_235, %dma_wait3A_236] : memref<100000x128xi32, #tpu.memory_space<hbm>> -> memref<2x128xi32, #tpu.memory_space<hbm>>
      tpu.wait_dma2 semaphore(%arg14 : memref<!tpu.dma_semaphore, #tpu.memory_space<semaphore_mem>>) src(%dma_wait3A_237 : memref<2x128xi32, #tpu.memory_space<hbm>>) dst(%dma_wait3A_234 : memref<2x128xi32, #tpu.memory_space<vmem>>)
      %dma_start3A_238 = arith.constant 0 : i32
      %dma_start3A_239 = arith.constant 0 : i32
      %dma_start3A_240 = arith.constant 0 : i32
      %dma_start3A_241 = arith.constant 0 : i32
      %dma_start3A_242 = arith.constant 0 : i32
      %dma_start3A_243 = tpu.memref_slice %arg11[%dma_start3A_240, %dma_start3A_241, %dma_start3A_242] : memref<8x2x128xf32, #tpu.memory_space<vmem>> -> memref<1x1x128xf32, #tpu.memory_space<vmem>>
      %dma_start3A_244 = tpu.memref_squeeze %dma_start3A_243 : memref<1x1x128xf32, #tpu.memory_space<vmem>> -> memref<128xf32, #tpu.memory_space<vmem>>
      %dma_start3A_245 = arith.constant 0 : i32
      %dma_start3A_246 = tpu.memref_slice %arg10[%dma_start3A_238, %dma_start3A_239, %dma_start3A_245] : memref<8x2x128xi32, #tpu.memory_space<vmem>> -> memref<1x1x128xi32, #tpu.memory_space<vmem>>
      %dma_start3A_247 = tpu.memref_squeeze %dma_start3A_246 : memref<1x1x128xi32, #tpu.memory_space<vmem>> -> memref<128xi32, #tpu.memory_space<vmem>>
      %dma_start3A_248 = arith.constant 0 : i32
      %dma_start3A_249 = tpu.memref_slice %arg3[%dma_start3A_248] : memref<102400xf32, #tpu.memory_space<hbm>> -> memref<102400xf32, #tpu.memory_space<hbm>>
      tpu.enqueue_indirect_dma source(%dma_start3A_249 : memref<102400xf32, #tpu.memory_space<hbm>>) target(%dma_start3A_244 : memref<128xf32, #tpu.memory_space<vmem>>) offsets(%dma_start3A_247 : memref<128xi32, #tpu.memory_space<vmem>>) semaphore(%arg15 : memref<!tpu.dma_semaphore, #tpu.memory_space<semaphore_mem>>)
      %dma_start3A_250 = arith.constant 0 : i32
      %dma_start3A_251 = arith.constant 0 : i32
      %dma_start3A_252 = arith.constant 0 : i32
      %dma_start3A_253 = arith.constant 1 : i32
      %dma_start3A_254 = arith.constant 0 : i32
      %dma_start3A_255 = tpu.memref_slice %arg11[%dma_start3A_252, %dma_start3A_253, %dma_start3A_254] : memref<8x2x128xf32, #tpu.memory_space<vmem>> -> memref<1x1x128xf32, #tpu.memory_space<vmem>>
      %dma_start3A_256 = tpu.memref_squeeze %dma_start3A_255 : memref<1x1x128xf32, #tpu.memory_space<vmem>> -> memref<128xf32, #tpu.memory_space<vmem>>
      %dma_start3A_257 = arith.constant 0 : i32
      %dma_start3A_258 = tpu.memref_slice %arg10[%dma_start3A_250, %dma_start3A_251, %dma_start3A_257] : memref<8x2x128xi32, #tpu.memory_space<vmem>> -> memref<1x1x128xi32, #tpu.memory_space<vmem>>
      %dma_start3A_259 = tpu.memref_squeeze %dma_start3A_258 : memref<1x1x128xi32, #tpu.memory_space<vmem>> -> memref<128xi32, #tpu.memory_space<vmem>>
      %dma_start3A_260 = arith.constant 0 : i32
      %dma_start3A_261 = tpu.memref_slice %arg4[%dma_start3A_260] : memref<102400xf32, #tpu.memory_space<hbm>> -> memref<102400xf32, #tpu.memory_space<hbm>>
      tpu.enqueue_indirect_dma source(%dma_start3A_261 : memref<102400xf32, #tpu.memory_space<hbm>>) target(%dma_start3A_256 : memref<128xf32, #tpu.memory_space<vmem>>) offsets(%dma_start3A_259 : memref<128xi32, #tpu.memory_space<vmem>>) semaphore(%arg15 : memref<!tpu.dma_semaphore, #tpu.memory_space<semaphore_mem>>)
      %dma_wait3A_262 = arith.constant 0 : i32
      %dma_wait3A_263 = arith.constant 0 : i32
      %dma_wait3A_264 = tpu.memref_slice %arg13[%dma_wait3A_262, %dma_wait3A_263] : memref<2x128xi32, #tpu.memory_space<vmem>> -> memref<2x128xi32, #tpu.memory_space<vmem>>
      %dma_wait3A_265 = arith.constant 0 : i32
      %dma_wait3A_266 = arith.constant 0 : i32
      %dma_wait3A_267 = tpu.memref_slice %arg5[%dma_wait3A_265, %dma_wait3A_266] : memref<100000x128xi32, #tpu.memory_space<hbm>> -> memref<2x128xi32, #tpu.memory_space<hbm>>
      %dma_wait3A_268 = arith.constant 0 : i32
      %dma_wait3A_269 = arith.constant 0 : i32
      %dma_wait3A_270 = tpu.memref_slice %arg13[%dma_wait3A_268, %dma_wait3A_269] : memref<2x128xi32, #tpu.memory_space<vmem>> -> memref<2x128xi32, #tpu.memory_space<vmem>>
      %dma_wait3A_271 = arith.constant 0 : i32
      %dma_wait3A_272 = arith.constant 0 : i32
      %dma_wait3A_273 = tpu.memref_slice %arg5[%dma_wait3A_271, %dma_wait3A_272] : memref<100000x128xi32, #tpu.memory_space<hbm>> -> memref<2x128xi32, #tpu.memory_space<hbm>>
      tpu.wait_dma2 semaphore(%arg15 : memref<!tpu.dma_semaphore, #tpu.memory_space<semaphore_mem>>) src(%dma_wait3A_273 : memref<2x128xi32, #tpu.memory_space<hbm>>) dst(%dma_wait3A_270 : memref<2x128xi32, #tpu.memory_space<vmem>>)
      %dma_start3A_274 = arith.constant 0 : i32
      %dma_start3A_275 = arith.constant 0 : i32
      %dma_start3A_276 = arith.constant 0 : i32
      %dma_start3A_277 = arith.constant 1 : i32
      %dma_start3A_278 = arith.constant 0 : i32
      %dma_start3A_279 = tpu.memref_slice %arg11[%dma_start3A_274, %dma_start3A_275, %dma_start3A_278] : memref<8x2x128xf32, #tpu.memory_space<vmem>> -> memref<1x1x128xf32, #tpu.memory_space<vmem>>
      %dma_start3A_280 = tpu.memref_squeeze %dma_start3A_279 : memref<1x1x128xf32, #tpu.memory_space<vmem>> -> memref<128xf32, #tpu.memory_space<vmem>>
      %dma_start3A_281 = arith.constant 0 : i32
      %dma_start3A_282 = tpu.memref_slice %arg10[%dma_start3A_276, %dma_start3A_277, %dma_start3A_281] : memref<8x2x128xi32, #tpu.memory_space<vmem>> -> memref<1x1x128xi32, #tpu.memory_space<vmem>>
      %dma_start3A_283 = tpu.memref_squeeze %dma_start3A_282 : memref<1x1x128xi32, #tpu.memory_space<vmem>> -> memref<128xi32, #tpu.memory_space<vmem>>
      %dma_start3A_284 = arith.constant 0 : i32
      %dma_start3A_285 = tpu.memref_slice %arg8[%dma_start3A_284] : memref<102400xf32, #tpu.memory_space<vmem_shared>> -> memref<102400xf32, #tpu.memory_space<vmem_shared>>
      tpu.enqueue_indirect_dma source(%dma_start3A_280 : memref<128xf32, #tpu.memory_space<vmem>>) target(%dma_start3A_285 : memref<102400xf32, #tpu.memory_space<vmem_shared>>) offsets(%dma_start3A_283 : memref<128xi32, #tpu.memory_space<vmem>>) semaphore(%arg16 : memref<!tpu.dma_semaphore, #tpu.memory_space<semaphore_mem>>) {add = true}
      %dma_start3A_286 = arith.constant 0 : i32
      %dma_start3A_287 = arith.constant 1 : i32
      %dma_start3A_288 = arith.constant 0 : i32
      %dma_start3A_289 = arith.constant 1 : i32
      %dma_start3A_290 = arith.constant 0 : i32
      %dma_start3A_291 = tpu.memref_slice %arg11[%dma_start3A_286, %dma_start3A_287, %dma_start3A_290] : memref<8x2x128xf32, #tpu.memory_space<vmem>> -> memref<1x1x128xf32, #tpu.memory_space<vmem>>
      %dma_start3A_292 = tpu.memref_squeeze %dma_start3A_291 : memref<1x1x128xf32, #tpu.memory_space<vmem>> -> memref<128xf32, #tpu.memory_space<vmem>>
      %dma_start3A_293 = arith.constant 0 : i32
      %dma_start3A_294 = tpu.memref_slice %arg10[%dma_start3A_288, %dma_start3A_289, %dma_start3A_293] : memref<8x2x128xi32, #tpu.memory_space<vmem>> -> memref<1x1x128xi32, #tpu.memory_space<vmem>>
      %dma_start3A_295 = tpu.memref_squeeze %dma_start3A_294 : memref<1x1x128xi32, #tpu.memory_space<vmem>> -> memref<128xi32, #tpu.memory_space<vmem>>
      %dma_start3A_296 = arith.constant 0 : i32
      %dma_start3A_297 = tpu.memref_slice %arg9[%dma_start3A_296] : memref<102400xf32, #tpu.memory_space<vmem_shared>> -> memref<102400xf32, #tpu.memory_space<vmem_shared>>
      tpu.enqueue_indirect_dma source(%dma_start3A_292 : memref<128xf32, #tpu.memory_space<vmem>>) target(%dma_start3A_297 : memref<102400xf32, #tpu.memory_space<vmem_shared>>) offsets(%dma_start3A_295 : memref<128xi32, #tpu.memory_space<vmem>>) semaphore(%arg16 : memref<!tpu.dma_semaphore, #tpu.memory_space<semaphore_mem>>) {add = true}
      %dma_wait3A_298 = arith.constant 0 : i32
      %dma_wait3A_299 = arith.constant 0 : i32
      %dma_wait3A_300 = tpu.memref_slice %arg5[%dma_wait3A_298, %dma_wait3A_299] : memref<100000x128xi32, #tpu.memory_space<hbm>> -> memref<2x128xi32, #tpu.memory_space<hbm>>
      %dma_wait3A_301 = arith.constant 0 : i32
      %dma_wait3A_302 = arith.constant 0 : i32
      %dma_wait3A_303 = tpu.memref_slice %arg5[%dma_wait3A_301, %dma_wait3A_302] : memref<100000x128xi32, #tpu.memory_space<hbm>> -> memref<2x128xi32, #tpu.memory_space<hbm>>
      tpu.wait_dma2 semaphore(%arg16 : memref<!tpu.dma_semaphore, #tpu.memory_space<semaphore_mem>>) src(%dma_wait3A_303 : memref<2x128xi32, #tpu.memory_space<hbm>>) dst(%arg13 : memref<2x128xi32, #tpu.memory_space<vmem>>)
    } else {
    }
    %barrier3A_200 = arith.constant 0 : index
    tpu.barrier barrier_id(%barrier3A_200)
    %eq3A_201 = arith.constant 0 : i32
    %eq3A_202 = arith.cmpi eq, %arg1, %eq3A_201 : i32
    %convert_element_type3A_203 = arith.extui %eq3A_202 : i1 to i32
    %cond3A_204 = arith.constant 0 : i32
    %cond3A_205 = arith.cmpi ne, %convert_element_type3A_203, %cond3A_204 : i32
    scf.if %cond3A_205 {
      %mul3A_206 = arith.constant 102400 : i32
      %mul3A_207 = arith.muli %arg0, %mul3A_206 : i32
      "tpu.region"() ({
        %run_scoped3A = tpu.sem_alloc : memref<!tpu.dma_semaphore, #tpu.memory_space<semaphore_mem>>
        %dma_start3A_210 = tpu.memref_slice %arg6[%mul3A_207] : memref<204800xf32, #tpu.memory_space<hbm>> -> memref<102400xf32, #tpu.memory_space<hbm>>
        tpu.enqueue_dma source(%arg8 : memref<102400xf32, #tpu.memory_space<vmem_shared>>) target(%dma_start3A_210 : memref<102400xf32, #tpu.memory_space<hbm>>) target_semaphore(%run_scoped3A : memref<!tpu.dma_semaphore, #tpu.memory_space<semaphore_mem>>)
        %dma_wait3A_211 = tpu.memref_slice %arg6[%mul3A_207] : memref<204800xf32, #tpu.memory_space<hbm>> -> memref<102400xf32, #tpu.memory_space<hbm>>
        tpu.wait_dma2 semaphore(%run_scoped3A : memref<!tpu.dma_semaphore, #tpu.memory_space<semaphore_mem>>) src(%arg8 : memref<102400xf32, #tpu.memory_space<vmem_shared>>) dst(%dma_wait3A_211 : memref<102400xf32, #tpu.memory_space<hbm>>)
        tpu.yield
      }) : () -> ()
      %mul3A_208 = arith.constant 102400 : i32
      %mul3A_209 = arith.muli %arg0, %mul3A_208 : i32
      "tpu.region"() ({
        %run_scoped3A = tpu.sem_alloc : memref<!tpu.dma_semaphore, #tpu.memory_space<semaphore_mem>>
        %dma_start3A_210 = tpu.memref_slice %arg7[%mul3A_209] : memref<204800xf32, #tpu.memory_space<hbm>> -> memref<102400xf32, #tpu.memory_space<hbm>>
        tpu.enqueue_dma source(%arg9 : memref<102400xf32, #tpu.memory_space<vmem_shared>>) target(%dma_start3A_210 : memref<102400xf32, #tpu.memory_space<hbm>>) target_semaphore(%run_scoped3A : memref<!tpu.dma_semaphore, #tpu.memory_space<semaphore_mem>>)
        %dma_wait3A_211 = tpu.memref_slice %arg7[%mul3A_209] : memref<204800xf32, #tpu.memory_space<hbm>> -> memref<102400xf32, #tpu.memory_space<hbm>>
        tpu.wait_dma2 semaphore(%run_scoped3A : memref<!tpu.dma_semaphore, #tpu.memory_space<semaphore_mem>>) src(%arg9 : memref<102400xf32, #tpu.memory_space<vmem_shared>>) dst(%dma_wait3A_211 : memref<102400xf32, #tpu.memory_space<hbm>>)
        tpu.yield
      }) : () -> ()
    } else {
    }
    return
  }
}

#map = affine_map<(d0, d1) -> (0)>
#map1 = affine_map<(d0, d1) -> (0, 0)>
module attributes {stable_mosaic.version = 14 : i64} {
  func.func @body(%arg0: i32, %arg1: i32, %arg2: memref<102400xf32, #tpu.memory_space<hbm>>, %arg3: memref<102400xf32, #tpu.memory_space<hbm>>, %arg4: memref<102400xf32, #tpu.memory_space<hbm>>, %arg5: memref<102400xf32, #tpu.memory_space<hbm>>, %arg6: memref<100000x128xi32, #tpu.memory_space<hbm>>, %arg7: memref<204800xf32, #tpu.memory_space<hbm>>, %arg8: memref<204800xf32, #tpu.memory_space<hbm>>, %arg9: memref<204800xf32, #tpu.memory_space<hbm>>, %arg10: memref<204800xf32, #tpu.memory_space<hbm>>, %arg11: memref<102400xf32, #tpu.memory_space<vmem_shared>>, %arg12: memref<102400xf32, #tpu.memory_space<vmem_shared>>, %arg13: memref<102400xf32, #tpu.memory_space<vmem_shared>>, %arg14: memref<102400xf32, #tpu.memory_space<vmem_shared>>, %arg15: memref<8x2x128xi32, #tpu.memory_space<vmem>>, %arg16: memref<8x3x128xf32, #tpu.memory_space<vmem>>, %arg17: memref<128xf32, #tpu.memory_space<vmem>>, %arg18: memref<4x128xi32, #tpu.memory_space<vmem>>, %arg19: memref<!tpu.dma_semaphore, #tpu.memory_space<semaphore_mem>>, %arg20: memref<!tpu.dma_semaphore, #tpu.memory_space<semaphore_mem>>, %arg21: memref<!tpu.dma_semaphore, #tpu.memory_space<semaphore_mem>>) attributes {dimension_semantics = [#tpu.dimension_semantics<core_parallel>, #tpu.dimension_semantics<subcore_parallel>], iteration_bounds = array<i64: 2, 16>, scalar_prefetch = 0 : i64, scratch_operands = 11 : i64, tpu.core_type = #tpu.core_type<sc_vector_subcore>, window_params = [{transform_indices = #map}, {transform_indices = #map}, {transform_indices = #map}, {transform_indices = #map}, {transform_indices = #map1}, {transform_indices = #map}, {transform_indices = #map}, {transform_indices = #map}, {transform_indices = #map}]} {
    %mul3A = arith.constant 2 : i32
    %mul3A_0 = arith.muli %arg1, %mul3A : i32
    %add3A = arith.addi %mul3A_0, %arg0 : i32
    %mul3A_1 = arith.constant 1562 : i32
    %mul3A_2 = arith.muli %add3A, %mul3A_1 : i32
    %eq3A = arith.constant 0 : i32
    %eq3A_3 = arith.cmpi eq, %arg1, %eq3A : i32
    %convert_element_type3A = arith.extui %eq3A_3 : i1 to i32
    %cond3A = arith.constant 0 : i32
    %cond3A_4 = arith.cmpi ne, %convert_element_type3A, %cond3A : i32
    scf.if %cond3A_4 {
      "tpu.region"() ({
        %run_scoped3A = tpu.sem_alloc : memref<!tpu.dma_semaphore, #tpu.memory_space<semaphore_mem>>
        tpu.enqueue_dma source(%arg2 : memref<102400xf32, #tpu.memory_space<hbm>>) target(%arg11 : memref<102400xf32, #tpu.memory_space<vmem_shared>>) target_semaphore(%run_scoped3A : memref<!tpu.dma_semaphore, #tpu.memory_space<semaphore_mem>>)
        tpu.wait_dma2 semaphore(%run_scoped3A : memref<!tpu.dma_semaphore, #tpu.memory_space<semaphore_mem>>) src(%arg2 : memref<102400xf32, #tpu.memory_space<hbm>>) dst(%arg11 : memref<102400xf32, #tpu.memory_space<vmem_shared>>)
        tpu.yield
      }) : () -> ()
      "tpu.region"() ({
        %run_scoped3A = tpu.sem_alloc : memref<!tpu.dma_semaphore, #tpu.memory_space<semaphore_mem>>
        tpu.enqueue_dma source(%arg2 : memref<102400xf32, #tpu.memory_space<hbm>>) target(%arg12 : memref<102400xf32, #tpu.memory_space<vmem_shared>>) target_semaphore(%run_scoped3A : memref<!tpu.dma_semaphore, #tpu.memory_space<semaphore_mem>>)
        tpu.wait_dma2 semaphore(%run_scoped3A : memref<!tpu.dma_semaphore, #tpu.memory_space<semaphore_mem>>) src(%arg2 : memref<102400xf32, #tpu.memory_space<hbm>>) dst(%arg12 : memref<102400xf32, #tpu.memory_space<vmem_shared>>)
        tpu.yield
      }) : () -> ()
      "tpu.region"() ({
        %run_scoped3A = tpu.sem_alloc : memref<!tpu.dma_semaphore, #tpu.memory_space<semaphore_mem>>
        tpu.enqueue_dma source(%arg2 : memref<102400xf32, #tpu.memory_space<hbm>>) target(%arg13 : memref<102400xf32, #tpu.memory_space<vmem_shared>>) target_semaphore(%run_scoped3A : memref<!tpu.dma_semaphore, #tpu.memory_space<semaphore_mem>>)
        tpu.wait_dma2 semaphore(%run_scoped3A : memref<!tpu.dma_semaphore, #tpu.memory_space<semaphore_mem>>) src(%arg2 : memref<102400xf32, #tpu.memory_space<hbm>>) dst(%arg13 : memref<102400xf32, #tpu.memory_space<vmem_shared>>)
        tpu.yield
      }) : () -> ()
      "tpu.region"() ({
        %run_scoped3A = tpu.sem_alloc : memref<!tpu.dma_semaphore, #tpu.memory_space<semaphore_mem>>
        tpu.enqueue_dma source(%arg2 : memref<102400xf32, #tpu.memory_space<hbm>>) target(%arg14 : memref<102400xf32, #tpu.memory_space<vmem_shared>>) target_semaphore(%run_scoped3A : memref<!tpu.dma_semaphore, #tpu.memory_space<semaphore_mem>>)
        tpu.wait_dma2 semaphore(%run_scoped3A : memref<!tpu.dma_semaphore, #tpu.memory_space<semaphore_mem>>) src(%arg2 : memref<102400xf32, #tpu.memory_space<hbm>>) dst(%arg14 : memref<102400xf32, #tpu.memory_space<vmem_shared>>)
        tpu.yield
      }) : () -> ()
    } else {
    }
    %broadcast_in_dim3A = arith.constant 1.000000e+00 : f32
    %broadcast_in_dim3A_5 = vector.broadcast %broadcast_in_dim3A : f32 to vector<16xf32>
    %swap3A = arith.constant 0 : index
    %swap3A_6 = tpu.vector_load %arg17[%swap3A] {strides = array<i32>} : memref<128xf32, #tpu.memory_space<vmem>>, vector<16xf32>,
    %swap3A_7 = vector.shape_cast %swap3A_6 : vector<16xf32> to vector<16xf32>
    %swap3A_8 = vector.shape_cast %broadcast_in_dim3A_5 : vector<16xf32> to vector<16xf32>
    tpu.vector_store %arg17[%swap3A], %swap3A_8 {strides = array<i32>} : memref<128xf32, #tpu.memory_space<vmem>>, vector<16xf32>,
    %swap3A_9 = arith.constant 16 : index
    %swap3A_10 = tpu.vector_load %arg17[%swap3A_9] {strides = array<i32>} : memref<128xf32, #tpu.memory_space<vmem>>, vector<16xf32>,
    %swap3A_11 = vector.shape_cast %swap3A_10 : vector<16xf32> to vector<16xf32>
    %swap3A_12 = vector.shape_cast %broadcast_in_dim3A_5 : vector<16xf32> to vector<16xf32>
    tpu.vector_store %arg17[%swap3A_9], %swap3A_12 {strides = array<i32>} : memref<128xf32, #tpu.memory_space<vmem>>, vector<16xf32>,
    %swap3A_13 = arith.constant 32 : index
    %swap3A_14 = tpu.vector_load %arg17[%swap3A_13] {strides = array<i32>} : memref<128xf32, #tpu.memory_space<vmem>>, vector<16xf32>,
    %swap3A_15 = vector.shape_cast %swap3A_14 : vector<16xf32> to vector<16xf32>
    %swap3A_16 = vector.shape_cast %broadcast_in_dim3A_5 : vector<16xf32> to vector<16xf32>
    tpu.vector_store %arg17[%swap3A_13], %swap3A_16 {strides = array<i32>} : memref<128xf32, #tpu.memory_space<vmem>>, vector<16xf32>,
    %swap3A_17 = arith.constant 48 : index
    %swap3A_18 = tpu.vector_load %arg17[%swap3A_17] {strides = array<i32>} : memref<128xf32, #tpu.memory_space<vmem>>, vector<16xf32>,
    %swap3A_19 = vector.shape_cast %swap3A_18 : vector<16xf32> to vector<16xf32>
    %swap3A_20 = vector.shape_cast %broadcast_in_dim3A_5 : vector<16xf32> to vector<16xf32>
    tpu.vector_store %arg17[%swap3A_17], %swap3A_20 {strides = array<i32>} : memref<128xf32, #tpu.memory_space<vmem>>, vector<16xf32>,
    %swap3A_21 = arith.constant 64 : index
    %swap3A_22 = tpu.vector_load %arg17[%swap3A_21] {strides = array<i32>} : memref<128xf32, #tpu.memory_space<vmem>>, vector<16xf32>,
    %swap3A_23 = vector.shape_cast %swap3A_22 : vector<16xf32> to vector<16xf32>
    %swap3A_24 = vector.shape_cast %broadcast_in_dim3A_5 : vector<16xf32> to vector<16xf32>
    tpu.vector_store %arg17[%swap3A_21], %swap3A_24 {strides = array<i32>} : memref<128xf32, #tpu.memory_space<vmem>>, vector<16xf32>,
    %swap3A_25 = arith.constant 80 : index
    %swap3A_26 = tpu.vector_load %arg17[%swap3A_25] {strides = array<i32>} : memref<128xf32, #tpu.memory_space<vmem>>, vector<16xf32>,
    %swap3A_27 = vector.shape_cast %swap3A_26 : vector<16xf32> to vector<16xf32>
    %swap3A_28 = vector.shape_cast %broadcast_in_dim3A_5 : vector<16xf32> to vector<16xf32>
    tpu.vector_store %arg17[%swap3A_25], %swap3A_28 {strides = array<i32>} : memref<128xf32, #tpu.memory_space<vmem>>, vector<16xf32>,
    %swap3A_29 = arith.constant 96 : index
    %swap3A_30 = tpu.vector_load %arg17[%swap3A_29] {strides = array<i32>} : memref<128xf32, #tpu.memory_space<vmem>>, vector<16xf32>,
    %swap3A_31 = vector.shape_cast %swap3A_30 : vector<16xf32> to vector<16xf32>
    %swap3A_32 = vector.shape_cast %broadcast_in_dim3A_5 : vector<16xf32> to vector<16xf32>
    tpu.vector_store %arg17[%swap3A_29], %swap3A_32 {strides = array<i32>} : memref<128xf32, #tpu.memory_space<vmem>>, vector<16xf32>,
    %swap3A_33 = arith.constant 112 : index
    %swap3A_34 = tpu.vector_load %arg17[%swap3A_33] {strides = array<i32>} : memref<128xf32, #tpu.memory_space<vmem>>, vector<16xf32>,
    %swap3A_35 = vector.shape_cast %swap3A_34 : vector<16xf32> to vector<16xf32>
    %swap3A_36 = vector.shape_cast %broadcast_in_dim3A_5 : vector<16xf32> to vector<16xf32>
    tpu.vector_store %arg17[%swap3A_33], %swap3A_36 {strides = array<i32>} : memref<128xf32, #tpu.memory_space<vmem>>, vector<16xf32>,
    %barrier3A = arith.constant 0 : index
    tpu.barrier barrier_id(%barrier3A)
    %add3A_37 = arith.constant 0 : i32
    %add3A_38 = arith.addi %mul3A_2, %add3A_37 : i32
    %mul3A_39 = arith.constant 2 : i32
    %mul3A_40 = arith.muli %mul3A_39, %add3A_38 : i32
    %dma_start3A = arith.constant 0 : i32
    %dma_start3A_41 = arith.constant 0 : i32
    %dma_start3A_42 = arith.constant 0 : i32
    %dma_start3A_43 = tpu.memref_slice %arg15[%dma_start3A, %dma_start3A_41, %dma_start3A_42] : memref<8x2x128xi32, #tpu.memory_space<vmem>> -> memref<1x2x128xi32, #tpu.memory_space<vmem>>
    %dma_start3A_44 = tpu.memref_squeeze %dma_start3A_43 : memref<1x2x128xi32, #tpu.memory_space<vmem>> -> memref<2x128xi32, #tpu.memory_space<vmem>>
    %dma_start3A_45 = arith.constant 0 : i32
    %dma_start3A_46 = tpu.memref_slice %arg6[%mul3A_40, %dma_start3A_45] : memref<100000x128xi32, #tpu.memory_space<hbm>> -> memref<2x128xi32, #tpu.memory_space<hbm>>
    %dma_start3A_47 = arith.constant 0 : i32
    %dma_start3A_48 = arith.constant 0 : i32
    %dma_start3A_49 = tpu.memref_slice %arg15[%dma_start3A, %dma_start3A_47, %dma_start3A_48] : memref<8x2x128xi32, #tpu.memory_space<vmem>> -> memref<1x2x128xi32, #tpu.memory_space<vmem>>
    %dma_start3A_50 = tpu.memref_squeeze %dma_start3A_49 : memref<1x2x128xi32, #tpu.memory_space<vmem>> -> memref<2x128xi32, #tpu.memory_space<vmem>>
    %dma_start3A_51 = arith.constant 0 : i32
    %dma_start3A_52 = tpu.memref_slice %arg6[%mul3A_40, %dma_start3A_51] : memref<100000x128xi32, #tpu.memory_space<hbm>> -> memref<2x128xi32, #tpu.memory_space<hbm>>
    tpu.enqueue_dma source(%dma_start3A_52 : memref<2x128xi32, #tpu.memory_space<hbm>>) target(%dma_start3A_50 : memref<2x128xi32, #tpu.memory_space<vmem>>) target_semaphore(%arg19 : memref<!tpu.dma_semaphore, #tpu.memory_space<semaphore_mem>>)
    %add3A_53 = arith.constant 1 : i32
    %add3A_54 = arith.addi %mul3A_2, %add3A_53 : i32
    %mul3A_55 = arith.constant 2 : i32
    %mul3A_56 = arith.muli %mul3A_55, %add3A_54 : i32
    %dma_start3A_57 = arith.constant 1 : i32
    %dma_start3A_58 = arith.constant 0 : i32
    %dma_start3A_59 = arith.constant 0 : i32
    %dma_start3A_60 = tpu.memref_slice %arg15[%dma_start3A_57, %dma_start3A_58, %dma_start3A_59] : memref<8x2x128xi32, #tpu.memory_space<vmem>> -> memref<1x2x128xi32, #tpu.memory_space<vmem>>
    %dma_start3A_61 = tpu.memref_squeeze %dma_start3A_60 : memref<1x2x128xi32, #tpu.memory_space<vmem>> -> memref<2x128xi32, #tpu.memory_space<vmem>>
    %dma_start3A_62 = arith.constant 0 : i32
    %dma_start3A_63 = tpu.memref_slice %arg6[%mul3A_56, %dma_start3A_62] : memref<100000x128xi32, #tpu.memory_space<hbm>> -> memref<2x128xi32, #tpu.memory_space<hbm>>
    %dma_start3A_64 = arith.constant 0 : i32
    %dma_start3A_65 = arith.constant 0 : i32
    %dma_start3A_66 = tpu.memref_slice %arg15[%dma_start3A_57, %dma_start3A_64, %dma_start3A_65] : memref<8x2x128xi32, #tpu.memory_space<vmem>> -> memref<1x2x128xi32, #tpu.memory_space<vmem>>
    %dma_start3A_67 = tpu.memref_squeeze %dma_start3A_66 : memref<1x2x128xi32, #tpu.memory_space<vmem>> -> memref<2x128xi32, #tpu.memory_space<vmem>>
    %dma_start3A_68 = arith.constant 0 : i32
    %dma_start3A_69 = tpu.memref_slice %arg6[%mul3A_56, %dma_start3A_68] : memref<100000x128xi32, #tpu.memory_space<hbm>> -> memref<2x128xi32, #tpu.memory_space<hbm>>
    tpu.enqueue_dma source(%dma_start3A_69 : memref<2x128xi32, #tpu.memory_space<hbm>>) target(%dma_start3A_67 : memref<2x128xi32, #tpu.memory_space<vmem>>) target_semaphore(%arg19 : memref<!tpu.dma_semaphore, #tpu.memory_space<semaphore_mem>>)
    %add3A_70 = arith.constant 2 : i32
    %add3A_71 = arith.addi %mul3A_2, %add3A_70 : i32
    %mul3A_72 = arith.constant 2 : i32
    %mul3A_73 = arith.muli %mul3A_72, %add3A_71 : i32
    %dma_start3A_74 = arith.constant 2 : i32
    %dma_start3A_75 = arith.constant 0 : i32
    %dma_start3A_76 = arith.constant 0 : i32
    %dma_start3A_77 = tpu.memref_slice %arg15[%dma_start3A_74, %dma_start3A_75, %dma_start3A_76] : memref<8x2x128xi32, #tpu.memory_space<vmem>> -> memref<1x2x128xi32, #tpu.memory_space<vmem>>
    %dma_start3A_78 = tpu.memref_squeeze %dma_start3A_77 : memref<1x2x128xi32, #tpu.memory_space<vmem>> -> memref<2x128xi32, #tpu.memory_space<vmem>>
    %dma_start3A_79 = arith.constant 0 : i32
    %dma_start3A_80 = tpu.memref_slice %arg6[%mul3A_73, %dma_start3A_79] : memref<100000x128xi32, #tpu.memory_space<hbm>> -> memref<2x128xi32, #tpu.memory_space<hbm>>
    %dma_start3A_81 = arith.constant 0 : i32
    %dma_start3A_82 = arith.constant 0 : i32
    %dma_start3A_83 = tpu.memref_slice %arg15[%dma_start3A_74, %dma_start3A_81, %dma_start3A_82] : memref<8x2x128xi32, #tpu.memory_space<vmem>> -> memref<1x2x128xi32, #tpu.memory_space<vmem>>
    %dma_start3A_84 = tpu.memref_squeeze %dma_start3A_83 : memref<1x2x128xi32, #tpu.memory_space<vmem>> -> memref<2x128xi32, #tpu.memory_space<vmem>>
    %dma_start3A_85 = arith.constant 0 : i32
    %dma_start3A_86 = tpu.memref_slice %arg6[%mul3A_73, %dma_start3A_85] : memref<100000x128xi32, #tpu.memory_space<hbm>> -> memref<2x128xi32, #tpu.memory_space<hbm>>
    tpu.enqueue_dma source(%dma_start3A_86 : memref<2x128xi32, #tpu.memory_space<hbm>>) target(%dma_start3A_84 : memref<2x128xi32, #tpu.memory_space<vmem>>) target_semaphore(%arg19 : memref<!tpu.dma_semaphore, #tpu.memory_space<semaphore_mem>>)
    %add3A_87 = arith.constant 3 : i32
    %add3A_88 = arith.addi %mul3A_2, %add3A_87 : i32
    %mul3A_89 = arith.constant 2 : i32
    %mul3A_90 = arith.muli %mul3A_89, %add3A_88 : i32
    %dma_start3A_91 = arith.constant 3 : i32
    %dma_start3A_92 = arith.constant 0 : i32
    %dma_start3A_93 = arith.constant 0 : i32
    %dma_start3A_94 = tpu.memref_slice %arg15[%dma_start3A_91, %dma_start3A_92, %dma_start3A_93] : memref<8x2x128xi32, #tpu.memory_space<vmem>> -> memref<1x2x128xi32, #tpu.memory_space<vmem>>
    %dma_start3A_95 = tpu.memref_squeeze %dma_start3A_94 : memref<1x2x128xi32, #tpu.memory_space<vmem>> -> memref<2x128xi32, #tpu.memory_space<vmem>>
    %dma_start3A_96 = arith.constant 0 : i32
    %dma_start3A_97 = tpu.memref_slice %arg6[%mul3A_90, %dma_start3A_96] : memref<100000x128xi32, #tpu.memory_space<hbm>> -> memref<2x128xi32, #tpu.memory_space<hbm>>
    %dma_start3A_98 = arith.constant 0 : i32
    %dma_start3A_99 = arith.constant 0 : i32
    %dma_start3A_100 = tpu.memref_slice %arg15[%dma_start3A_91, %dma_start3A_98, %dma_start3A_99] : memref<8x2x128xi32, #tpu.memory_space<vmem>> -> memref<1x2x128xi32, #tpu.memory_space<vmem>>
    %dma_start3A_101 = tpu.memref_squeeze %dma_start3A_100 : memref<1x2x128xi32, #tpu.memory_space<vmem>> -> memref<2x128xi32, #tpu.memory_space<vmem>>
    %dma_start3A_102 = arith.constant 0 : i32
    %dma_start3A_103 = tpu.memref_slice %arg6[%mul3A_90, %dma_start3A_102] : memref<100000x128xi32, #tpu.memory_space<hbm>> -> memref<2x128xi32, #tpu.memory_space<hbm>>
    tpu.enqueue_dma source(%dma_start3A_103 : memref<2x128xi32, #tpu.memory_space<hbm>>) target(%dma_start3A_101 : memref<2x128xi32, #tpu.memory_space<vmem>>) target_semaphore(%arg19 : memref<!tpu.dma_semaphore, #tpu.memory_space<semaphore_mem>>)
    %add3A_104 = arith.constant 4 : i32
    %add3A_105 = arith.addi %mul3A_2, %add3A_104 : i32
    %mul3A_106 = arith.constant 2 : i32
    %mul3A_107 = arith.muli %mul3A_106, %add3A_105 : i32
    %dma_start3A_108 = arith.constant 4 : i32
    %dma_start3A_109 = arith.constant 0 : i32
    %dma_start3A_110 = arith.constant 0 : i32
    %dma_start3A_111 = tpu.memref_slice %arg15[%dma_start3A_108, %dma_start3A_109, %dma_start3A_110] : memref<8x2x128xi32, #tpu.memory_space<vmem>> -> memref<1x2x128xi32, #tpu.memory_space<vmem>>
    %dma_start3A_112 = tpu.memref_squeeze %dma_start3A_111 : memref<1x2x128xi32, #tpu.memory_space<vmem>> -> memref<2x128xi32, #tpu.memory_space<vmem>>
    %dma_start3A_113 = arith.constant 0 : i32
    %dma_start3A_114 = tpu.memref_slice %arg6[%mul3A_107, %dma_start3A_113] : memref<100000x128xi32, #tpu.memory_space<hbm>> -> memref<2x128xi32, #tpu.memory_space<hbm>>
    %dma_start3A_115 = arith.constant 0 : i32
    %dma_start3A_116 = arith.constant 0 : i32
    %dma_start3A_117 = tpu.memref_slice %arg15[%dma_start3A_108, %dma_start3A_115, %dma_start3A_116] : memref<8x2x128xi32, #tpu.memory_space<vmem>> -> memref<1x2x128xi32, #tpu.memory_space<vmem>>
    %dma_start3A_118 = tpu.memref_squeeze %dma_start3A_117 : memref<1x2x128xi32, #tpu.memory_space<vmem>> -> memref<2x128xi32, #tpu.memory_space<vmem>>
    %dma_start3A_119 = arith.constant 0 : i32
    %dma_start3A_120 = tpu.memref_slice %arg6[%mul3A_107, %dma_start3A_119] : memref<100000x128xi32, #tpu.memory_space<hbm>> -> memref<2x128xi32, #tpu.memory_space<hbm>>
    tpu.enqueue_dma source(%dma_start3A_120 : memref<2x128xi32, #tpu.memory_space<hbm>>) target(%dma_start3A_118 : memref<2x128xi32, #tpu.memory_space<vmem>>) target_semaphore(%arg19 : memref<!tpu.dma_semaphore, #tpu.memory_space<semaphore_mem>>)
    %add3A_121 = arith.constant 5 : i32
    %add3A_122 = arith.addi %mul3A_2, %add3A_121 : i32
    %mul3A_123 = arith.constant 2 : i32
    %mul3A_124 = arith.muli %mul3A_123, %add3A_122 : i32
    %dma_start3A_125 = arith.constant 5 : i32
    %dma_start3A_126 = arith.constant 0 : i32
    %dma_start3A_127 = arith.constant 0 : i32
    %dma_start3A_128 = tpu.memref_slice %arg15[%dma_start3A_125, %dma_start3A_126, %dma_start3A_127] : memref<8x2x128xi32, #tpu.memory_space<vmem>> -> memref<1x2x128xi32, #tpu.memory_space<vmem>>
    %dma_start3A_129 = tpu.memref_squeeze %dma_start3A_128 : memref<1x2x128xi32, #tpu.memory_space<vmem>> -> memref<2x128xi32, #tpu.memory_space<vmem>>
    %dma_start3A_130 = arith.constant 0 : i32
    %dma_start3A_131 = tpu.memref_slice %arg6[%mul3A_124, %dma_start3A_130] : memref<100000x128xi32, #tpu.memory_space<hbm>> -> memref<2x128xi32, #tpu.memory_space<hbm>>
    %dma_start3A_132 = arith.constant 0 : i32
    %dma_start3A_133 = arith.constant 0 : i32
    %dma_start3A_134 = tpu.memref_slice %arg15[%dma_start3A_125, %dma_start3A_132, %dma_start3A_133] : memref<8x2x128xi32, #tpu.memory_space<vmem>> -> memref<1x2x128xi32, #tpu.memory_space<vmem>>
    %dma_start3A_135 = tpu.memref_squeeze %dma_start3A_134 : memref<1x2x128xi32, #tpu.memory_space<vmem>> -> memref<2x128xi32, #tpu.memory_space<vmem>>
    %dma_start3A_136 = arith.constant 0 : i32
    %dma_start3A_137 = tpu.memref_slice %arg6[%mul3A_124, %dma_start3A_136] : memref<100000x128xi32, #tpu.memory_space<hbm>> -> memref<2x128xi32, #tpu.memory_space<hbm>>
    tpu.enqueue_dma source(%dma_start3A_137 : memref<2x128xi32, #tpu.memory_space<hbm>>) target(%dma_start3A_135 : memref<2x128xi32, #tpu.memory_space<vmem>>) target_semaphore(%arg19 : memref<!tpu.dma_semaphore, #tpu.memory_space<semaphore_mem>>)
    %dma_wait3A = arith.constant 0 : i32
    %dma_wait3A_138 = arith.constant 0 : i32
    %dma_wait3A_139 = arith.constant 0 : i32
    %dma_wait3A_140 = tpu.memref_slice %arg15[%dma_wait3A, %dma_wait3A_138, %dma_wait3A_139] : memref<8x2x128xi32, #tpu.memory_space<vmem>> -> memref<1x2x128xi32, #tpu.memory_space<vmem>>
    %dma_wait3A_141 = tpu.memref_squeeze %dma_wait3A_140 : memref<1x2x128xi32, #tpu.memory_space<vmem>> -> memref<2x128xi32, #tpu.memory_space<vmem>>
    %dma_wait3A_142 = arith.constant 0 : i32
    %dma_wait3A_143 = arith.constant 0 : i32
    %dma_wait3A_144 = tpu.memref_slice %arg6[%dma_wait3A_142, %dma_wait3A_143] : memref<100000x128xi32, #tpu.memory_space<hbm>> -> memref<2x128xi32, #tpu.memory_space<hbm>>
    %dma_wait3A_145 = arith.constant 0 : i32
    %dma_wait3A_146 = arith.constant 0 : i32
    %dma_wait3A_147 = tpu.memref_slice %arg15[%dma_wait3A, %dma_wait3A_145, %dma_wait3A_146] : memref<8x2x128xi32, #tpu.memory_space<vmem>> -> memref<1x2x128xi32, #tpu.memory_space<vmem>>
    %dma_wait3A_148 = tpu.memref_squeeze %dma_wait3A_147 : memref<1x2x128xi32, #tpu.memory_space<vmem>> -> memref<2x128xi32, #tpu.memory_space<vmem>>
    %dma_wait3A_149 = arith.constant 0 : i32
    %dma_wait3A_150 = arith.constant 0 : i32
    %dma_wait3A_151 = tpu.memref_slice %arg6[%dma_wait3A_149, %dma_wait3A_150] : memref<100000x128xi32, #tpu.memory_space<hbm>> -> memref<2x128xi32, #tpu.memory_space<hbm>>
    tpu.wait_dma2 semaphore(%arg19 : memref<!tpu.dma_semaphore, #tpu.memory_space<semaphore_mem>>) src(%dma_wait3A_151 : memref<2x128xi32, #tpu.memory_space<hbm>>) dst(%dma_wait3A_148 : memref<2x128xi32, #tpu.memory_space<vmem>>)
    %dma_start3A_152 = arith.constant 0 : i32
    %dma_start3A_153 = arith.constant 0 : i32
    %dma_start3A_154 = arith.constant 0 : i32
    %dma_start3A_155 = arith.constant 0 : i32
    %dma_start3A_156 = arith.constant 0 : i32
    %dma_start3A_157 = tpu.memref_slice %arg16[%dma_start3A_154, %dma_start3A_155, %dma_start3A_156] : memref<8x3x128xf32, #tpu.memory_space<vmem>> -> memref<1x1x128xf32, #tpu.memory_space<vmem>>
    %dma_start3A_158 = tpu.memref_squeeze %dma_start3A_157 : memref<1x1x128xf32, #tpu.memory_space<vmem>> -> memref<128xf32, #tpu.memory_space<vmem>>
    %dma_start3A_159 = arith.constant 0 : i32
    %dma_start3A_160 = tpu.memref_slice %arg15[%dma_start3A_152, %dma_start3A_153, %dma_start3A_159] : memref<8x2x128xi32, #tpu.memory_space<vmem>> -> memref<1x1x128xi32, #tpu.memory_space<vmem>>
    %dma_start3A_161 = tpu.memref_squeeze %dma_start3A_160 : memref<1x1x128xi32, #tpu.memory_space<vmem>> -> memref<128xi32, #tpu.memory_space<vmem>>
    %dma_start3A_162 = arith.constant 0 : i32
    %dma_start3A_163 = tpu.memref_slice %arg3[%dma_start3A_162] : memref<102400xf32, #tpu.memory_space<hbm>> -> memref<102400xf32, #tpu.memory_space<hbm>>
    tpu.enqueue_indirect_dma source(%dma_start3A_163 : memref<102400xf32, #tpu.memory_space<hbm>>) target(%dma_start3A_158 : memref<128xf32, #tpu.memory_space<vmem>>) offsets(%dma_start3A_161 : memref<128xi32, #tpu.memory_space<vmem>>) semaphore(%arg20 : memref<!tpu.dma_semaphore, #tpu.memory_space<semaphore_mem>>)
    %dma_start3A_164 = arith.constant 0 : i32
    %dma_start3A_165 = arith.constant 0 : i32
    %dma_start3A_166 = arith.constant 0 : i32
    %dma_start3A_167 = arith.constant 1 : i32
    %dma_start3A_168 = arith.constant 0 : i32
    %dma_start3A_169 = tpu.memref_slice %arg16[%dma_start3A_166, %dma_start3A_167, %dma_start3A_168] : memref<8x3x128xf32, #tpu.memory_space<vmem>> -> memref<1x1x128xf32, #tpu.memory_space<vmem>>
    %dma_start3A_170 = tpu.memref_squeeze %dma_start3A_169 : memref<1x1x128xf32, #tpu.memory_space<vmem>> -> memref<128xf32, #tpu.memory_space<vmem>>
    %dma_start3A_171 = arith.constant 0 : i32
    %dma_start3A_172 = tpu.memref_slice %arg15[%dma_start3A_164, %dma_start3A_165, %dma_start3A_171] : memref<8x2x128xi32, #tpu.memory_space<vmem>> -> memref<1x1x128xi32, #tpu.memory_space<vmem>>
    %dma_start3A_173 = tpu.memref_squeeze %dma_start3A_172 : memref<1x1x128xi32, #tpu.memory_space<vmem>> -> memref<128xi32, #tpu.memory_space<vmem>>
    %dma_start3A_174 = arith.constant 0 : i32
    %dma_start3A_175 = tpu.memref_slice %arg4[%dma_start3A_174] : memref<102400xf32, #tpu.memory_space<hbm>> -> memref<102400xf32, #tpu.memory_space<hbm>>
    tpu.enqueue_indirect_dma source(%dma_start3A_175 : memref<102400xf32, #tpu.memory_space<hbm>>) target(%dma_start3A_170 : memref<128xf32, #tpu.memory_space<vmem>>) offsets(%dma_start3A_173 : memref<128xi32, #tpu.memory_space<vmem>>) semaphore(%arg20 : memref<!tpu.dma_semaphore, #tpu.memory_space<semaphore_mem>>)
    %dma_start3A_176 = arith.constant 0 : i32
    %dma_start3A_177 = arith.constant 0 : i32
    %dma_start3A_178 = arith.constant 0 : i32
    %dma_start3A_179 = arith.constant 2 : i32
    %dma_start3A_180 = arith.constant 0 : i32
    %dma_start3A_181 = tpu.memref_slice %arg16[%dma_start3A_178, %dma_start3A_179, %dma_start3A_180] : memref<8x3x128xf32, #tpu.memory_space<vmem>> -> memref<1x1x128xf32, #tpu.memory_space<vmem>>
    %dma_start3A_182 = tpu.memref_squeeze %dma_start3A_181 : memref<1x1x128xf32, #tpu.memory_space<vmem>> -> memref<128xf32, #tpu.memory_space<vmem>>
    %dma_start3A_183 = arith.constant 0 : i32
    %dma_start3A_184 = tpu.memref_slice %arg15[%dma_start3A_176, %dma_start3A_177, %dma_start3A_183] : memref<8x2x128xi32, #tpu.memory_space<vmem>> -> memref<1x1x128xi32, #tpu.memory_space<vmem>>
    %dma_start3A_185 = tpu.memref_squeeze %dma_start3A_184 : memref<1x1x128xi32, #tpu.memory_space<vmem>> -> memref<128xi32, #tpu.memory_space<vmem>>
    %dma_start3A_186 = arith.constant 0 : i32
    %dma_start3A_187 = tpu.memref_slice %arg5[%dma_start3A_186] : memref<102400xf32, #tpu.memory_space<hbm>> -> memref<102400xf32, #tpu.memory_space<hbm>>
    tpu.enqueue_indirect_dma source(%dma_start3A_187 : memref<102400xf32, #tpu.memory_space<hbm>>) target(%dma_start3A_182 : memref<128xf32, #tpu.memory_space<vmem>>) offsets(%dma_start3A_185 : memref<128xi32, #tpu.memory_space<vmem>>) semaphore(%arg20 : memref<!tpu.dma_semaphore, #tpu.memory_space<semaphore_mem>>)
    %dma_wait3A_188 = arith.constant 1 : i32
    %dma_wait3A_189 = arith.constant 0 : i32
    %dma_wait3A_190 = arith.constant 0 : i32
    %dma_wait3A_191 = tpu.memref_slice %arg15[%dma_wait3A_188, %dma_wait3A_189, %dma_wait3A_190] : memref<8x2x128xi32, #tpu.memory_space<vmem>> -> memref<1x2x128xi32, #tpu.memory_space<vmem>>
    %dma_wait3A_192 = tpu.memref_squeeze %dma_wait3A_191 : memref<1x2x128xi32, #tpu.memory_space<vmem>> -> memref<2x128xi32, #tpu.memory_space<vmem>>
    %dma_wait3A_193 = arith.constant 0 : i32
    %dma_wait3A_194 = arith.constant 0 : i32
    %dma_wait3A_195 = tpu.memref_slice %arg6[%dma_wait3A_193, %dma_wait3A_194] : memref<100000x128xi32, #tpu.memory_space<hbm>> -> memref<2x128xi32, #tpu.memory_space<hbm>>
    %dma_wait3A_196 = arith.constant 0 : i32
    %dma_wait3A_197 = arith.constant 0 : i32
    %dma_wait3A_198 = tpu.memref_slice %arg15[%dma_wait3A_188, %dma_wait3A_196, %dma_wait3A_197] : memref<8x2x128xi32, #tpu.memory_space<vmem>> -> memref<1x2x128xi32, #tpu.memory_space<vmem>>
    %dma_wait3A_199 = tpu.memref_squeeze %dma_wait3A_198 : memref<1x2x128xi32, #tpu.memory_space<vmem>> -> memref<2x128xi32, #tpu.memory_space<vmem>>
    %dma_wait3A_200 = arith.constant 0 : i32
    %dma_wait3A_201 = arith.constant 0 : i32
    %dma_wait3A_202 = tpu.memref_slice %arg6[%dma_wait3A_200, %dma_wait3A_201] : memref<100000x128xi32, #tpu.memory_space<hbm>> -> memref<2x128xi32, #tpu.memory_space<hbm>>
    tpu.wait_dma2 semaphore(%arg19 : memref<!tpu.dma_semaphore, #tpu.memory_space<semaphore_mem>>) src(%dma_wait3A_202 : memref<2x128xi32, #tpu.memory_space<hbm>>) dst(%dma_wait3A_199 : memref<2x128xi32, #tpu.memory_space<vmem>>)
    %dma_start3A_203 = arith.constant 1 : i32
    %dma_start3A_204 = arith.constant 0 : i32
    %dma_start3A_205 = arith.constant 1 : i32
    %dma_start3A_206 = arith.constant 0 : i32
    %dma_start3A_207 = arith.constant 0 : i32
    %dma_start3A_208 = tpu.memref_slice %arg16[%dma_start3A_205, %dma_start3A_206, %dma_start3A_207] : memref<8x3x128xf32, #tpu.memory_space<vmem>> -> memref<1x1x128xf32, #tpu.memory_space<vmem>>
    %dma_start3A_209 = tpu.memref_squeeze %dma_start3A_208 : memref<1x1x128xf32, #tpu.memory_space<vmem>> -> memref<128xf32, #tpu.memory_space<vmem>>
    %dma_start3A_210 = arith.constant 0 : i32
    %dma_start3A_211 = tpu.memref_slice %arg15[%dma_start3A_203, %dma_start3A_204, %dma_start3A_210] : memref<8x2x128xi32, #tpu.memory_space<vmem>> -> memref<1x1x128xi32, #tpu.memory_space<vmem>>
    %dma_start3A_212 = tpu.memref_squeeze %dma_start3A_211 : memref<1x1x128xi32, #tpu.memory_space<vmem>> -> memref<128xi32, #tpu.memory_space<vmem>>
    %dma_start3A_213 = arith.constant 0 : i32
    %dma_start3A_214 = tpu.memref_slice %arg3[%dma_start3A_213] : memref<102400xf32, #tpu.memory_space<hbm>> -> memref<102400xf32, #tpu.memory_space<hbm>>
    tpu.enqueue_indirect_dma source(%dma_start3A_214 : memref<102400xf32, #tpu.memory_space<hbm>>) target(%dma_start3A_209 : memref<128xf32, #tpu.memory_space<vmem>>) offsets(%dma_start3A_212 : memref<128xi32, #tpu.memory_space<vmem>>) semaphore(%arg20 : memref<!tpu.dma_semaphore, #tpu.memory_space<semaphore_mem>>)
    %dma_start3A_215 = arith.constant 1 : i32
    %dma_start3A_216 = arith.constant 0 : i32
    %dma_start3A_217 = arith.constant 1 : i32
    %dma_start3A_218 = arith.constant 1 : i32
    %dma_start3A_219 = arith.constant 0 : i32
    %dma_start3A_220 = tpu.memref_slice %arg16[%dma_start3A_217, %dma_start3A_218, %dma_start3A_219] : memref<8x3x128xf32, #tpu.memory_space<vmem>> -> memref<1x1x128xf32, #tpu.memory_space<vmem>>
    %dma_start3A_221 = tpu.memref_squeeze %dma_start3A_220 : memref<1x1x128xf32, #tpu.memory_space<vmem>> -> memref<128xf32, #tpu.memory_space<vmem>>
    %dma_start3A_222 = arith.constant 0 : i32
    %dma_start3A_223 = tpu.memref_slice %arg15[%dma_start3A_215, %dma_start3A_216, %dma_start3A_222] : memref<8x2x128xi32, #tpu.memory_space<vmem>> -> memref<1x1x128xi32, #tpu.memory_space<vmem>>
    %dma_start3A_224 = tpu.memref_squeeze %dma_start3A_223 : memref<1x1x128xi32, #tpu.memory_space<vmem>> -> memref<128xi32, #tpu.memory_space<vmem>>
    %dma_start3A_225 = arith.constant 0 : i32
    %dma_start3A_226 = tpu.memref_slice %arg4[%dma_start3A_225] : memref<102400xf32, #tpu.memory_space<hbm>> -> memref<102400xf32, #tpu.memory_space<hbm>>
    tpu.enqueue_indirect_dma source(%dma_start3A_226 : memref<102400xf32, #tpu.memory_space<hbm>>) target(%dma_start3A_221 : memref<128xf32, #tpu.memory_space<vmem>>) offsets(%dma_start3A_224 : memref<128xi32, #tpu.memory_space<vmem>>) semaphore(%arg20 : memref<!tpu.dma_semaphore, #tpu.memory_space<semaphore_mem>>)
    %dma_start3A_227 = arith.constant 1 : i32
    %dma_start3A_228 = arith.constant 0 : i32
    %dma_start3A_229 = arith.constant 1 : i32
    %dma_start3A_230 = arith.constant 2 : i32
    %dma_start3A_231 = arith.constant 0 : i32
    %dma_start3A_232 = tpu.memref_slice %arg16[%dma_start3A_229, %dma_start3A_230, %dma_start3A_231] : memref<8x3x128xf32, #tpu.memory_space<vmem>> -> memref<1x1x128xf32, #tpu.memory_space<vmem>>
    %dma_start3A_233 = tpu.memref_squeeze %dma_start3A_232 : memref<1x1x128xf32, #tpu.memory_space<vmem>> -> memref<128xf32, #tpu.memory_space<vmem>>
    %dma_start3A_234 = arith.constant 0 : i32
    %dma_start3A_235 = tpu.memref_slice %arg15[%dma_start3A_227, %dma_start3A_228, %dma_start3A_234] : memref<8x2x128xi32, #tpu.memory_space<vmem>> -> memref<1x1x128xi32, #tpu.memory_space<vmem>>
    %dma_start3A_236 = tpu.memref_squeeze %dma_start3A_235 : memref<1x1x128xi32, #tpu.memory_space<vmem>> -> memref<128xi32, #tpu.memory_space<vmem>>
    %dma_start3A_237 = arith.constant 0 : i32
    %dma_start3A_238 = tpu.memref_slice %arg5[%dma_start3A_237] : memref<102400xf32, #tpu.memory_space<hbm>> -> memref<102400xf32, #tpu.memory_space<hbm>>
    tpu.enqueue_indirect_dma source(%dma_start3A_238 : memref<102400xf32, #tpu.memory_space<hbm>>) target(%dma_start3A_233 : memref<128xf32, #tpu.memory_space<vmem>>) offsets(%dma_start3A_236 : memref<128xi32, #tpu.memory_space<vmem>>) semaphore(%arg20 : memref<!tpu.dma_semaphore, #tpu.memory_space<semaphore_mem>>)
    %scan3A = arith.constant 0 : i32
    %scan3A_239 = arith.constant 0 : i32
    %scan3A_240 = arith.constant 1562 : i32
    %scan3A_241 = arith.addi %scan3A_239, %scan3A_240 : i32
    %scan3A_242 = arith.constant 1 : i32
    scf.for %scan3A_262 = %scan3A_239 to %scan3A_241 step %scan3A_242  : i32 {
      %add3A_263 = arith.constant 2 : i32
      %add3A_264 = arith.addi %scan3A_262, %add3A_263 : i32
      %lt3A_265 = arith.constant 1562 : i32
      %lt3A_266 = arith.cmpi slt, %add3A_264, %lt3A_265 : i32
      %convert_element_type3A_267 = arith.extui %lt3A_266 : i1 to i32
      %cond3A_268 = arith.constant 0 : i32
      %cond3A_269 = arith.cmpi ne, %convert_element_type3A_267, %cond3A_268 : i32
      scf.if %cond3A_269 {
        %add3A_357 = arith.constant 2 : i32
        %add3A_358 = arith.addi %scan3A_262, %add3A_357 : i32
        %jit3A_359 = arith.constant 8 : i32
        %eq3A_360 = arith.constant 0 : i32
        %eq3A_361 = arith.cmpi eq, %jit3A_359, %eq3A_360 : i32
        %jit3A_362 = arith.constant 1 : i32
        %select_n3A_363 = arith.select %eq3A_361, %jit3A_362, %jit3A_359 : i32
        %rem3A_364 = arith.remsi %add3A_358, %select_n3A_363 : i32
        %ne3A_365 = arith.constant 0 : i32
        %ne3A_366 = arith.cmpi ne, %rem3A_364, %ne3A_365 : i32
        %lt3A_367 = arith.constant 0 : i32
        %lt3A_368 = arith.cmpi slt, %rem3A_364, %lt3A_367 : i32
        %lt3A_369 = arith.constant 0 : i32
        %lt3A_370 = arith.cmpi slt, %select_n3A_363, %lt3A_369 : i32
        %ne3A_371 = arith.xori %lt3A_368, %lt3A_370 : i1
        %and3A_372 = arith.andi %ne3A_371, %ne3A_366 : i1
        %add3A_373 = arith.addi %rem3A_364, %select_n3A_363 : i32
        %select_n3A_374 = arith.select %and3A_372, %add3A_373, %rem3A_364 : i32
        %dma_wait3A_375 = arith.constant 0 : i32
        %dma_wait3A_376 = arith.constant 0 : i32
        %dma_wait3A_377 = tpu.memref_slice %arg15[%select_n3A_374, %dma_wait3A_375, %dma_wait3A_376] : memref<8x2x128xi32, #tpu.memory_space<vmem>> -> memref<1x2x128xi32, #tpu.memory_space<vmem>>
        %dma_wait3A_378 = tpu.memref_squeeze %dma_wait3A_377 : memref<1x2x128xi32, #tpu.memory_space<vmem>> -> memref<2x128xi32, #tpu.memory_space<vmem>>
        %dma_wait3A_379 = arith.constant 0 : i32
        %dma_wait3A_380 = arith.constant 0 : i32
        %dma_wait3A_381 = tpu.memref_slice %arg6[%dma_wait3A_379, %dma_wait3A_380] : memref<100000x128xi32, #tpu.memory_space<hbm>> -> memref<2x128xi32, #tpu.memory_space<hbm>>
        %dma_wait3A_382 = arith.constant 0 : i32
        %dma_wait3A_383 = arith.constant 0 : i32
        %dma_wait3A_384 = tpu.memref_slice %arg15[%select_n3A_374, %dma_wait3A_382, %dma_wait3A_383] : memref<8x2x128xi32, #tpu.memory_space<vmem>> -> memref<1x2x128xi32, #tpu.memory_space<vmem>>
        %dma_wait3A_385 = tpu.memref_squeeze %dma_wait3A_384 : memref<1x2x128xi32, #tpu.memory_space<vmem>> -> memref<2x128xi32, #tpu.memory_space<vmem>>
        %dma_wait3A_386 = arith.constant 0 : i32
        %dma_wait3A_387 = arith.constant 0 : i32
        %dma_wait3A_388 = tpu.memref_slice %arg6[%dma_wait3A_386, %dma_wait3A_387] : memref<100000x128xi32, #tpu.memory_space<hbm>> -> memref<2x128xi32, #tpu.memory_space<hbm>>
        tpu.wait_dma2 semaphore(%arg19 : memref<!tpu.dma_semaphore, #tpu.memory_space<semaphore_mem>>) src(%dma_wait3A_388 : memref<2x128xi32, #tpu.memory_space<hbm>>) dst(%dma_wait3A_385 : memref<2x128xi32, #tpu.memory_space<vmem>>)
        %add3A_389 = arith.constant 2 : i32
        %add3A_390 = arith.addi %scan3A_262, %add3A_389 : i32
        %jit3A_391 = arith.constant 8 : i32
        %eq3A_392 = arith.constant 0 : i32
        %eq3A_393 = arith.cmpi eq, %jit3A_391, %eq3A_392 : i32
        %jit3A_394 = arith.constant 1 : i32
        %select_n3A_395 = arith.select %eq3A_393, %jit3A_394, %jit3A_391 : i32
        %rem3A_396 = arith.remsi %add3A_390, %select_n3A_395 : i32
        %ne3A_397 = arith.constant 0 : i32
        %ne3A_398 = arith.cmpi ne, %rem3A_396, %ne3A_397 : i32
        %lt3A_399 = arith.constant 0 : i32
        %lt3A_400 = arith.cmpi slt, %rem3A_396, %lt3A_399 : i32
        %lt3A_401 = arith.constant 0 : i32
        %lt3A_402 = arith.cmpi slt, %select_n3A_395, %lt3A_401 : i32
        %ne3A_403 = arith.xori %lt3A_400, %lt3A_402 : i1
        %and3A_404 = arith.andi %ne3A_403, %ne3A_398 : i1
        %add3A_405 = arith.addi %rem3A_396, %select_n3A_395 : i32
        %select_n3A_406 = arith.select %and3A_404, %add3A_405, %rem3A_396 : i32
        %dma_start3A_407 = arith.constant 0 : i32
        %dma_start3A_408 = arith.constant 0 : i32
        %dma_start3A_409 = arith.constant 0 : i32
        %dma_start3A_410 = tpu.memref_slice %arg16[%select_n3A_406, %dma_start3A_408, %dma_start3A_409] : memref<8x3x128xf32, #tpu.memory_space<vmem>> -> memref<1x1x128xf32, #tpu.memory_space<vmem>>
        %dma_start3A_411 = tpu.memref_squeeze %dma_start3A_410 : memref<1x1x128xf32, #tpu.memory_space<vmem>> -> memref<128xf32, #tpu.memory_space<vmem>>
        %dma_start3A_412 = arith.constant 0 : i32
        %dma_start3A_413 = tpu.memref_slice %arg15[%select_n3A_406, %dma_start3A_407, %dma_start3A_412] : memref<8x2x128xi32, #tpu.memory_space<vmem>> -> memref<1x1x128xi32, #tpu.memory_space<vmem>>
        %dma_start3A_414 = tpu.memref_squeeze %dma_start3A_413 : memref<1x1x128xi32, #tpu.memory_space<vmem>> -> memref<128xi32, #tpu.memory_space<vmem>>
        %dma_start3A_415 = arith.constant 0 : i32
        %dma_start3A_416 = tpu.memref_slice %arg3[%dma_start3A_415] : memref<102400xf32, #tpu.memory_space<hbm>> -> memref<102400xf32, #tpu.memory_space<hbm>>
        tpu.enqueue_indirect_dma source(%dma_start3A_416 : memref<102400xf32, #tpu.memory_space<hbm>>) target(%dma_start3A_411 : memref<128xf32, #tpu.memory_space<vmem>>) offsets(%dma_start3A_414 : memref<128xi32, #tpu.memory_space<vmem>>) semaphore(%arg20 : memref<!tpu.dma_semaphore, #tpu.memory_space<semaphore_mem>>)
        %dma_start3A_417 = arith.constant 0 : i32
        %dma_start3A_418 = arith.constant 1 : i32
        %dma_start3A_419 = arith.constant 0 : i32
        %dma_start3A_420 = tpu.memref_slice %arg16[%select_n3A_406, %dma_start3A_418, %dma_start3A_419] : memref<8x3x128xf32, #tpu.memory_space<vmem>> -> memref<1x1x128xf32, #tpu.memory_space<vmem>>
        %dma_start3A_421 = tpu.memref_squeeze %dma_start3A_420 : memref<1x1x128xf32, #tpu.memory_space<vmem>> -> memref<128xf32, #tpu.memory_space<vmem>>
        %dma_start3A_422 = arith.constant 0 : i32
        %dma_start3A_423 = tpu.memref_slice %arg15[%select_n3A_406, %dma_start3A_417, %dma_start3A_422] : memref<8x2x128xi32, #tpu.memory_space<vmem>> -> memref<1x1x128xi32, #tpu.memory_space<vmem>>
        %dma_start3A_424 = tpu.memref_squeeze %dma_start3A_423 : memref<1x1x128xi32, #tpu.memory_space<vmem>> -> memref<128xi32, #tpu.memory_space<vmem>>
        %dma_start3A_425 = arith.constant 0 : i32
        %dma_start3A_426 = tpu.memref_slice %arg4[%dma_start3A_425] : memref<102400xf32, #tpu.memory_space<hbm>> -> memref<102400xf32, #tpu.memory_space<hbm>>
        tpu.enqueue_indirect_dma source(%dma_start3A_426 : memref<102400xf32, #tpu.memory_space<hbm>>) target(%dma_start3A_421 : memref<128xf32, #tpu.memory_space<vmem>>) offsets(%dma_start3A_424 : memref<128xi32, #tpu.memory_space<vmem>>) semaphore(%arg20 : memref<!tpu.dma_semaphore, #tpu.memory_space<semaphore_mem>>)
        %dma_start3A_427 = arith.constant 0 : i32
        %dma_start3A_428 = arith.constant 2 : i32
        %dma_start3A_429 = arith.constant 0 : i32
        %dma_start3A_430 = tpu.memref_slice %arg16[%select_n3A_406, %dma_start3A_428, %dma_start3A_429] : memref<8x3x128xf32, #tpu.memory_space<vmem>> -> memref<1x1x128xf32, #tpu.memory_space<vmem>>
        %dma_start3A_431 = tpu.memref_squeeze %dma_start3A_430 : memref<1x1x128xf32, #tpu.memory_space<vmem>> -> memref<128xf32, #tpu.memory_space<vmem>>
        %dma_start3A_432 = arith.constant 0 : i32
        %dma_start3A_433 = tpu.memref_slice %arg15[%select_n3A_406, %dma_start3A_427, %dma_start3A_432] : memref<8x2x128xi32, #tpu.memory_space<vmem>> -> memref<1x1x128xi32, #tpu.memory_space<vmem>>
        %dma_start3A_434 = tpu.memref_squeeze %dma_start3A_433 : memref<1x1x128xi32, #tpu.memory_space<vmem>> -> memref<128xi32, #tpu.memory_space<vmem>>
        %dma_start3A_435 = arith.constant 0 : i32
        %dma_start3A_436 = tpu.memref_slice %arg5[%dma_start3A_435] : memref<102400xf32, #tpu.memory_space<hbm>> -> memref<102400xf32, #tpu.memory_space<hbm>>
        tpu.enqueue_indirect_dma source(%dma_start3A_436 : memref<102400xf32, #tpu.memory_space<hbm>>) target(%dma_start3A_431 : memref<128xf32, #tpu.memory_space<vmem>>) offsets(%dma_start3A_434 : memref<128xi32, #tpu.memory_space<vmem>>) semaphore(%arg20 : memref<!tpu.dma_semaphore, #tpu.memory_space<semaphore_mem>>)
      } else {
      }
      %add3A_270 = arith.constant 6 : i32
      %add3A_271 = arith.addi %scan3A_262, %add3A_270 : i32
      %lt3A_272 = arith.constant 1562 : i32
      %lt3A_273 = arith.cmpi slt, %add3A_271, %lt3A_272 : i32
      %convert_element_type3A_274 = arith.extui %lt3A_273 : i1 to i32
      %cond3A_275 = arith.constant 0 : i32
      %cond3A_276 = arith.cmpi ne, %convert_element_type3A_274, %cond3A_275 : i32
      scf.if %cond3A_276 {
        %add3A_357 = arith.addi %mul3A_2, %scan3A_262 : i32
        %add3A_358 = arith.constant 6 : i32
        %add3A_359 = arith.addi %add3A_357, %add3A_358 : i32
        %add3A_360 = arith.constant 6 : i32
        %add3A_361 = arith.addi %scan3A_262, %add3A_360 : i32
        %jit3A_362 = arith.constant 8 : i32
        %eq3A_363 = arith.constant 0 : i32
        %eq3A_364 = arith.cmpi eq, %jit3A_362, %eq3A_363 : i32
        %jit3A_365 = arith.constant 1 : i32
        %select_n3A_366 = arith.select %eq3A_364, %jit3A_365, %jit3A_362 : i32
        %rem3A_367 = arith.remsi %add3A_361, %select_n3A_366 : i32
        %ne3A_368 = arith.constant 0 : i32
        %ne3A_369 = arith.cmpi ne, %rem3A_367, %ne3A_368 : i32
        %lt3A_370 = arith.constant 0 : i32
        %lt3A_371 = arith.cmpi slt, %rem3A_367, %lt3A_370 : i32
        %lt3A_372 = arith.constant 0 : i32
        %lt3A_373 = arith.cmpi slt, %select_n3A_366, %lt3A_372 : i32
        %ne3A_374 = arith.xori %lt3A_371, %lt3A_373 : i1
        %and3A_375 = arith.andi %ne3A_374, %ne3A_369 : i1
        %add3A_376 = arith.addi %rem3A_367, %select_n3A_366 : i32
        %select_n3A_377 = arith.select %and3A_375, %add3A_376, %rem3A_367 : i32
        %mul3A_378 = arith.constant 2 : i32
        %mul3A_379 = arith.muli %mul3A_378, %add3A_359 : i32
        %dma_start3A_380 = arith.constant 0 : i32
        %dma_start3A_381 = arith.constant 0 : i32
        %dma_start3A_382 = tpu.memref_slice %arg15[%select_n3A_377, %dma_start3A_380, %dma_start3A_381] : memref<8x2x128xi32, #tpu.memory_space<vmem>> -> memref<1x2x128xi32, #tpu.memory_space<vmem>>
        %dma_start3A_383 = tpu.memref_squeeze %dma_start3A_382 : memref<1x2x128xi32, #tpu.memory_space<vmem>> -> memref<2x128xi32, #tpu.memory_space<vmem>>
        %dma_start3A_384 = arith.constant 0 : i32
        %dma_start3A_385 = tpu.memref_slice %arg6[%mul3A_379, %dma_start3A_384] : memref<100000x128xi32, #tpu.memory_space<hbm>> -> memref<2x128xi32, #tpu.memory_space<hbm>>
        %dma_start3A_386 = arith.constant 0 : i32
        %dma_start3A_387 = arith.constant 0 : i32
        %dma_start3A_388 = tpu.memref_slice %arg15[%select_n3A_377, %dma_start3A_386, %dma_start3A_387] : memref<8x2x128xi32, #tpu.memory_space<vmem>> -> memref<1x2x128xi32, #tpu.memory_space<vmem>>
        %dma_start3A_389 = tpu.memref_squeeze %dma_start3A_388 : memref<1x2x128xi32, #tpu.memory_space<vmem>> -> memref<2x128xi32, #tpu.memory_space<vmem>>
        %dma_start3A_390 = arith.constant 0 : i32
        %dma_start3A_391 = tpu.memref_slice %arg6[%mul3A_379, %dma_start3A_390] : memref<100000x128xi32, #tpu.memory_space<hbm>> -> memref<2x128xi32, #tpu.memory_space<hbm>>
        tpu.enqueue_dma source(%dma_start3A_391 : memref<2x128xi32, #tpu.memory_space<hbm>>) target(%dma_start3A_389 : memref<2x128xi32, #tpu.memory_space<vmem>>) target_semaphore(%arg19 : memref<!tpu.dma_semaphore, #tpu.memory_space<semaphore_mem>>)
      } else {
      }
      %jit3A = arith.constant 8 : i32
      %eq3A_277 = arith.constant 0 : i32
      %eq3A_278 = arith.cmpi eq, %jit3A, %eq3A_277 : i32
      %jit3A_279 = arith.constant 1 : i32
      %select_n3A = arith.select %eq3A_278, %jit3A_279, %jit3A : i32
      %rem3A = arith.remsi %scan3A_262, %select_n3A : i32
      %ne3A = arith.constant 0 : i32
      %ne3A_280 = arith.cmpi ne, %rem3A, %ne3A : i32
      %lt3A_281 = arith.constant 0 : i32
      %lt3A_282 = arith.cmpi slt, %rem3A, %lt3A_281 : i32
      %lt3A_283 = arith.constant 0 : i32
      %lt3A_284 = arith.cmpi slt, %select_n3A, %lt3A_283 : i32
      %ne3A_285 = arith.xori %lt3A_282, %lt3A_284 : i1
      %and3A_286 = arith.andi %ne3A_285, %ne3A_280 : i1
      %add3A_287 = arith.addi %rem3A, %select_n3A : i32
      %select_n3A_288 = arith.select %and3A_286, %add3A_287, %rem3A : i32
      %dma_wait3A_289 = arith.constant 0 : i32
      %dma_wait3A_290 = arith.constant 0 : i32
      %dma_wait3A_291 = tpu.memref_slice %arg18[%dma_wait3A_289, %dma_wait3A_290] : memref<4x128xi32, #tpu.memory_space<vmem>> -> memref<3x128xi32, #tpu.memory_space<vmem>>
      %dma_wait3A_292 = arith.constant 0 : i32
      %dma_wait3A_293 = arith.constant 0 : i32
      %dma_wait3A_294 = tpu.memref_slice %arg6[%dma_wait3A_292, %dma_wait3A_293] : memref<100000x128xi32, #tpu.memory_space<hbm>> -> memref<3x128xi32, #tpu.memory_space<hbm>>
      %dma_wait3A_295 = arith.constant 0 : i32
      %dma_wait3A_296 = arith.constant 0 : i32
      %dma_wait3A_297 = tpu.memref_slice %arg18[%dma_wait3A_295, %dma_wait3A_296] : memref<4x128xi32, #tpu.memory_space<vmem>> -> memref<3x128xi32, #tpu.memory_space<vmem>>
      %dma_wait3A_298 = arith.constant 0 : i32
      %dma_wait3A_299 = arith.constant 0 : i32
      %dma_wait3A_300 = tpu.memref_slice %arg6[%dma_wait3A_298, %dma_wait3A_299] : memref<100000x128xi32, #tpu.memory_space<hbm>> -> memref<3x128xi32, #tpu.memory_space<hbm>>
      tpu.wait_dma2 semaphore(%arg20 : memref<!tpu.dma_semaphore, #tpu.memory_space<semaphore_mem>>) src(%dma_wait3A_300 : memref<3x128xi32, #tpu.memory_space<hbm>>) dst(%dma_wait3A_297 : memref<3x128xi32, #tpu.memory_space<vmem>>)
      %jit3A_301 = arith.constant 8 : i32
      %eq3A_302 = arith.constant 0 : i32
      %eq3A_303 = arith.cmpi eq, %jit3A_301, %eq3A_302 : i32
      %jit3A_304 = arith.constant 1 : i32
      %select_n3A_305 = arith.select %eq3A_303, %jit3A_304, %jit3A_301 : i32
      %rem3A_306 = arith.remsi %scan3A_262, %select_n3A_305 : i32
      %ne3A_307 = arith.constant 0 : i32
      %ne3A_308 = arith.cmpi ne, %rem3A_306, %ne3A_307 : i32
      %lt3A_309 = arith.constant 0 : i32
      %lt3A_310 = arith.cmpi slt, %rem3A_306, %lt3A_309 : i32
      %lt3A_311 = arith.constant 0 : i32
      %lt3A_312 = arith.cmpi slt, %select_n3A_305, %lt3A_311 : i32
      %ne3A_313 = arith.xori %lt3A_310, %lt3A_312 : i1
      %and3A_314 = arith.andi %ne3A_313, %ne3A_308 : i1
      %add3A_315 = arith.addi %rem3A_306, %select_n3A_305 : i32
      %select_n3A_316 = arith.select %and3A_314, %add3A_315, %rem3A_306 : i32
      %dma_start3A_317 = arith.constant 0 : i32
      %dma_start3A_318 = arith.constant 1 : i32
      %dma_start3A_319 = arith.constant 0 : i32
      %dma_start3A_320 = tpu.memref_slice %arg16[%select_n3A_316, %dma_start3A_317, %dma_start3A_319] : memref<8x3x128xf32, #tpu.memory_space<vmem>> -> memref<1x1x128xf32, #tpu.memory_space<vmem>>
      %dma_start3A_321 = tpu.memref_squeeze %dma_start3A_320 : memref<1x1x128xf32, #tpu.memory_space<vmem>> -> memref<128xf32, #tpu.memory_space<vmem>>
      %dma_start3A_322 = arith.constant 0 : i32
      %dma_start3A_323 = tpu.memref_slice %arg15[%select_n3A_316, %dma_start3A_318, %dma_start3A_322] : memref<8x2x128xi32, #tpu.memory_space<vmem>> -> memref<1x1x128xi32, #tpu.memory_space<vmem>>
      %dma_start3A_324 = tpu.memref_squeeze %dma_start3A_323 : memref<1x1x128xi32, #tpu.memory_space<vmem>> -> memref<128xi32, #tpu.memory_space<vmem>>
      %dma_start3A_325 = arith.constant 0 : i32
      %dma_start3A_326 = tpu.memref_slice %arg11[%dma_start3A_325] : memref<102400xf32, #tpu.memory_space<vmem_shared>> -> memref<102400xf32, #tpu.memory_space<vmem_shared>>
      tpu.enqueue_indirect_dma source(%dma_start3A_321 : memref<128xf32, #tpu.memory_space<vmem>>) target(%dma_start3A_326 : memref<102400xf32, #tpu.memory_space<vmem_shared>>) offsets(%dma_start3A_324 : memref<128xi32, #tpu.memory_space<vmem>>) semaphore(%arg21 : memref<!tpu.dma_semaphore, #tpu.memory_space<semaphore_mem>>) {add = true}
      %dma_start3A_327 = arith.constant 1 : i32
      %dma_start3A_328 = arith.constant 1 : i32
      %dma_start3A_329 = arith.constant 0 : i32
      %dma_start3A_330 = tpu.memref_slice %arg16[%select_n3A_316, %dma_start3A_327, %dma_start3A_329] : memref<8x3x128xf32, #tpu.memory_space<vmem>> -> memref<1x1x128xf32, #tpu.memory_space<vmem>>
      %dma_start3A_331 = tpu.memref_squeeze %dma_start3A_330 : memref<1x1x128xf32, #tpu.memory_space<vmem>> -> memref<128xf32, #tpu.memory_space<vmem>>
      %dma_start3A_332 = arith.constant 0 : i32
      %dma_start3A_333 = tpu.memref_slice %arg15[%select_n3A_316, %dma_start3A_328, %dma_start3A_332] : memref<8x2x128xi32, #tpu.memory_space<vmem>> -> memref<1x1x128xi32, #tpu.memory_space<vmem>>
      %dma_start3A_334 = tpu.memref_squeeze %dma_start3A_333 : memref<1x1x128xi32, #tpu.memory_space<vmem>> -> memref<128xi32, #tpu.memory_space<vmem>>
      %dma_start3A_335 = arith.constant 0 : i32
      %dma_start3A_336 = tpu.memref_slice %arg12[%dma_start3A_335] : memref<102400xf32, #tpu.memory_space<vmem_shared>> -> memref<102400xf32, #tpu.memory_space<vmem_shared>>
      tpu.enqueue_indirect_dma source(%dma_start3A_331 : memref<128xf32, #tpu.memory_space<vmem>>) target(%dma_start3A_336 : memref<102400xf32, #tpu.memory_space<vmem_shared>>) offsets(%dma_start3A_334 : memref<128xi32, #tpu.memory_space<vmem>>) semaphore(%arg21 : memref<!tpu.dma_semaphore, #tpu.memory_space<semaphore_mem>>) {add = true}
      %dma_start3A_337 = arith.constant 2 : i32
      %dma_start3A_338 = arith.constant 1 : i32
      %dma_start3A_339 = arith.constant 0 : i32
      %dma_start3A_340 = tpu.memref_slice %arg16[%select_n3A_316, %dma_start3A_337, %dma_start3A_339] : memref<8x3x128xf32, #tpu.memory_space<vmem>> -> memref<1x1x128xf32, #tpu.memory_space<vmem>>
      %dma_start3A_341 = tpu.memref_squeeze %dma_start3A_340 : memref<1x1x128xf32, #tpu.memory_space<vmem>> -> memref<128xf32, #tpu.memory_space<vmem>>
      %dma_start3A_342 = arith.constant 0 : i32
      %dma_start3A_343 = tpu.memref_slice %arg15[%select_n3A_316, %dma_start3A_338, %dma_start3A_342] : memref<8x2x128xi32, #tpu.memory_space<vmem>> -> memref<1x1x128xi32, #tpu.memory_space<vmem>>
      %dma_start3A_344 = tpu.memref_squeeze %dma_start3A_343 : memref<1x1x128xi32, #tpu.memory_space<vmem>> -> memref<128xi32, #tpu.memory_space<vmem>>
      %dma_start3A_345 = arith.constant 0 : i32
      %dma_start3A_346 = tpu.memref_slice %arg13[%dma_start3A_345] : memref<102400xf32, #tpu.memory_space<vmem_shared>> -> memref<102400xf32, #tpu.memory_space<vmem_shared>>
      tpu.enqueue_indirect_dma source(%dma_start3A_341 : memref<128xf32, #tpu.memory_space<vmem>>) target(%dma_start3A_346 : memref<102400xf32, #tpu.memory_space<vmem_shared>>) offsets(%dma_start3A_344 : memref<128xi32, #tpu.memory_space<vmem>>) semaphore(%arg21 : memref<!tpu.dma_semaphore, #tpu.memory_space<semaphore_mem>>) {add = true}
      %dma_start3A_347 = arith.constant 1 : i32
      %dma_start3A_348 = arith.constant 0 : i32
      %dma_start3A_349 = tpu.memref_slice %arg15[%select_n3A_316, %dma_start3A_347, %dma_start3A_348] : memref<8x2x128xi32, #tpu.memory_space<vmem>> -> memref<1x1x128xi32, #tpu.memory_space<vmem>>
      %dma_start3A_350 = tpu.memref_squeeze %dma_start3A_349 : memref<1x1x128xi32, #tpu.memory_space<vmem>> -> memref<128xi32, #tpu.memory_space<vmem>>
      %dma_start3A_351 = arith.constant 0 : i32
      %dma_start3A_352 = tpu.memref_slice %arg14[%dma_start3A_351] : memref<102400xf32, #tpu.memory_space<vmem_shared>> -> memref<102400xf32, #tpu.memory_space<vmem_shared>>
      tpu.enqueue_indirect_dma source(%arg17 : memref<128xf32, #tpu.memory_space<vmem>>) target(%dma_start3A_352 : memref<102400xf32, #tpu.memory_space<vmem_shared>>) offsets(%dma_start3A_350 : memref<128xi32, #tpu.memory_space<vmem>>) semaphore(%arg21 : memref<!tpu.dma_semaphore, #tpu.memory_space<semaphore_mem>>) {add = true}
      %gt3A = arith.constant 0 : i32
      %gt3A_353 = arith.cmpi sgt, %scan3A_262, %gt3A : i32
      %convert_element_type3A_354 = arith.extui %gt3A_353 : i1 to i32
      %cond3A_355 = arith.constant 0 : i32
      %cond3A_356 = arith.cmpi ne, %convert_element_type3A_354, %cond3A_355 : i32
      scf.if %cond3A_356 {
        %sub3A = arith.constant 1 : i32
        %sub3A_357 = arith.subi %scan3A_262, %sub3A : i32
        %jit3A_358 = arith.constant 8 : i32
        %eq3A_359 = arith.constant 0 : i32
        %eq3A_360 = arith.cmpi eq, %jit3A_358, %eq3A_359 : i32
        %jit3A_361 = arith.constant 1 : i32
        %select_n3A_362 = arith.select %eq3A_360, %jit3A_361, %jit3A_358 : i32
        %rem3A_363 = arith.remsi %sub3A_357, %select_n3A_362 : i32
        %ne3A_364 = arith.constant 0 : i32
        %ne3A_365 = arith.cmpi ne, %rem3A_363, %ne3A_364 : i32
        %lt3A_366 = arith.constant 0 : i32
        %lt3A_367 = arith.cmpi slt, %rem3A_363, %lt3A_366 : i32
        %lt3A_368 = arith.constant 0 : i32
        %lt3A_369 = arith.cmpi slt, %select_n3A_362, %lt3A_368 : i32
        %ne3A_370 = arith.xori %lt3A_367, %lt3A_369 : i1
        %and3A_371 = arith.andi %ne3A_370, %ne3A_365 : i1
        %add3A_372 = arith.addi %rem3A_363, %select_n3A_362 : i32
        %select_n3A_373 = arith.select %and3A_371, %add3A_372, %rem3A_363 : i32
        %dma_wait3A_374 = arith.constant 0 : i32
        %dma_wait3A_375 = arith.constant 0 : i32
        %dma_wait3A_376 = tpu.memref_slice %arg6[%dma_wait3A_374, %dma_wait3A_375] : memref<100000x128xi32, #tpu.memory_space<hbm>> -> memref<4x128xi32, #tpu.memory_space<hbm>>
        %dma_wait3A_377 = arith.constant 0 : i32
        %dma_wait3A_378 = arith.constant 0 : i32
        %dma_wait3A_379 = tpu.memref_slice %arg6[%dma_wait3A_377, %dma_wait3A_378] : memref<100000x128xi32, #tpu.memory_space<hbm>> -> memref<4x128xi32, #tpu.memory_space<hbm>>
        tpu.wait_dma2 semaphore(%arg21 : memref<!tpu.dma_semaphore, #tpu.memory_space<semaphore_mem>>) src(%dma_wait3A_379 : memref<4x128xi32, #tpu.memory_space<hbm>>) dst(%arg18 : memref<4x128xi32, #tpu.memory_space<vmem>>)
      } else {
      }
    }
    %scan3A_243 = arith.constant 1562 : i32
    %dma_wait3A_244 = arith.constant 0 : i32
    %dma_wait3A_245 = arith.constant 0 : i32
    %dma_wait3A_246 = tpu.memref_slice %arg6[%dma_wait3A_244, %dma_wait3A_245] : memref<100000x128xi32, #tpu.memory_space<hbm>> -> memref<4x128xi32, #tpu.memory_space<hbm>>
    %dma_wait3A_247 = arith.constant 0 : i32
    %dma_wait3A_248 = arith.constant 0 : i32
    %dma_wait3A_249 = tpu.memref_slice %arg6[%dma_wait3A_247, %dma_wait3A_248] : memref<100000x128xi32, #tpu.memory_space<hbm>> -> memref<4x128xi32, #tpu.memory_space<hbm>>
    tpu.wait_dma2 semaphore(%arg21 : memref<!tpu.dma_semaphore, #tpu.memory_space<semaphore_mem>>) src(%dma_wait3A_249 : memref<4x128xi32, #tpu.memory_space<hbm>>) dst(%arg18 : memref<4x128xi32, #tpu.memory_space<vmem>>)
    %eq3A_250 = arith.constant 0 : i32
    %eq3A_251 = arith.cmpi eq, %arg0, %eq3A_250 : i32
    %lt3A = arith.constant 16 : i32
    %lt3A_252 = arith.cmpi slt, %arg1, %lt3A : i32
    %and3A = arith.andi %eq3A_251, %lt3A_252 : i1
    %convert_element_type3A_253 = arith.extui %and3A : i1 to i32
    %cond3A_254 = arith.constant 0 : i32
    %cond3A_255 = arith.cmpi ne, %convert_element_type3A_253, %cond3A_254 : i32
    scf.if %cond3A_255 {
      %add3A_262 = arith.constant 49984 : i32
      %add3A_263 = arith.addi %add3A_262, %arg1 : i32
      %mul3A_264 = arith.constant 2 : i32
      %mul3A_265 = arith.muli %mul3A_264, %add3A_263 : i32
      %dma_start3A_266 = arith.constant 0 : i32
      %dma_start3A_267 = arith.constant 0 : i32
      %dma_start3A_268 = arith.constant 0 : i32
      %dma_start3A_269 = tpu.memref_slice %arg15[%dma_start3A_266, %dma_start3A_267, %dma_start3A_268] : memref<8x2x128xi32, #tpu.memory_space<vmem>> -> memref<1x2x128xi32, #tpu.memory_space<vmem>>
      %dma_start3A_270 = tpu.memref_squeeze %dma_start3A_269 : memref<1x2x128xi32, #tpu.memory_space<vmem>> -> memref<2x128xi32, #tpu.memory_space<vmem>>
      %dma_start3A_271 = arith.constant 0 : i32
      %dma_start3A_272 = tpu.memref_slice %arg6[%mul3A_265, %dma_start3A_271] : memref<100000x128xi32, #tpu.memory_space<hbm>> -> memref<2x128xi32, #tpu.memory_space<hbm>>
      %dma_start3A_273 = arith.constant 0 : i32
      %dma_start3A_274 = arith.constant 0 : i32
      %dma_start3A_275 = tpu.memref_slice %arg15[%dma_start3A_266, %dma_start3A_273, %dma_start3A_274] : memref<8x2x128xi32, #tpu.memory_space<vmem>> -> memref<1x2x128xi32, #tpu.memory_space<vmem>>
      %dma_start3A_276 = tpu.memref_squeeze %dma_start3A_275 : memref<1x2x128xi32, #tpu.memory_space<vmem>> -> memref<2x128xi32, #tpu.memory_space<vmem>>
      %dma_start3A_277 = arith.constant 0 : i32
      %dma_start3A_278 = tpu.memref_slice %arg6[%mul3A_265, %dma_start3A_277] : memref<100000x128xi32, #tpu.memory_space<hbm>> -> memref<2x128xi32, #tpu.memory_space<hbm>>
      tpu.enqueue_dma source(%dma_start3A_278 : memref<2x128xi32, #tpu.memory_space<hbm>>) target(%dma_start3A_276 : memref<2x128xi32, #tpu.memory_space<vmem>>) target_semaphore(%arg19 : memref<!tpu.dma_semaphore, #tpu.memory_space<semaphore_mem>>)
      %dma_wait3A_279 = arith.constant 0 : i32
      %dma_wait3A_280 = arith.constant 0 : i32
      %dma_wait3A_281 = arith.constant 0 : i32
      %dma_wait3A_282 = tpu.memref_slice %arg15[%dma_wait3A_279, %dma_wait3A_280, %dma_wait3A_281] : memref<8x2x128xi32, #tpu.memory_space<vmem>> -> memref<1x2x128xi32, #tpu.memory_space<vmem>>
      %dma_wait3A_283 = tpu.memref_squeeze %dma_wait3A_282 : memref<1x2x128xi32, #tpu.memory_space<vmem>> -> memref<2x128xi32, #tpu.memory_space<vmem>>
      %dma_wait3A_284 = arith.constant 0 : i32
      %dma_wait3A_285 = arith.constant 0 : i32
      %dma_wait3A_286 = tpu.memref_slice %arg6[%dma_wait3A_284, %dma_wait3A_285] : memref<100000x128xi32, #tpu.memory_space<hbm>> -> memref<2x128xi32, #tpu.memory_space<hbm>>
      %dma_wait3A_287 = arith.constant 0 : i32
      %dma_wait3A_288 = arith.constant 0 : i32
      %dma_wait3A_289 = tpu.memref_slice %arg15[%dma_wait3A_279, %dma_wait3A_287, %dma_wait3A_288] : memref<8x2x128xi32, #tpu.memory_space<vmem>> -> memref<1x2x128xi32, #tpu.memory_space<vmem>>
      %dma_wait3A_290 = tpu.memref_squeeze %dma_wait3A_289 : memref<1x2x128xi32, #tpu.memory_space<vmem>> -> memref<2x128xi32, #tpu.memory_space<vmem>>
      %dma_wait3A_291 = arith.constant 0 : i32
      %dma_wait3A_292 = arith.constant 0 : i32
      %dma_wait3A_293 = tpu.memref_slice %arg6[%dma_wait3A_291, %dma_wait3A_292] : memref<100000x128xi32, #tpu.memory_space<hbm>> -> memref<2x128xi32, #tpu.memory_space<hbm>>
      tpu.wait_dma2 semaphore(%arg19 : memref<!tpu.dma_semaphore, #tpu.memory_space<semaphore_mem>>) src(%dma_wait3A_293 : memref<2x128xi32, #tpu.memory_space<hbm>>) dst(%dma_wait3A_290 : memref<2x128xi32, #tpu.memory_space<vmem>>)
      %dma_start3A_294 = arith.constant 0 : i32
      %dma_start3A_295 = arith.constant 0 : i32
      %dma_start3A_296 = arith.constant 0 : i32
      %dma_start3A_297 = arith.constant 0 : i32
      %dma_start3A_298 = arith.constant 0 : i32
      %dma_start3A_299 = tpu.memref_slice %arg16[%dma_start3A_296, %dma_start3A_297, %dma_start3A_298] : memref<8x3x128xf32, #tpu.memory_space<vmem>> -> memref<1x1x128xf32, #tpu.memory_space<vmem>>
      %dma_start3A_300 = tpu.memref_squeeze %dma_start3A_299 : memref<1x1x128xf32, #tpu.memory_space<vmem>> -> memref<128xf32, #tpu.memory_space<vmem>>
      %dma_start3A_301 = arith.constant 0 : i32
      %dma_start3A_302 = tpu.memref_slice %arg15[%dma_start3A_294, %dma_start3A_295, %dma_start3A_301] : memref<8x2x128xi32, #tpu.memory_space<vmem>> -> memref<1x1x128xi32, #tpu.memory_space<vmem>>
      %dma_start3A_303 = tpu.memref_squeeze %dma_start3A_302 : memref<1x1x128xi32, #tpu.memory_space<vmem>> -> memref<128xi32, #tpu.memory_space<vmem>>
      %dma_start3A_304 = arith.constant 0 : i32
      %dma_start3A_305 = tpu.memref_slice %arg3[%dma_start3A_304] : memref<102400xf32, #tpu.memory_space<hbm>> -> memref<102400xf32, #tpu.memory_space<hbm>>
      tpu.enqueue_indirect_dma source(%dma_start3A_305 : memref<102400xf32, #tpu.memory_space<hbm>>) target(%dma_start3A_300 : memref<128xf32, #tpu.memory_space<vmem>>) offsets(%dma_start3A_303 : memref<128xi32, #tpu.memory_space<vmem>>) semaphore(%arg20 : memref<!tpu.dma_semaphore, #tpu.memory_space<semaphore_mem>>)
      %dma_start3A_306 = arith.constant 0 : i32
      %dma_start3A_307 = arith.constant 0 : i32
      %dma_start3A_308 = arith.constant 0 : i32
      %dma_start3A_309 = arith.constant 1 : i32
      %dma_start3A_310 = arith.constant 0 : i32
      %dma_start3A_311 = tpu.memref_slice %arg16[%dma_start3A_308, %dma_start3A_309, %dma_start3A_310] : memref<8x3x128xf32, #tpu.memory_space<vmem>> -> memref<1x1x128xf32, #tpu.memory_space<vmem>>
      %dma_start3A_312 = tpu.memref_squeeze %dma_start3A_311 : memref<1x1x128xf32, #tpu.memory_space<vmem>> -> memref<128xf32, #tpu.memory_space<vmem>>
      %dma_start3A_313 = arith.constant 0 : i32
      %dma_start3A_314 = tpu.memref_slice %arg15[%dma_start3A_306, %dma_start3A_307, %dma_start3A_313] : memref<8x2x128xi32, #tpu.memory_space<vmem>> -> memref<1x1x128xi32, #tpu.memory_space<vmem>>
      %dma_start3A_315 = tpu.memref_squeeze %dma_start3A_314 : memref<1x1x128xi32, #tpu.memory_space<vmem>> -> memref<128xi32, #tpu.memory_space<vmem>>
      %dma_start3A_316 = arith.constant 0 : i32
      %dma_start3A_317 = tpu.memref_slice %arg4[%dma_start3A_316] : memref<102400xf32, #tpu.memory_space<hbm>> -> memref<102400xf32, #tpu.memory_space<hbm>>
      tpu.enqueue_indirect_dma source(%dma_start3A_317 : memref<102400xf32, #tpu.memory_space<hbm>>) target(%dma_start3A_312 : memref<128xf32, #tpu.memory_space<vmem>>) offsets(%dma_start3A_315 : memref<128xi32, #tpu.memory_space<vmem>>) semaphore(%arg20 : memref<!tpu.dma_semaphore, #tpu.memory_space<semaphore_mem>>)
      %dma_start3A_318 = arith.constant 0 : i32
      %dma_start3A_319 = arith.constant 0 : i32
      %dma_start3A_320 = arith.constant 0 : i32
      %dma_start3A_321 = arith.constant 2 : i32
      %dma_start3A_322 = arith.constant 0 : i32
      %dma_start3A_323 = tpu.memref_slice %arg16[%dma_start3A_320, %dma_start3A_321, %dma_start3A_322] : memref<8x3x128xf32, #tpu.memory_space<vmem>> -> memref<1x1x128xf32, #tpu.memory_space<vmem>>
      %dma_start3A_324 = tpu.memref_squeeze %dma_start3A_323 : memref<1x1x128xf32, #tpu.memory_space<vmem>> -> memref<128xf32, #tpu.memory_space<vmem>>
      %dma_start3A_325 = arith.constant 0 : i32
      %dma_start3A_326 = tpu.memref_slice %arg15[%dma_start3A_318, %dma_start3A_319, %dma_start3A_325] : memref<8x2x128xi32, #tpu.memory_space<vmem>> -> memref<1x1x128xi32, #tpu.memory_space<vmem>>
      %dma_start3A_327 = tpu.memref_squeeze %dma_start3A_326 : memref<1x1x128xi32, #tpu.memory_space<vmem>> -> memref<128xi32, #tpu.memory_space<vmem>>
      %dma_start3A_328 = arith.constant 0 : i32
      %dma_start3A_329 = tpu.memref_slice %arg5[%dma_start3A_328] : memref<102400xf32, #tpu.memory_space<hbm>> -> memref<102400xf32, #tpu.memory_space<hbm>>
      tpu.enqueue_indirect_dma source(%dma_start3A_329 : memref<102400xf32, #tpu.memory_space<hbm>>) target(%dma_start3A_324 : memref<128xf32, #tpu.memory_space<vmem>>) offsets(%dma_start3A_327 : memref<128xi32, #tpu.memory_space<vmem>>) semaphore(%arg20 : memref<!tpu.dma_semaphore, #tpu.memory_space<semaphore_mem>>)
      %dma_wait3A_330 = arith.constant 0 : i32
      %dma_wait3A_331 = arith.constant 0 : i32
      %dma_wait3A_332 = tpu.memref_slice %arg18[%dma_wait3A_330, %dma_wait3A_331] : memref<4x128xi32, #tpu.memory_space<vmem>> -> memref<3x128xi32, #tpu.memory_space<vmem>>
      %dma_wait3A_333 = arith.constant 0 : i32
      %dma_wait3A_334 = arith.constant 0 : i32
      %dma_wait3A_335 = tpu.memref_slice %arg6[%dma_wait3A_333, %dma_wait3A_334] : memref<100000x128xi32, #tpu.memory_space<hbm>> -> memref<3x128xi32, #tpu.memory_space<hbm>>
      %dma_wait3A_336 = arith.constant 0 : i32
      %dma_wait3A_337 = arith.constant 0 : i32
      %dma_wait3A_338 = tpu.memref_slice %arg18[%dma_wait3A_336, %dma_wait3A_337] : memref<4x128xi32, #tpu.memory_space<vmem>> -> memref<3x128xi32, #tpu.memory_space<vmem>>
      %dma_wait3A_339 = arith.constant 0 : i32
      %dma_wait3A_340 = arith.constant 0 : i32
      %dma_wait3A_341 = tpu.memref_slice %arg6[%dma_wait3A_339, %dma_wait3A_340] : memref<100000x128xi32, #tpu.memory_space<hbm>> -> memref<3x128xi32, #tpu.memory_space<hbm>>
      tpu.wait_dma2 semaphore(%arg20 : memref<!tpu.dma_semaphore, #tpu.memory_space<semaphore_mem>>) src(%dma_wait3A_341 : memref<3x128xi32, #tpu.memory_space<hbm>>) dst(%dma_wait3A_338 : memref<3x128xi32, #tpu.memory_space<vmem>>)
      %dma_start3A_342 = arith.constant 0 : i32
      %dma_start3A_343 = arith.constant 0 : i32
      %dma_start3A_344 = arith.constant 0 : i32
      %dma_start3A_345 = arith.constant 1 : i32
      %dma_start3A_346 = arith.constant 0 : i32
      %dma_start3A_347 = tpu.memref_slice %arg16[%dma_start3A_342, %dma_start3A_343, %dma_start3A_346] : memref<8x3x128xf32, #tpu.memory_space<vmem>> -> memref<1x1x128xf32, #tpu.memory_space<vmem>>
      %dma_start3A_348 = tpu.memref_squeeze %dma_start3A_347 : memref<1x1x128xf32, #tpu.memory_space<vmem>> -> memref<128xf32, #tpu.memory_space<vmem>>
      %dma_start3A_349 = arith.constant 0 : i32
      %dma_start3A_350 = tpu.memref_slice %arg15[%dma_start3A_344, %dma_start3A_345, %dma_start3A_349] : memref<8x2x128xi32, #tpu.memory_space<vmem>> -> memref<1x1x128xi32, #tpu.memory_space<vmem>>
      %dma_start3A_351 = tpu.memref_squeeze %dma_start3A_350 : memref<1x1x128xi32, #tpu.memory_space<vmem>> -> memref<128xi32, #tpu.memory_space<vmem>>
      %dma_start3A_352 = arith.constant 0 : i32
      %dma_start3A_353 = tpu.memref_slice %arg11[%dma_start3A_352] : memref<102400xf32, #tpu.memory_space<vmem_shared>> -> memref<102400xf32, #tpu.memory_space<vmem_shared>>
      tpu.enqueue_indirect_dma source(%dma_start3A_348 : memref<128xf32, #tpu.memory_space<vmem>>) target(%dma_start3A_353 : memref<102400xf32, #tpu.memory_space<vmem_shared>>) offsets(%dma_start3A_351 : memref<128xi32, #tpu.memory_space<vmem>>) semaphore(%arg21 : memref<!tpu.dma_semaphore, #tpu.memory_space<semaphore_mem>>) {add = true}
      %dma_start3A_354 = arith.constant 0 : i32
      %dma_start3A_355 = arith.constant 1 : i32
      %dma_start3A_356 = arith.constant 0 : i32
      %dma_start3A_357 = arith.constant 1 : i32
      %dma_start3A_358 = arith.constant 0 : i32
      %dma_start3A_359 = tpu.memref_slice %arg16[%dma_start3A_354, %dma_start3A_355, %dma_start3A_358] : memref<8x3x128xf32, #tpu.memory_space<vmem>> -> memref<1x1x128xf32, #tpu.memory_space<vmem>>
      %dma_start3A_360 = tpu.memref_squeeze %dma_start3A_359 : memref<1x1x128xf32, #tpu.memory_space<vmem>> -> memref<128xf32, #tpu.memory_space<vmem>>
      %dma_start3A_361 = arith.constant 0 : i32
      %dma_start3A_362 = tpu.memref_slice %arg15[%dma_start3A_356, %dma_start3A_357, %dma_start3A_361] : memref<8x2x128xi32, #tpu.memory_space<vmem>> -> memref<1x1x128xi32, #tpu.memory_space<vmem>>
      %dma_start3A_363 = tpu.memref_squeeze %dma_start3A_362 : memref<1x1x128xi32, #tpu.memory_space<vmem>> -> memref<128xi32, #tpu.memory_space<vmem>>
      %dma_start3A_364 = arith.constant 0 : i32
      %dma_start3A_365 = tpu.memref_slice %arg12[%dma_start3A_364] : memref<102400xf32, #tpu.memory_space<vmem_shared>> -> memref<102400xf32, #tpu.memory_space<vmem_shared>>
      tpu.enqueue_indirect_dma source(%dma_start3A_360 : memref<128xf32, #tpu.memory_space<vmem>>) target(%dma_start3A_365 : memref<102400xf32, #tpu.memory_space<vmem_shared>>) offsets(%dma_start3A_363 : memref<128xi32, #tpu.memory_space<vmem>>) semaphore(%arg21 : memref<!tpu.dma_semaphore, #tpu.memory_space<semaphore_mem>>) {add = true}
      %dma_start3A_366 = arith.constant 0 : i32
      %dma_start3A_367 = arith.constant 2 : i32
      %dma_start3A_368 = arith.constant 0 : i32
      %dma_start3A_369 = arith.constant 1 : i32
      %dma_start3A_370 = arith.constant 0 : i32
      %dma_start3A_371 = tpu.memref_slice %arg16[%dma_start3A_366, %dma_start3A_367, %dma_start3A_370] : memref<8x3x128xf32, #tpu.memory_space<vmem>> -> memref<1x1x128xf32, #tpu.memory_space<vmem>>
      %dma_start3A_372 = tpu.memref_squeeze %dma_start3A_371 : memref<1x1x128xf32, #tpu.memory_space<vmem>> -> memref<128xf32, #tpu.memory_space<vmem>>
      %dma_start3A_373 = arith.constant 0 : i32
      %dma_start3A_374 = tpu.memref_slice %arg15[%dma_start3A_368, %dma_start3A_369, %dma_start3A_373] : memref<8x2x128xi32, #tpu.memory_space<vmem>> -> memref<1x1x128xi32, #tpu.memory_space<vmem>>
      %dma_start3A_375 = tpu.memref_squeeze %dma_start3A_374 : memref<1x1x128xi32, #tpu.memory_space<vmem>> -> memref<128xi32, #tpu.memory_space<vmem>>
      %dma_start3A_376 = arith.constant 0 : i32
      %dma_start3A_377 = tpu.memref_slice %arg13[%dma_start3A_376] : memref<102400xf32, #tpu.memory_space<vmem_shared>> -> memref<102400xf32, #tpu.memory_space<vmem_shared>>
      tpu.enqueue_indirect_dma source(%dma_start3A_372 : memref<128xf32, #tpu.memory_space<vmem>>) target(%dma_start3A_377 : memref<102400xf32, #tpu.memory_space<vmem_shared>>) offsets(%dma_start3A_375 : memref<128xi32, #tpu.memory_space<vmem>>) semaphore(%arg21 : memref<!tpu.dma_semaphore, #tpu.memory_space<semaphore_mem>>) {add = true}
      %dma_start3A_378 = arith.constant 0 : i32
      %dma_start3A_379 = arith.constant 1 : i32
      %dma_start3A_380 = arith.constant 0 : i32
      %dma_start3A_381 = tpu.memref_slice %arg15[%dma_start3A_378, %dma_start3A_379, %dma_start3A_380] : memref<8x2x128xi32, #tpu.memory_space<vmem>> -> memref<1x1x128xi32, #tpu.memory_space<vmem>>
      %dma_start3A_382 = tpu.memref_squeeze %dma_start3A_381 : memref<1x1x128xi32, #tpu.memory_space<vmem>> -> memref<128xi32, #tpu.memory_space<vmem>>
      %dma_start3A_383 = arith.constant 0 : i32
      %dma_start3A_384 = tpu.memref_slice %arg14[%dma_start3A_383] : memref<102400xf32, #tpu.memory_space<vmem_shared>> -> memref<102400xf32, #tpu.memory_space<vmem_shared>>
      tpu.enqueue_indirect_dma source(%arg17 : memref<128xf32, #tpu.memory_space<vmem>>) target(%dma_start3A_384 : memref<102400xf32, #tpu.memory_space<vmem_shared>>) offsets(%dma_start3A_382 : memref<128xi32, #tpu.memory_space<vmem>>) semaphore(%arg21 : memref<!tpu.dma_semaphore, #tpu.memory_space<semaphore_mem>>) {add = true}
      %dma_wait3A_385 = arith.constant 0 : i32
      %dma_wait3A_386 = arith.constant 0 : i32
      %dma_wait3A_387 = tpu.memref_slice %arg6[%dma_wait3A_385, %dma_wait3A_386] : memref<100000x128xi32, #tpu.memory_space<hbm>> -> memref<4x128xi32, #tpu.memory_space<hbm>>
      %dma_wait3A_388 = arith.constant 0 : i32
      %dma_wait3A_389 = arith.constant 0 : i32
      %dma_wait3A_390 = tpu.memref_slice %arg6[%dma_wait3A_388, %dma_wait3A_389] : memref<100000x128xi32, #tpu.memory_space<hbm>> -> memref<4x128xi32, #tpu.memory_space<hbm>>
      tpu.wait_dma2 semaphore(%arg21 : memref<!tpu.dma_semaphore, #tpu.memory_space<semaphore_mem>>) src(%dma_wait3A_390 : memref<4x128xi32, #tpu.memory_space<hbm>>) dst(%arg18 : memref<4x128xi32, #tpu.memory_space<vmem>>)
    } else {
    }
    %barrier3A_256 = arith.constant 0 : index
    tpu.barrier barrier_id(%barrier3A_256)
    %eq3A_257 = arith.constant 0 : i32
    %eq3A_258 = arith.cmpi eq, %arg1, %eq3A_257 : i32
    %convert_element_type3A_259 = arith.extui %eq3A_258 : i1 to i32
    %cond3A_260 = arith.constant 0 : i32
    %cond3A_261 = arith.cmpi ne, %convert_element_type3A_259, %cond3A_260 : i32
    scf.if %cond3A_261 {
      %mul3A_262 = arith.constant 102400 : i32
      %mul3A_263 = arith.muli %arg0, %mul3A_262 : i32
      "tpu.region"() ({
        %run_scoped3A = tpu.sem_alloc : memref<!tpu.dma_semaphore, #tpu.memory_space<semaphore_mem>>
        %dma_start3A_270 = tpu.memref_slice %arg7[%mul3A_263] : memref<204800xf32, #tpu.memory_space<hbm>> -> memref<102400xf32, #tpu.memory_space<hbm>>
        tpu.enqueue_dma source(%arg11 : memref<102400xf32, #tpu.memory_space<vmem_shared>>) target(%dma_start3A_270 : memref<102400xf32, #tpu.memory_space<hbm>>) target_semaphore(%run_scoped3A : memref<!tpu.dma_semaphore, #tpu.memory_space<semaphore_mem>>)
        %dma_wait3A_271 = tpu.memref_slice %arg7[%mul3A_263] : memref<204800xf32, #tpu.memory_space<hbm>> -> memref<102400xf32, #tpu.memory_space<hbm>>
        tpu.wait_dma2 semaphore(%run_scoped3A : memref<!tpu.dma_semaphore, #tpu.memory_space<semaphore_mem>>) src(%arg11 : memref<102400xf32, #tpu.memory_space<vmem_shared>>) dst(%dma_wait3A_271 : memref<102400xf32, #tpu.memory_space<hbm>>)
        tpu.yield
      }) : () -> ()
      %mul3A_264 = arith.constant 102400 : i32
      %mul3A_265 = arith.muli %arg0, %mul3A_264 : i32
      "tpu.region"() ({
        %run_scoped3A = tpu.sem_alloc : memref<!tpu.dma_semaphore, #tpu.memory_space<semaphore_mem>>
        %dma_start3A_270 = tpu.memref_slice %arg8[%mul3A_265] : memref<204800xf32, #tpu.memory_space<hbm>> -> memref<102400xf32, #tpu.memory_space<hbm>>
        tpu.enqueue_dma source(%arg12 : memref<102400xf32, #tpu.memory_space<vmem_shared>>) target(%dma_start3A_270 : memref<102400xf32, #tpu.memory_space<hbm>>) target_semaphore(%run_scoped3A : memref<!tpu.dma_semaphore, #tpu.memory_space<semaphore_mem>>)
        %dma_wait3A_271 = tpu.memref_slice %arg8[%mul3A_265] : memref<204800xf32, #tpu.memory_space<hbm>> -> memref<102400xf32, #tpu.memory_space<hbm>>
        tpu.wait_dma2 semaphore(%run_scoped3A : memref<!tpu.dma_semaphore, #tpu.memory_space<semaphore_mem>>) src(%arg12 : memref<102400xf32, #tpu.memory_space<vmem_shared>>) dst(%dma_wait3A_271 : memref<102400xf32, #tpu.memory_space<hbm>>)
        tpu.yield
      }) : () -> ()
      %mul3A_266 = arith.constant 102400 : i32
      %mul3A_267 = arith.muli %arg0, %mul3A_266 : i32
      "tpu.region"() ({
        %run_scoped3A = tpu.sem_alloc : memref<!tpu.dma_semaphore, #tpu.memory_space<semaphore_mem>>
        %dma_start3A_270 = tpu.memref_slice %arg9[%mul3A_267] : memref<204800xf32, #tpu.memory_space<hbm>> -> memref<102400xf32, #tpu.memory_space<hbm>>
        tpu.enqueue_dma source(%arg13 : memref<102400xf32, #tpu.memory_space<vmem_shared>>) target(%dma_start3A_270 : memref<102400xf32, #tpu.memory_space<hbm>>) target_semaphore(%run_scoped3A : memref<!tpu.dma_semaphore, #tpu.memory_space<semaphore_mem>>)
        %dma_wait3A_271 = tpu.memref_slice %arg9[%mul3A_267] : memref<204800xf32, #tpu.memory_space<hbm>> -> memref<102400xf32, #tpu.memory_space<hbm>>
        tpu.wait_dma2 semaphore(%run_scoped3A : memref<!tpu.dma_semaphore, #tpu.memory_space<semaphore_mem>>) src(%arg13 : memref<102400xf32, #tpu.memory_space<vmem_shared>>) dst(%dma_wait3A_271 : memref<102400xf32, #tpu.memory_space<hbm>>)
        tpu.yield
      }) : () -> ()
      %mul3A_268 = arith.constant 102400 : i32
      %mul3A_269 = arith.muli %arg0, %mul3A_268 : i32
      "tpu.region"() ({
        %run_scoped3A = tpu.sem_alloc : memref<!tpu.dma_semaphore, #tpu.memory_space<semaphore_mem>>
        %dma_start3A_270 = tpu.memref_slice %arg10[%mul3A_269] : memref<204800xf32, #tpu.memory_space<hbm>> -> memref<102400xf32, #tpu.memory_space<hbm>>
        tpu.enqueue_dma source(%arg14 : memref<102400xf32, #tpu.memory_space<vmem_shared>>) target(%dma_start3A_270 : memref<102400xf32, #tpu.memory_space<hbm>>) target_semaphore(%run_scoped3A : memref<!tpu.dma_semaphore, #tpu.memory_space<semaphore_mem>>)
        %dma_wait3A_271 = tpu.memref_slice %arg10[%mul3A_269] : memref<204800xf32, #tpu.memory_space<hbm>> -> memref<102400xf32, #tpu.memory_space<hbm>>
        tpu.wait_dma2 semaphore(%run_scoped3A : memref<!tpu.dma_semaphore, #tpu.memory_space<semaphore_mem>>) src(%arg14 : memref<102400xf32, #tpu.memory_space<vmem_shared>>) dst(%dma_wait3A_271 : memref<102400xf32, #tpu.memory_space<hbm>>)
        tpu.yield
      }) : () -> ()
    } else {
    }
    return
  }
}

module attributes {stable_mosaic.version = 14 : i64} {
  func.func @body(%arg0: i32, %arg1: memref<10240xf32, #tpu.memory_space<vmem>>, %arg2: memref<10240xf32, #tpu.memory_space<vmem>>, %arg3: memref<10240xf32, #tpu.memory_space<vmem>>, %arg4: memref<10240xf32, #tpu.memory_space<vmem>>, %arg5: memref<10240xf32, #tpu.memory_space<vmem>>, %arg6: memref<10240xf32, #tpu.memory_space<vmem>>, %arg7: memref<10240xf32, #tpu.memory_space<vmem>>, %arg8: memref<10240xf32, #tpu.memory_space<vmem>>, %arg9: memref<10240xf32, #tpu.memory_space<vmem>>, %arg10: memref<10240xf32, #tpu.memory_space<vmem>>, %arg11: memref<10240xf32, #tpu.memory_space<vmem>>, %arg12: memref<32x3xf32, #tpu.memory_space<vmem>>, %arg13: memref<32x1xf32, #tpu.memory_space<vmem>>, %arg14: memref<32x3xf32, #tpu.memory_space<vmem>>, %arg15: memref<16x32xf32, #tpu.memory_space<vmem>>, %arg16: memref<16x32xf32, #tpu.memory_space<vmem>>, %arg17: memref<2x16xf32, #tpu.memory_space<vmem>>, %arg18: memref<16x1xf32, #tpu.memory_space<vmem>>, %arg19: memref<2x1xf32, #tpu.memory_space<vmem>>, %arg20: memref<10240xf32, #tpu.memory_space<vmem>>, %arg21: memref<10240xf32, #tpu.memory_space<vmem>>, %arg22: memref<10240xf32, #tpu.memory_space<vmem>>, %arg23: memref<10240xf32, #tpu.memory_space<vmem>>) attributes {dimension_semantics = [#tpu.dimension_semantics<arbitrary>], iteration_bounds = array<i64: 10>, scalar_prefetch = 0 : i64, scratch_operands = 0 : i64, tpu.core_type = #tpu.core_type<tc>, window_params = [{transform_indices = @transform_0, window_bounds = array<i64: 10240>}, {transform_indices = @transform_1, window_bounds = array<i64: 10240>}, {transform_indices = @transform_2, window_bounds = array<i64: 10240>}, {transform_indices = @transform_3, window_bounds = array<i64: 10240>}, {transform_indices = @transform_4, window_bounds = array<i64: 10240>}, {transform_indices = @transform_5, window_bounds = array<i64: 10240>}, {transform_indices = @transform_6, window_bounds = array<i64: 10240>}, {transform_indices = @transform_7, window_bounds = array<i64: 10240>}, {transform_indices = @transform_8, window_bounds = array<i64: 10240>}, {transform_indices = @transform_9, window_bounds = array<i64: 10240>}, {transform_indices = @transform_10, window_bounds = array<i64: 10240>}, {pipeline_mode = #tpu.pipeline_mode<synchronous>, transform_indices = @transform_11, window_bounds = array<i64: 32, 3>}, {pipeline_mode = #tpu.pipeline_mode<synchronous>, transform_indices = @transform_12, window_bounds = array<i64: 32, 1>}, {pipeline_mode = #tpu.pipeline_mode<synchronous>, transform_indices = @transform_13, window_bounds = array<i64: 32, 3>}, {pipeline_mode = #tpu.pipeline_mode<synchronous>, transform_indices = @transform_14, window_bounds = array<i64: 16, 32>}, {pipeline_mode = #tpu.pipeline_mode<synchronous>, transform_indices = @transform_15, window_bounds = array<i64: 16, 32>}, {pipeline_mode = #tpu.pipeline_mode<synchronous>, transform_indices = @transform_16, window_bounds = array<i64: 2, 16>}, {pipeline_mode = #tpu.pipeline_mode<synchronous>, transform_indices = @transform_17, window_bounds = array<i64: 16, 1>}, {pipeline_mode = #tpu.pipeline_mode<synchronous>, transform_indices = @transform_18, window_bounds = array<i64: 2, 1>}, {transform_indices = @transform_19, window_bounds = array<i64: 10240>}, {transform_indices = @transform_20, window_bounds = array<i64: 10240>}, {transform_indices = @transform_21, window_bounds = array<i64: 10240>}, {transform_indices = @transform_22, window_bounds = array<i64: 10240>}]} {
    %get3A = arith.constant 0 : index
    %get3A_0 = vector.load %arg7[%get3A] : memref<10240xf32, #tpu.memory_space<vmem>>, vector<10240xf32>
    %get3A_1 = arith.constant 0 : index
    %get3A_2 = vector.load %arg8[%get3A_1] : memref<10240xf32, #tpu.memory_space<vmem>>, vector<10240xf32>
    %add3A = arith.addf %get3A_0, %get3A_2 : vector<10240xf32>
    %max3A = arith.constant 1.000000e+00 : f32
    %max3A_3 = vector.broadcast %max3A : f32 to vector<10240xf32>
    %max3A_4 = arith.maximumf %add3A, %max3A_3 : vector<10240xf32>
    %div3A = arith.constant 1.000000e+00 : f32
    %div3A_5 = vector.broadcast %div3A : f32 to vector<10240xf32>
    %div3A_6 = arith.divf %div3A_5, %max3A_4 : vector<10240xf32>
    %get3A_7 = arith.constant 0 : index
    %get3A_8 = vector.load %arg1[%get3A_7] : memref<10240xf32, #tpu.memory_space<vmem>>, vector<10240xf32>
    %get3A_9 = arith.constant 0 : index
    %get3A_10 = vector.load %arg2[%get3A_9] : memref<10240xf32, #tpu.memory_space<vmem>>, vector<10240xf32>
    %add3A_11 = arith.addf %get3A_8, %get3A_10 : vector<10240xf32>
    %mul3A = arith.mulf %add3A_11, %div3A_6 : vector<10240xf32>
    %get3A_12 = arith.constant 0 : index
    %get3A_13 = vector.load %arg3[%get3A_12] : memref<10240xf32, #tpu.memory_space<vmem>>, vector<10240xf32>
    %get3A_14 = arith.constant 0 : index
    %get3A_15 = vector.load %arg4[%get3A_14] : memref<10240xf32, #tpu.memory_space<vmem>>, vector<10240xf32>
    %add3A_16 = arith.addf %get3A_13, %get3A_15 : vector<10240xf32>
    %mul3A_17 = arith.mulf %add3A_16, %div3A_6 : vector<10240xf32>
    %get3A_18 = arith.constant 0 : index
    %get3A_19 = vector.load %arg5[%get3A_18] : memref<10240xf32, #tpu.memory_space<vmem>>, vector<10240xf32>
    %get3A_20 = arith.constant 0 : index
    %get3A_21 = vector.load %arg6[%get3A_20] : memref<10240xf32, #tpu.memory_space<vmem>>, vector<10240xf32>
    %add3A_22 = arith.addf %get3A_19, %get3A_21 : vector<10240xf32>
    %mul3A_23 = arith.mulf %add3A_22, %div3A_6 : vector<10240xf32>
    %reshape3A = vector.shape_cast %mul3A : vector<10240xf32> to vector<1x10240xf32>
    %reshape3A_24 = vector.shape_cast %mul3A_17 : vector<10240xf32> to vector<1x10240xf32>
    %reshape3A_25 = vector.shape_cast %mul3A_23 : vector<10240xf32> to vector<1x10240xf32>
    %concatenate3A = tpu.concatenate %reshape3A, %reshape3A_24, %reshape3A_25 in 0 : vector<1x10240xf32>, vector<1x10240xf32>, vector<1x10240xf32> -> vector<3x10240xf32>
    %get3A_26 = arith.constant 0 : index
    %get3A_27 = vector.load %arg9[%get3A_26] : memref<10240xf32, #tpu.memory_space<vmem>>, vector<10240xf32>
    %reshape3A_28 = vector.shape_cast %get3A_27 : vector<10240xf32> to vector<1x10240xf32>
    %get3A_29 = arith.constant 0 : index
    %get3A_30 = vector.load %arg10[%get3A_29] : memref<10240xf32, #tpu.memory_space<vmem>>, vector<10240xf32>
    %reshape3A_31 = vector.shape_cast %get3A_30 : vector<10240xf32> to vector<1x10240xf32>
    %get3A_32 = arith.constant 0 : index
    %get3A_33 = vector.load %arg11[%get3A_32] : memref<10240xf32, #tpu.memory_space<vmem>>, vector<10240xf32>
    %reshape3A_34 = vector.shape_cast %get3A_33 : vector<10240xf32> to vector<1x10240xf32>
    %concatenate3A_35 = tpu.concatenate %reshape3A_28, %reshape3A_31, %reshape3A_34 in 0 : vector<1x10240xf32>, vector<1x10240xf32>, vector<1x10240xf32> -> vector<3x10240xf32>
    %get3A_36 = arith.constant 0 : index
    %get3A_37 = arith.constant 0 : index
    %get3A_38 = vector.load %arg12[%get3A_36, %get3A_37] : memref<32x3xf32, #tpu.memory_space<vmem>>, vector<32x3xf32>
    %dot_general3A = arith.constant dense<0.000000e+00> : vector<32x10240xf32>
    %dot_general3A_39 = tpu.matmul %get3A_38, %concatenate3A, %dot_general3A {dimension_numbers = #tpu.dot_dimension_numbers<[1], [0], [0], [1], [0, 0, 1, 1], [], []>, transpose_lhs_hint = false} : vector<32x3xf32>, vector<3x10240xf32>, vector<32x10240xf32> -> vector<32x10240xf32>
    %get3A_40 = arith.constant 0 : index
    %get3A_41 = arith.constant 0 : index
    %get3A_42 = vector.load %arg14[%get3A_40, %get3A_41] : memref<32x3xf32, #tpu.memory_space<vmem>>, vector<32x3xf32>
    %dot_general3A_43 = arith.constant dense<0.000000e+00> : vector<32x10240xf32>
    %dot_general3A_44 = tpu.matmul %get3A_42, %concatenate3A_35, %dot_general3A_43 {dimension_numbers = #tpu.dot_dimension_numbers<[1], [0], [0], [1], [0, 0, 1, 1], [], []>, transpose_lhs_hint = false} : vector<32x3xf32>, vector<3x10240xf32>, vector<32x10240xf32> -> vector<32x10240xf32>
    %add3A_45 = arith.addf %dot_general3A_39, %dot_general3A_44 : vector<32x10240xf32>
    %get3A_46 = arith.constant 0 : index
    %get3A_47 = arith.constant 0 : index
    %get3A_48 = vector.load %arg13[%get3A_46, %get3A_47] : memref<32x1xf32, #tpu.memory_space<vmem>>, vector<32x1xf32>
    %add3A_49 = vector.broadcast %get3A_48 : vector<32x1xf32> to vector<32x10240xf32>
    %add3A_50 = arith.addf %add3A_45, %add3A_49 : vector<32x10240xf32>
    %max3A_51 = arith.constant 0.000000e+00 : f32
    %max3A_52 = vector.broadcast %max3A_51 : f32 to vector<32x10240xf32>
    %max3A_53 = arith.maximumf %add3A_50, %max3A_52 : vector<32x10240xf32>
    %get3A_54 = arith.constant 0 : index
    %get3A_55 = arith.constant 0 : index
    %get3A_56 = vector.load %arg17[%get3A_54, %get3A_55] : memref<2x16xf32, #tpu.memory_space<vmem>>, vector<2x16xf32>
    %get3A_57 = arith.constant 0 : index
    %get3A_58 = arith.constant 0 : index
    %get3A_59 = vector.load %arg15[%get3A_57, %get3A_58] : memref<16x32xf32, #tpu.memory_space<vmem>>, vector<16x32xf32>
    %dot_general3A_60 = arith.constant dense<0.000000e+00> : vector<2x32xf32>
    %dot_general3A_61 = tpu.matmul %get3A_56, %get3A_59, %dot_general3A_60 {dimension_numbers = #tpu.dot_dimension_numbers<[1], [0], [0], [1], [0, 0, 1, 1], [], []>, transpose_lhs_hint = false} : vector<2x16xf32>, vector<16x32xf32>, vector<2x32xf32> -> vector<2x32xf32>
    %get3A_62 = arith.constant 0 : index
    %get3A_63 = arith.constant 0 : index
    %get3A_64 = vector.load %arg17[%get3A_62, %get3A_63] : memref<2x16xf32, #tpu.memory_space<vmem>>, vector<2x16xf32>
    %get3A_65 = arith.constant 0 : index
    %get3A_66 = arith.constant 0 : index
    %get3A_67 = vector.load %arg16[%get3A_65, %get3A_66] : memref<16x32xf32, #tpu.memory_space<vmem>>, vector<16x32xf32>
    %dot_general3A_68 = arith.constant dense<0.000000e+00> : vector<2x32xf32>
    %dot_general3A_69 = tpu.matmul %get3A_64, %get3A_67, %dot_general3A_68 {dimension_numbers = #tpu.dot_dimension_numbers<[1], [0], [0], [1], [0, 0, 1, 1], [], []>, transpose_lhs_hint = false} : vector<2x16xf32>, vector<16x32xf32>, vector<2x32xf32> -> vector<2x32xf32>
    %get3A_70 = arith.constant 0 : index
    %get3A_71 = arith.constant 0 : index
    %get3A_72 = vector.load %arg17[%get3A_70, %get3A_71] : memref<2x16xf32, #tpu.memory_space<vmem>>, vector<2x16xf32>
    %get3A_73 = arith.constant 0 : index
    %get3A_74 = arith.constant 0 : index
    %get3A_75 = vector.load %arg18[%get3A_73, %get3A_74] : memref<16x1xf32, #tpu.memory_space<vmem>>, vector<16x1xf32>
    %dot_general3A_76 = arith.constant dense<0.000000e+00> : vector<2x1xf32>
    %dot_general3A_77 = tpu.matmul %get3A_72, %get3A_75, %dot_general3A_76 {dimension_numbers = #tpu.dot_dimension_numbers<[1], [0], [0], [1], [0, 0, 1, 1], [], []>, transpose_lhs_hint = false} : vector<2x16xf32>, vector<16x1xf32>, vector<2x1xf32> -> vector<2x1xf32>
    %get3A_78 = arith.constant 0 : index
    %get3A_79 = arith.constant 0 : index
    %get3A_80 = vector.load %arg19[%get3A_78, %get3A_79] : memref<2x1xf32, #tpu.memory_space<vmem>>, vector<2x1xf32>
    %add3A_81 = arith.addf %dot_general3A_77, %get3A_80 : vector<2x1xf32>
    %dot_general3A_82 = arith.constant dense<0.000000e+00> : vector<2x10240xf32>
    %dot_general3A_83 = tpu.matmul %dot_general3A_61, %max3A_53, %dot_general3A_82 {dimension_numbers = #tpu.dot_dimension_numbers<[1], [0], [0], [1], [0, 0, 1, 1], [], []>, transpose_lhs_hint = false} : vector<2x32xf32>, vector<32x10240xf32>, vector<2x10240xf32> -> vector<2x10240xf32>
    %dot_general3A_84 = arith.constant dense<0.000000e+00> : vector<2x10240xf32>
    %dot_general3A_85 = tpu.matmul %dot_general3A_69, %max3A_53, %dot_general3A_84 {dimension_numbers = #tpu.dot_dimension_numbers<[1], [0], [0], [1], [0, 0, 1, 1], [], []>, transpose_lhs_hint = false} : vector<2x32xf32>, vector<32x10240xf32>, vector<2x10240xf32> -> vector<2x10240xf32>
    %add3A_86 = vector.broadcast %add3A_81 : vector<2x1xf32> to vector<2x10240xf32>
    %add3A_87 = arith.addf %dot_general3A_85, %add3A_86 : vector<2x10240xf32>
    %slice3A = vector.extract_strided_slice %dot_general3A_83 {offsets = [0, 0], sizes = [1, 10240], strides = [1, 1]} : vector<2x10240xf32> to vector<1x10240xf32>
    %reshape3A_88 = vector.shape_cast %slice3A : vector<1x10240xf32> to vector<10240xf32>
    %swap3A = arith.constant 0 : index
    %swap3A_89 = vector.load %arg20[%swap3A] : memref<10240xf32, #tpu.memory_space<vmem>>, vector<10240xf32>
    tpu.vector_store %arg20[%swap3A], %reshape3A_88 {strides = array<i32>} : memref<10240xf32, #tpu.memory_space<vmem>>, vector<10240xf32>,
    %slice3A_90 = vector.extract_strided_slice %dot_general3A_83 {offsets = [1, 0], sizes = [1, 10240], strides = [1, 1]} : vector<2x10240xf32> to vector<1x10240xf32>
    %reshape3A_91 = vector.shape_cast %slice3A_90 : vector<1x10240xf32> to vector<10240xf32>
    %swap3A_92 = arith.constant 0 : index
    %swap3A_93 = vector.load %arg21[%swap3A_92] : memref<10240xf32, #tpu.memory_space<vmem>>, vector<10240xf32>
    tpu.vector_store %arg21[%swap3A_92], %reshape3A_91 {strides = array<i32>} : memref<10240xf32, #tpu.memory_space<vmem>>, vector<10240xf32>,
    %slice3A_94 = vector.extract_strided_slice %add3A_87 {offsets = [0, 0], sizes = [1, 10240], strides = [1, 1]} : vector<2x10240xf32> to vector<1x10240xf32>
    %reshape3A_95 = vector.shape_cast %slice3A_94 : vector<1x10240xf32> to vector<10240xf32>
    %swap3A_96 = arith.constant 0 : index
    %swap3A_97 = vector.load %arg22[%swap3A_96] : memref<10240xf32, #tpu.memory_space<vmem>>, vector<10240xf32>
    tpu.vector_store %arg22[%swap3A_96], %reshape3A_95 {strides = array<i32>} : memref<10240xf32, #tpu.memory_space<vmem>>, vector<10240xf32>,
    %slice3A_98 = vector.extract_strided_slice %add3A_87 {offsets = [1, 0], sizes = [1, 10240], strides = [1, 1]} : vector<2x10240xf32> to vector<1x10240xf32>
    %reshape3A_99 = vector.shape_cast %slice3A_98 : vector<1x10240xf32> to vector<10240xf32>
    %swap3A_100 = arith.constant 0 : index
    %swap3A_101 = vector.load %arg23[%swap3A_100] : memref<10240xf32, #tpu.memory_space<vmem>>, vector<10240xf32>
    tpu.vector_store %arg23[%swap3A_100], %reshape3A_99 {strides = array<i32>} : memref<10240xf32, #tpu.memory_space<vmem>>, vector<10240xf32>,
    return
  }
  func.func @transform_0(%arg0: i32) -> i32 {
    %c0_i32 = arith.constant 0 : i32
    return %arg0 : i32
  }
  func.func @transform_1(%arg0: i32) -> i32 {
    %add3A = arith.constant 10 : i32
    %add3A_0 = arith.addi %add3A, %arg0 : i32
    %c0_i32 = arith.constant 0 : i32
    return %add3A_0 : i32
  }
  func.func @transform_2(%arg0: i32) -> i32 {
    %c0_i32 = arith.constant 0 : i32
    return %arg0 : i32
  }
  func.func @transform_3(%arg0: i32) -> i32 {
    %add3A = arith.constant 10 : i32
    %add3A_0 = arith.addi %add3A, %arg0 : i32
    %c0_i32 = arith.constant 0 : i32
    return %add3A_0 : i32
  }
  func.func @transform_4(%arg0: i32) -> i32 {
    %c0_i32 = arith.constant 0 : i32
    return %arg0 : i32
  }
  func.func @transform_5(%arg0: i32) -> i32 {
    %add3A = arith.constant 10 : i32
    %add3A_0 = arith.addi %add3A, %arg0 : i32
    %c0_i32 = arith.constant 0 : i32
    return %add3A_0 : i32
  }
  func.func @transform_6(%arg0: i32) -> i32 {
    %c0_i32 = arith.constant 0 : i32
    return %arg0 : i32
  }
  func.func @transform_7(%arg0: i32) -> i32 {
    %add3A = arith.constant 10 : i32
    %add3A_0 = arith.addi %add3A, %arg0 : i32
    %c0_i32 = arith.constant 0 : i32
    return %add3A_0 : i32
  }
  func.func @transform_8(%arg0: i32) -> i32 {
    %c0_i32 = arith.constant 0 : i32
    return %arg0 : i32
  }
  func.func @transform_9(%arg0: i32) -> i32 {
    %c0_i32 = arith.constant 0 : i32
    return %arg0 : i32
  }
  func.func @transform_10(%arg0: i32) -> i32 {
    %c0_i32 = arith.constant 0 : i32
    return %arg0 : i32
  }
  func.func @transform_11(%arg0: i32) -> (i32, i32) {
    %c0_i32 = arith.constant 0 : i32
    %c0_i32_0 = arith.constant 0 : i32
    %c0_i32_1 = arith.constant 0 : i32
    return %c0_i32, %c0_i32_0 : i32, i32
  }
  func.func @transform_12(%arg0: i32) -> (i32, i32) {
    %c0_i32 = arith.constant 0 : i32
    %c0_i32_0 = arith.constant 0 : i32
    %c0_i32_1 = arith.constant 0 : i32
    return %c0_i32, %c0_i32_0 : i32, i32
  }
  func.func @transform_13(%arg0: i32) -> (i32, i32) {
    %c0_i32 = arith.constant 0 : i32
    %c0_i32_0 = arith.constant 0 : i32
    %c0_i32_1 = arith.constant 0 : i32
    return %c0_i32, %c0_i32_0 : i32, i32
  }
  func.func @transform_14(%arg0: i32) -> (i32, i32) {
    %c0_i32 = arith.constant 0 : i32
    %c0_i32_0 = arith.constant 0 : i32
    %c0_i32_1 = arith.constant 0 : i32
    return %c0_i32, %c0_i32_0 : i32, i32
  }
  func.func @transform_15(%arg0: i32) -> (i32, i32) {
    %c0_i32 = arith.constant 0 : i32
    %c0_i32_0 = arith.constant 0 : i32
    %c0_i32_1 = arith.constant 0 : i32
    return %c0_i32, %c0_i32_0 : i32, i32
  }
  func.func @transform_16(%arg0: i32) -> (i32, i32) {
    %c0_i32 = arith.constant 0 : i32
    %c0_i32_0 = arith.constant 0 : i32
    %c0_i32_1 = arith.constant 0 : i32
    return %c0_i32, %c0_i32_0 : i32, i32
  }
  func.func @transform_17(%arg0: i32) -> (i32, i32) {
    %c0_i32 = arith.constant 0 : i32
    %c0_i32_0 = arith.constant 0 : i32
    %c0_i32_1 = arith.constant 0 : i32
    return %c0_i32, %c0_i32_0 : i32, i32
  }
  func.func @transform_18(%arg0: i32) -> (i32, i32) {
    %c0_i32 = arith.constant 0 : i32
    %c0_i32_0 = arith.constant 0 : i32
    %c0_i32_1 = arith.constant 0 : i32
    return %c0_i32, %c0_i32_0 : i32, i32
  }
  func.func @transform_19(%arg0: i32) -> i32 {
    %c0_i32 = arith.constant 0 : i32
    return %arg0 : i32
  }
  func.func @transform_20(%arg0: i32) -> i32 {
    %c0_i32 = arith.constant 0 : i32
    return %arg0 : i32
  }
  func.func @transform_21(%arg0: i32) -> i32 {
    %c0_i32 = arith.constant 0 : i32
    return %arg0 : i32
  }
  func.func @transform_22(%arg0: i32) -> i32 {
    %c0_i32 = arith.constant 0 : i32
    return %arg0 : i32
  }
}

module attributes {stable_mosaic.version = 14 : i64} {
  func.func @body(%arg0: i32, %arg1: memref<10240xf32, #tpu.memory_space<vmem>>, %arg2: memref<10240xf32, #tpu.memory_space<vmem>>, %arg3: memref<10240xf32, #tpu.memory_space<vmem>>, %arg4: memref<10240xf32, #tpu.memory_space<vmem>>, %arg5: memref<10240xf32, #tpu.memory_space<vmem>>, %arg6: memref<10240xf32, #tpu.memory_space<vmem>>, %arg7: memref<10240xf32, #tpu.memory_space<vmem>>, %arg8: memref<10240xf32, #tpu.memory_space<vmem>>, %arg9: memref<10240xf32, #tpu.memory_space<vmem>>, %arg10: memref<10240xf32, #tpu.memory_space<vmem>>) attributes {dimension_semantics = [#tpu.dimension_semantics<arbitrary>], iteration_bounds = array<i64: 10>, scalar_prefetch = 0 : i64, scratch_operands = 0 : i64, tpu.core_type = #tpu.core_type<tc>, window_params = [{transform_indices = @transform_0, window_bounds = array<i64: 10240>}, {transform_indices = @transform_1, window_bounds = array<i64: 10240>}, {transform_indices = @transform_2, window_bounds = array<i64: 10240>}, {transform_indices = @transform_3, window_bounds = array<i64: 10240>}, {transform_indices = @transform_4, window_bounds = array<i64: 10240>}, {transform_indices = @transform_5, window_bounds = array<i64: 10240>}, {transform_indices = @transform_6, window_bounds = array<i64: 10240>}, {transform_indices = @transform_7, window_bounds = array<i64: 10240>}, {transform_indices = @transform_8, window_bounds = array<i64: 10240>}, {transform_indices = @transform_9, window_bounds = array<i64: 10240>}]} {
    %get3A = arith.constant 0 : index
    %get3A_0 = vector.load %arg5[%get3A] : memref<10240xf32, #tpu.memory_space<vmem>>, vector<10240xf32>
    %get3A_1 = arith.constant 0 : index
    %get3A_2 = vector.load %arg6[%get3A_1] : memref<10240xf32, #tpu.memory_space<vmem>>, vector<10240xf32>
    %add3A = arith.addf %get3A_0, %get3A_2 : vector<10240xf32>
    %max3A = arith.constant 1.000000e+00 : f32
    %max3A_3 = vector.broadcast %max3A : f32 to vector<10240xf32>
    %max3A_4 = arith.maximumf %add3A, %max3A_3 : vector<10240xf32>
    %div3A = arith.constant 1.000000e+00 : f32
    %div3A_5 = vector.broadcast %div3A : f32 to vector<10240xf32>
    %div3A_6 = arith.divf %div3A_5, %max3A_4 : vector<10240xf32>
    %get3A_7 = arith.constant 0 : index
    %get3A_8 = vector.load %arg1[%get3A_7] : memref<10240xf32, #tpu.memory_space<vmem>>, vector<10240xf32>
    %get3A_9 = arith.constant 0 : index
    %get3A_10 = vector.load %arg2[%get3A_9] : memref<10240xf32, #tpu.memory_space<vmem>>, vector<10240xf32>
    %add3A_11 = arith.addf %get3A_8, %get3A_10 : vector<10240xf32>
    %mul3A = arith.mulf %add3A_11, %div3A_6 : vector<10240xf32>
    %get3A_12 = arith.constant 0 : index
    %get3A_13 = vector.load %arg7[%get3A_12] : memref<10240xf32, #tpu.memory_space<vmem>>, vector<10240xf32>
    %add3A_14 = arith.addf %mul3A, %get3A_13 : vector<10240xf32>
    %swap3A = arith.constant 0 : index
    %swap3A_15 = vector.load %arg9[%swap3A] : memref<10240xf32, #tpu.memory_space<vmem>>, vector<10240xf32>
    tpu.vector_store %arg9[%swap3A], %add3A_14 {strides = array<i32>} : memref<10240xf32, #tpu.memory_space<vmem>>, vector<10240xf32>,
    %get3A_16 = arith.constant 0 : index
    %get3A_17 = vector.load %arg3[%get3A_16] : memref<10240xf32, #tpu.memory_space<vmem>>, vector<10240xf32>
    %get3A_18 = arith.constant 0 : index
    %get3A_19 = vector.load %arg4[%get3A_18] : memref<10240xf32, #tpu.memory_space<vmem>>, vector<10240xf32>
    %add3A_20 = arith.addf %get3A_17, %get3A_19 : vector<10240xf32>
    %mul3A_21 = arith.mulf %add3A_20, %div3A_6 : vector<10240xf32>
    %get3A_22 = arith.constant 0 : index
    %get3A_23 = vector.load %arg8[%get3A_22] : memref<10240xf32, #tpu.memory_space<vmem>>, vector<10240xf32>
    %add3A_24 = arith.addf %mul3A_21, %get3A_23 : vector<10240xf32>
    %swap3A_25 = arith.constant 0 : index
    %swap3A_26 = vector.load %arg10[%swap3A_25] : memref<10240xf32, #tpu.memory_space<vmem>>, vector<10240xf32>
    tpu.vector_store %arg10[%swap3A_25], %add3A_24 {strides = array<i32>} : memref<10240xf32, #tpu.memory_space<vmem>>, vector<10240xf32>,
    return
  }
  func.func @transform_0(%arg0: i32) -> i32 {
    %c0_i32 = arith.constant 0 : i32
    return %arg0 : i32
  }
  func.func @transform_1(%arg0: i32) -> i32 {
    %add3A = arith.constant 10 : i32
    %add3A_0 = arith.addi %add3A, %arg0 : i32
    %c0_i32 = arith.constant 0 : i32
    return %add3A_0 : i32
  }
  func.func @transform_2(%arg0: i32) -> i32 {
    %c0_i32 = arith.constant 0 : i32
    return %arg0 : i32
  }
  func.func @transform_3(%arg0: i32) -> i32 {
    %add3A = arith.constant 10 : i32
    %add3A_0 = arith.addi %add3A, %arg0 : i32
    %c0_i32 = arith.constant 0 : i32
    return %add3A_0 : i32
  }
  func.func @transform_4(%arg0: i32) -> i32 {
    %c0_i32 = arith.constant 0 : i32
    return %arg0 : i32
  }
  func.func @transform_5(%arg0: i32) -> i32 {
    %add3A = arith.constant 10 : i32
    %add3A_0 = arith.addi %add3A, %arg0 : i32
    %c0_i32 = arith.constant 0 : i32
    return %add3A_0 : i32
  }
  func.func @transform_6(%arg0: i32) -> i32 {
    %c0_i32 = arith.constant 0 : i32
    return %arg0 : i32
  }
  func.func @transform_7(%arg0: i32) -> i32 {
    %c0_i32 = arith.constant 0 : i32
    return %arg0 : i32
  }
  func.func @transform_8(%arg0: i32) -> i32 {
    %c0_i32 = arith.constant 0 : i32
    return %arg0 : i32
  }
  func.func @transform_9(%arg0: i32) -> i32 {
    %c0_i32 = arith.constant 0 : i32
    return %arg0 : i32
  }
}

</mosaic_0001>

<sc_bundles>
// kernel: kernel.6.cloned.1.call-start
scs
__scs_entry_jumppad:
0x0: {  	(pc) =	sbr.rel $0x88, $3  }
0x1: {  	(tag) =	ssettag $0x0;
	lr =	simm.s32 $0x1  }
0x2: {  	[smem:$0x3F97] =	sst lr;
	_ =	strace $0xD0000000  }
0x3: {  	_ = 	snop  }
0x4: {  	_ = 	snop  }
0x5: {  	_ = 	snop  }
0x6: {  	_ = 	snop  }
0x7: {  	_ = 	snop  }
__scs_overlays_trampoline_lowered:
0x8: {  	[smem:$0x3FA6] =	sst s0  }
0x9: {  	[smem:$0x3FA7] =	sst s1  }
0xa: {  	[smem:$0x3FA8] =	sst s2  }
0xb: {  	[smem:$0x3FA9] =	sst s3  }
0xc: {  	[smem:$0x3FAA] =	sst s4  }
0xd: {  	[smem:$0x3FAB] =	sst s5  }
0xe: {  	[smem:$0x3FAC] =	sst s6  }
0xf: {  	[smem:$0x3FAD] =	sst s7  }
0x10: {  	[smem:$0x3FAE] =	sst s8  }
0x11: {  	[smem:$0x3FAF] =	sst s9;
	s0 =	simm.s32 @!p0 $0x0  }
0x12: {  	s1 =	sld [smem:$0x3F95];
	s0 =	simm.s32 @p0 $0x1  }
0x13: {  	[smem:$0x3FB0] =	sst s0;
	s0 =	simm.s32 @!p1 $0x0  }
0x14: {  	s2 =	sld [smem:$0x3F94];
	s0 =	simm.s32 @p1 $0x1  }
0x15: {  	[smem:$0x3FB1] =	sst s0;
	s0 =	simm.s32 @!p2 $0x0  }
0x16: {  	s3 =	sld [smem:$0x3FDB];
	s0 =	simm.s32 @p2 $0x1  }
0x17: {  	s4 =	simm.s32 $0x1BF5;
	[smem:$0x3FB3] =	sst s0  }
0x18: {  	s0 =	sld [smem:$0x3F96];
	_ =	swait.ge [sflag:s4], $0x0  }
0x19: {  	s7 =	sld [smem:$0x3F97]  }
0x1a: {  	s8 =	sadd.s32 $0xFFFFE003, lr  }
0x1b: {  	s9 =	sadd.s32 $0xFFFFFEF7, lr;
	s5 =	simm.s32 $0xFFFFFFFF;
	p2 =	slt.u32 s8, $0xFFFFF086  }
0x1c: {  	p1 =	slt.u32 s9, $0xF7A;
	s5 =	simm.s32 @!p2 $0x0  }
0x1d: {  	s5 =	simm.s32 @p1 $0x1;
	p0 =	seq.s32 s7, s2  }
0x1e: {  	s7 =	smul.u32 @!p0 $0xF7A, s2;
	p2 =	seq.s32 @!p0 s5, $0x0  }
0x1f: {  	s9 =	smul.u32 $0xF7A, s1;
	s8 =	simm.s32 @!p0 $0x1BF5;
	p2 =	por !p2, p0  }
0x20: {  	[sflag:s8] =	ssyncset.s32 @!p0 $0xFFFFF086;
	s6 =	sadd.s32 @!p0 s3, s7;
	s7 =	simm.s32 @!p0 $0x108  }
0x21: {  	s3 =	sadd.s32 s3, s9;
	s6 =	sadd.s32 @!p0 $0x88, s6;
	s7 =	simm.s32 @p2 $0x1082  }
0x22: {  	[simem:s7], [sflag:s8] =	dma.local @!p0 [hbm:s6], $0xF7A  }
0x23: {  	s9 =	sor.u32 $0xD0000000, s2;
	s6 =	simm.s32 $0x108;
	_ =	swait.ge @!p0 [sflag:s8], $0x0  }
0x24: {  	s3 =	sadd.s32 $0x88, s3;
	s6 =	simm.s32 @!p1 $0x1082;
	[sflag:s4] =	ssyncset.s32 $0xFFFFF086  }
0x25: {  	[simem:s6], [sflag:s4] =	dma.local [hbm:s3], $0xF7A  }
0x26: {  	[smem:$0x3F97] =	sst s1;
	(tag) =	ssettag s2;
	_ =	strace s9  }
0x27: {  	s1 =	sld [smem:$0x3FA7]  }
0x28: {  	s2 =	sld [smem:$0x3FA8]  }
0x29: {  	s4 =	sld [smem:$0x3FAA]  }
0x2a: {  	p0 =	seq.s32 s5, $0x0;
	s5 =	sld [smem:$0x3FAB]  }
0x2b: {  	s6 =	sld [smem:$0x3FAC]  }
0x2c: {  	s7 =	sld [smem:$0x3FAD]  }
0x2d: {  	s3 =	simm.s32 $0x108;
	s8 =	sld [smem:$0x3FAE]  }
0x2e: {  	s3 =	simm.s32 @!p0 $0x1082;
	s9 =	sld [smem:$0x3FAF]  }
0x2f: {  	lr =	sadd.s32 s0, s3;
	s0 =	sld [smem:$0x3FA6]  }
0x30: {  	s3 =	sld [smem:$0x3FA9]  }
0x31: {  	[smem:$0x3FB2] =	sst s10  }
0x32: {  	s10 =	sld [smem:$0x3FB0];
	_ =	sdelay $0x3  }
0x33: {  	p0 =	seq.s32 s10, $0x1;
	s10 =	sld [smem:$0x3FB2];
	_ =	sdelay $0x3  }
0x34: {  	[smem:$0x3FB2] =	sst s10  }
0x35: {  	s10 =	sld [smem:$0x3FB1];
	_ =	sdelay $0x3  }
0x36: {  	p1 =	seq.s32 s10, $0x1;
	s10 =	sld [smem:$0x3FB2];
	_ =	sdelay $0x3  }
0x37: {  	[smem:$0x3FB2] =	sst s10  }
0x38: {  	s10 =	sld [smem:$0x3FB3]  }
0x39: {  	_ = 	snop;
	(pc) =	sbr.ind lr, $3  }
0x3a: {  	_ = 	snop  }
0x3b: {  	_ = 	snop  }
0x3c: {  	p2 =	seq.s32 s10, $0x1;
	s10 =	sld [smem:$0x3FB2]  }
0x3d: {  	_ =	shalt  }
0x3e: {  	_ =	shalt  }
0x3f: {  	_ =	shalt  }
0x40: {  	_ =	shalt  }
0x41: {  	_ =	shalt  }
0x42: {  	_ =	shalt  }
0x43: {  	_ =	shalt  }
0x44: {  	_ =	shalt  }
0x45: {  	_ =	shalt  }
0x46: {  	_ =	shalt  }
0x47: {  	_ =	shalt  }
0x48: {  	_ =	shalt  }
0x49: {  	_ =	shalt  }
0x4a: {  	_ =	shalt  }
0x4b: {  	_ =	shalt  }
0x4c: {  	_ =	shalt  }
0x4d: {  	_ =	shalt  }
0x4e: {  	_ =	shalt  }
0x4f: {  	_ =	shalt  }
0x50: {  	_ =	shalt  }
0x51: {  	_ =	shalt  }
0x52: {  	_ =	shalt  }
0x53: {  	_ =	shalt  }
0x54: {  	_ =	shalt  }
0x55: {  	_ =	shalt  }
0x56: {  	_ =	shalt  }
0x57: {  	_ =	shalt  }
0x58: {  	_ =	shalt  }
0x59: {  	_ =	shalt  }
0x5a: {  	_ =	shalt  }
0x5b: {  	_ =	shalt  }
0x5c: {  	_ =	shalt  }
0x5d: {  	_ =	shalt  }
0x5e: {  	_ =	shalt  }
0x5f: {  	_ =	shalt  }
0x60: {  	_ =	shalt  }
0x61: {  	_ =	shalt  }
0x62: {  	_ =	shalt  }
0x63: {  	_ =	shalt  }
0x64: {  	_ =	shalt  }
0x65: {  	_ =	shalt  }
0x66: {  	_ =	shalt  }
0x67: {  	_ =	shalt  }
0x68: {  	_ =	shalt  }
0x69: {  	_ =	shalt  }
0x6a: {  	_ =	shalt  }
0x6b: {  	_ =	shalt  }
0x6c: {  	_ =	shalt  }
0x6d: {  	_ =	shalt  }
0x6e: {  	_ =	shalt  }
0x6f: {  	_ =	shalt  }
0x70: {  	_ =	shalt  }
0x71: {  	_ =	shalt  }
0x72: {  	_ =	shalt  }
0x73: {  	_ =	shalt  }
0x74: {  	_ =	shalt  }
0x75: {  	_ =	shalt  }
0x76: {  	_ =	shalt  }
0x77: {  	_ =	shalt  }
0x78: {  	_ =	shalt  }
0x79: {  	_ =	shalt  }
0x7a: {  	_ =	shalt  }
0x7b: {  	_ =	shalt  }
0x7c: {  	_ =	shalt  }
0x7d: {  	_ =	shalt  }
0x7e: {  	_ =	shalt  }
0x7f: {  	_ =	shalt  }
0x80: {  	_ =	shalt  }
0x81: {  	_ =	shalt  }
0x82: {  	_ =	shalt  }
0x83: {  	_ =	shalt  }
0x84: {  	_ =	shalt  }
0x85: {  	_ =	shalt  }
0x86: {  	_ =	shalt  }
0x87: {  	_ =	shalt  }
.Lfunc_end0:
.L_simem_size_0:
called_computation_lowered:
.L_overlay_start_0:
0x88: {  	s2 =	sld [smem:$0x3FD9]  }
0x89: {  	s3 =	sld [smem:$0x3FFE];
	_ =	sdelay $0x1  }
0x8a: {  	s1 =	srdreg.scid  }
0x8b: {  	s0 =	sand.u32 $0x1, s1  }
0x8c: {  	s17 =	sshll.u32 s0, $0xA;
	s2 =	sadd.s32 s3, s2  }
0x8d: {  	s2 =	sadd.s32 s2, s17  }
0x8e: {  	[smem:$0x3FBE] =	sst s2  }
0x8f: {  	_ = 	snop  }
0x90: {  	s2 =	sld [smem:$0x3FD0];
	(tm) =	ssettm $0x1  }
0x91: {  	s18 =	sld [smem:$0x3FFB];
	_ =	sdelay $0x3  }
0x92: {  	_ =	strace s18  }
0x93: {  	s3 =	sld [smem:$0x3FFC];
	_ =	sdelay $0x3  }
0x94: {  	_ =	strace s3  }
0x95: {  	s3 =	sld [smem:$0x3FFD];
	_ =	sdelay $0x3  }
0x96: {  	_ =	strace s3  }
0x97: {  	_ =	strace $0x8FFFFFFF  }
0x98: {  	s19 =	sld [smem:$0x3FDB];
	_ =	sdelay $0x1  }
0x99: {  	s4 =	simm.s32 $_scs_section_size  }
0x9a: {  	s5 =	simm.s32 $_size__tile_overlayer_lowered;
	s6 =	simm.s32 $_tile_overlayer_lowered  }
0x9b: {  	s22 =	simm.s32 $0x1BFF;
	s21 =	sshll.u32 s6, $0x1;
	s3 =	sadd.s32 s4, s19  }
0x9c: {  	s7 =	simm.s32 $0x0;
	s20 =	sshll.u32 s5, $0x1;
	s5 =	sadd.s32 s21, s3  }
0x9d: {  	[timem:s7], [sflag:s22] =	dma.local [hbm:s5], s20  }
0x9e: {  	_ =	swait.ge [sflag:s22], s20  }
0x9f: {  	s4 =	ssub.s32 $0x0, s20;
	[sflag:s22] =	ssyncset.done $0x0  }
0xa0: {  	[sflag:s22] =	ssyncadd.s32 s4;
	_ =	sdelay $0x1  }
0xa1: {  	s23 =	simm.s32 $0x1B8B  }
0xa2: {  	_ =	swait.ge [sflag:s23], $0x1  }
0xa3: {  	[sflag:s23] =	ssyncset.done $0x0  }
0xa4: {  	s25 =	simm.s32 $0x1B8E;
	s24 =	sld [smem:$0x3FFE];
	[sflag:s23] =	ssyncadd.s32 $0xFFFFFFFF  }
0xa5: {  	s26 =	simm.s32 $execute0_lowered;
	[smem:$0x3FD2] =	sst s25  }
0xa6: {  	s5 =	sshll.u32 s26, $0x1;
	_ =	strace $0x80000046;
	[dreg:$0x1] =	wrdreg $0xFFFFFFFF  }
0xa7: {  	s28 =	simm.s32 $_size_execute0_lowered;
	s3 =	sadd.s32 s3, s5;
	[dreg:$0x0] =	wrdreg $0x0  }
0xa8: {  	s5 =	sshll.u32 s28, $0x1;
	[dreg:$0x2] =	wrdreg s3  }
0xa9: {  	[dreg:$0x3] =	wrdreg s5  }
0xaa: {  	[dreg:$0x4] =	wrdreg $0xC0  }
0xab: {  	_ =	task [dreg:s7], $0x5FFFF  }
0xac: {  	[dreg:$0x1] =	wrdreg $0xFFFFFFFF  }
0xad: {  	[dreg:$0x0] =	wrdreg $0x60  }
0xae: {  	[dreg:$0x2] =	wrdreg s2  }
0xaf: {  	[dreg:$0x3] =	wrdreg s24  }
0xb0: {  	[dreg:$0x4] =	wrdreg $0x0  }
0xb1: {  	[dreg:$0x5] =	wrdreg $0x19000  }
0xb2: {  	[dreg:$0x6] =	wrdreg $0x32000  }
0xb3: {  	[dreg:$0x7] =	wrdreg $0x4B000  }
0xb4: {  	[dreg:$0x8] =	wrdreg $0x9  }
0xb5: {  	_ =	task.clear_ibuf [dreg:s7], $0x9FFFF;
	_ =	strace $0x90000046  }
0xb6: {  	s29 =	simm.s32 $0x9;
	_ =	strace $0x80000048  }
0xb7: {  	_ =	swait.ge [sflag:s29], $0x1  }
0xb8: {  	[sflag:s29] =	ssyncadd.s32 $0xFFFFFFFF  }
0xb9: {  	_ =	strace $0x90000048  }
0xba: {  	_ =	sfence  }
0xbb: {  	s30 =	sld [smem:$0x0];
	_ =	sdelay $0x2  }
0xbc: {  	s31 =	sshll.u32 s1, $0xD;
	s1 =	sshrl.u32 s1, $0x2  }
0xbd: {  	s3 =	sand.u32 $0x4000, s31;
	s1 =	sadd.s32 s1, s30  }
0xbe: {  	s0 =	sor.u32 s3, s0;
	s1 =	sshll.u32 s1, $0x11  }
0xbf: {  	s0 =	sor.u32 s1, s0  }
0xc0: {  	s0 =	sadd.s32 $0x8F2B, s0  }
0xc1: {  	[sflag:s0] =	ssyncadd.remote.s32 $0x1  }
0xc2: {  	_ =	sfence.sel $0xFFFF  }
0xc3: {  	[dreg:$0x0] =	wrdreg $0xFFFFFFFF;
	(pc) =	sbr.abs _section_cstart, $3  }
0xc4: {  	[dreg:$0x1] =	wrdreg $0xFFFFFFFF  }
0xc5: {  	_ =	task.clear_ibuf [dreg:s7], $0x2FFFF;
	_ =	strace $0x9FFFFFFF  }
0xc6: {  	(tm) =	ssettm $0x7FFFFFFF  }
0xc7: {  	_ =	shalt  }
tec
execute0_lowered:
.L_overlay_start_1:
0x0: {  	(tag) =	ssettag $0x1  }
0x1: {  	s1 =	rddreg [dreg:$0x1]  }
0x2: {  	s2 =	rddreg [dreg:$0x2]  }
0x3: {  	s3 =	rddreg [dreg:$0x3]  }
0x4: {  	s4 =	rddreg [dreg:$0x4]  }
0x5: {  	s5 =	rddreg [dreg:$0x5]  }
0x6: {  	s7 =	srdreg.scid;
	s10 =	stileid.u32;
	s6 =	simm.s32 $0x0  }
0x7: {  	s31 =	simm.s32 $0x1;
	s11 =	sand.u32 $0x1, s7;
	s22 =	sshll.u32 s10, $0x1  }
0x8: {  	[smem:$0x7FF] =	sst s6;
	s7 =	sadd.s32 $0xC6800, s1;
	s8 =	sadd.s32 $0xC9A00, s1  }
0x9: {  	s9 =	sadd.s32 $0xCCC00, s1;
	s15 =	sadd.s32 $0xCFE00, s1;
	s29 =	sshll.u32 s10, $0x5  }
0xa: {  	s30 =	smul.u32 $0x18680, s10;
	p0 =	sne.s32 s10, $0x0;
	s10 =	simm.s32 $0x0  }
0xb: {  	s12 =	sor.u32 s11, s22;
	_ =	strace $0x80000047;
	s14 =	smul.u32 $0x3200, s11  }
0xc: {  	s17 =	sshll.u32 s11, $0x9;
	s23 =	ssub.s32 $0x2, s11;
	s20 =	smul.u32 $0xC340, s11  }
0xd: {  	s19 =	sadd.s32 s29, s15;
	p1 =	sne.s32 s11, $0x0;
	s13 =	smul.u32 $0x61A00, s12  }
0xe: {  	s24 =	sshrl.u32 s23, $0x1;
	s12 =	smul.u32 $0xC340, s12;
	s21 =	sadd.s32 $0x186800, s19  }
0xf: {  	s1 =	sadd.s32 s14, s1;
	s14 =	ssub.s32 s23, s24;
	[dreg:$0xd] =	wrdreg s21  }
0x10: {  	s16 =	sand.u32 $0xFFFC00, s13;
	s13 =	sshrl.u32 s13, $0x3;
	s23 =	sadd.s32 $0x3200, s1  }
0x11: {  	s12 =	sadd.s32 s12, s15;
	s24 =	sadd.s32 $0x9600, s1;
	[dreg:$0xe] =	wrdreg s23  }
0x12: {  	s13 =	sadd.s32 s15, s13;
	[dreg:$0xf] =	wrdreg s24;
	s29 =	sadd.s32 $0xC0, s12  }
0x13: {  	s16 =	sor.u32 s17, s16;
	s25 =	sadd.s32 $0x40, s13;
	[dreg:$0x13] =	wrdreg s29  }
0x14: {  	s18 =	sshrl.u32 s16, $0x3;
	s26 =	sadd.s32 $0x60, s13;
	[dreg:$0x9] =	wrdreg s25  }
0x15: {  	s11 =	simm.s32 $0x2;
	s0 =	sadd.s32 s15, s18;
	[dreg:$0xa] =	wrdreg s26  }
0x16: {  	s22 =	sadd.s32 s30, s15;
	s18 =	sadd.s32 $0xA0, s13;
	[dreg:$0x7] =	wrdreg s0  }
0x17: {  	s12 =	simm.s32 $0x6480;
	s25 =	sadd.s32 $0xFA00, s1;
	[dreg:$0xc] =	wrdreg s18  }
0x18: {  	s16 =	sadd.s32 $0x400, s16;
	s26 =	sadd.s32 $0x15E00, s1;
	[dreg:$0x10] =	wrdreg s25  }
0x19: {  	s16 =	sshrl.u32 s16, $0x3;
	s0 =	sadd.s32 $0x20, s0;
	[dreg:$0x11] =	wrdreg s26  }
0x1a: {  	s13 =	sadd.s32 s20, s22;
	s28 =	sadd.s32 s15, s16;
	[dreg:$0x8] =	wrdreg s0  }
0x1b: {  	s1 =	simm.s32 $0x80;
	s30 =	sadd.s32 $0xE0, s13;
	[dreg:$0xb] =	wrdreg s28  }
0x1c: {  	s26 =	simm.s32 $0x6600;
	s28 =	smax.u32 s14, $0x1;
	[dreg:$0x14] =	wrdreg s30  }
0x1d: {  	v0 =	vimm.f32 $1.000000000e+00;
	s13 =	simm.s32 $0x7C00;
	s14 =	simm.s32 $0x3;
	[dreg:$0x12] =	wrdreg s28  }
.LBB2_1:
0x1e: {  	s15 =	sshrl.u32 @!p0 s2, $0x3  }
0x1f: {  	s19 =	simm.s32 @!p0 $0x1C04;
	s0 =	rddreg [dreg:$0x0];
	s20 =	simm.s32 @!p0 $0x4  }
0x20: {  	[spmem:s15], [sflag:s19] =	dma.local @!p0 [hbm:s0], $0x3200  }
0x21: {  	_ =	swait.ge @!p0 [sflag:s20], $0x3200  }
0x22: {  	[sflag:s20] =	ssyncset.done @!p0 $0x0  }
0x23: {  	s16 =	sshrl.u32 @!p0 s3, $0x3;
	[sflag:s20] =	ssyncadd.s32 @!p0 $0xFFFFCE00  }
0x24: {  	[spmem:s16], [sflag:s19] =	dma.local @!p0 [hbm:s0], $0x3200  }
0x25: {  	_ =	swait.ge @!p0 [sflag:s20], $0x3200  }
0x26: {  	[sflag:s20] =	ssyncset.done @!p0 $0x0  }
0x27: {  	s17 =	sshrl.u32 @!p0 s4, $0x3;
	[sflag:s20] =	ssyncadd.s32 @!p0 $0xFFFFCE00  }
0x28: {  	[spmem:s17], [sflag:s19] =	dma.local @!p0 [hbm:s0], $0x3200  }
0x29: {  	_ =	swait.ge @!p0 [sflag:s20], $0x3200  }
0x2a: {  	[sflag:s20] =	ssyncset.done @!p0 $0x0  }
0x2b: {  	s18 =	sshrl.u32 @!p0 s5, $0x3;
	[sflag:s20] =	ssyncadd.s32 @!p0 $0xFFFFCE00  }
0x2c: {  	[spmem:s18], [sflag:s19] =	dma.local @!p0 [hbm:s0], $0x3200  }
0x2d: {  	_ =	swait.ge @!p0 [sflag:s20], $0x3200  }
0x2e: {  	[sflag:s20] =	ssyncset.done @!p0 $0x0  }
0x2f: {  	[sflag:s20] =	ssyncadd.s32 @!p0 $0xFFFFCE00  }
0x30: {  	[tilespmem:$0x7C00] =	vst v0  }
0x31: {  	[tilespmem:$0x7C10] =	vst v0  }
0x32: {  	[tilespmem:$0x7C20] =	vst v0  }
0x33: {  	[tilespmem:$0x7C30] =	vst v0  }
0x34: {  	[tilespmem:$0x7C40] =	vst v0  }
0x35: {  	[tilespmem:$0x7C50] =	vst v0  }
0x36: {  	[tilespmem:$0x7C60] =	vst v0  }
0x37: {  	[tilespmem:$0x7C70] =	vst v0  }
0x38: {  	[bflag:$0x0] =	sbarrier.arrive $0xFFFF  }
0x39: {  	s19 =	simm.s32 $0x6400;
	s29 =	rddreg [dreg:$0x7]  }
0x3a: {  	[tilespmem:s19], [sflag:$0x1] =	stream.linear.gather [hbm4b:s29+s6], $0x100, $0x38;
	[tilespmem:$0x7C80] =	vst v63  }
0x3b: {  	s20 =	simm.s32 $0x6500;
	s30 =	rddreg [dreg:$0x8]  }
0x3c: {  	[tilespmem:s20], [sflag:$0x1] =	stream.linear.gather [hbm4b:s30+s6], $0x100, $0x38;
	[tilespmem:$0x7C80] =	vst v63  }
0x3d: {  	s21 =	rddreg [dreg:$0x9]  }
0x3e: {  	[tilespmem:s26], [sflag:$0x1] =	stream.linear.gather [hbm4b:s21+s6], $0x100, $0x38;
	[tilespmem:$0x7C80] =	vst v63  }
0x3f: {  	s22 =	rddreg [dreg:$0xa];
	s21 =	simm.s32 $0x6700  }
0x40: {  	[tilespmem:s21], [sflag:$0x1] =	stream.linear.gather [hbm4b:s22+s6], $0x100, $0x38;
	[tilespmem:$0x7C80] =	vst v63  }
0x41: {  	s24 =	simm.s32 $0x6800;
	s23 =	rddreg [dreg:$0xb]  }
0x42: {  	[tilespmem:s24], [sflag:$0x1] =	stream.linear.gather [hbm4b:s23+s6], $0x100, $0x38;
	[tilespmem:$0x7C80] =	vst v63  }
0x43: {  	s25 =	rddreg [dreg:$0xc];
	s29 =	simm.s32 $0x6900  }
0x44: {  	[tilespmem:s29], [sflag:$0x1] =	stream.linear.gather [hbm4b:s25+s6], $0x100, $0x38;
	[tilespmem:$0x7C80] =	vst v63  }
0x45: {  	_ =	swait.ge [sflag:s31], $0x100  }
0x46: {  	[sflag:s31] =	ssyncset.done $0x0  }
0x47: {  	s21 =	simm.s32 $0x6C00;
	[sflag:s31] =	ssyncadd.s32 $0xFFFFFF00  }
0x48: {  	[tilespmem:s21], [sflag:$0x2] =	stream.indirect.gather [hbm4b:s7+s1], $0x1, s19, s1, $0xb8;
	[tilespmem:$0x7C80] =	vst v63  }
0x49: {  	s22 =	simm.s32 $0x6C80  }
0x4a: {  	[tilespmem:s22], [sflag:$0x2] =	stream.indirect.gather [hbm4b:s8+s1], $0x1, s19, s1, $0xb8;
	[tilespmem:$0x7C80] =	vst v63  }
0x4b: {  	s23 =	simm.s32 $0x6D00  }
0x4c: {  	[tilespmem:s23], [sflag:$0x2] =	stream.indirect.gather [hbm4b:s9+s1], $0x1, s19, s1, $0xb8;
	[tilespmem:$0x7C80] =	vst v63  }
0x4d: {  	_ =	swait.ge [sflag:s31], $0x100  }
0x4e: {  	[sflag:s31] =	ssyncset.done $0x0  }
0x4f: {  	s30 =	simm.s32 $0x6E00;
	[sflag:s31] =	ssyncadd.s32 $0xFFFFFF00  }
0x50: {  	[tilespmem:s30], [sflag:$0x2] =	stream.indirect.gather [hbm4b:s7+s1], $0x1, s20, s1, $0xb8;
	[tilespmem:$0x7C80] =	vst v63  }
0x51: {  	s19 =	simm.s32 $0x6E80  }
0x52: {  	[tilespmem:s19], [sflag:$0x2] =	stream.indirect.gather [hbm4b:s8+s1], $0x1, s20, s1, $0xb8;
	[tilespmem:$0x7C80] =	vst v63  }
0x53: {  	s24 =	simm.s32 $0x6F00  }
0x54: {  	[tilespmem:s24], [sflag:$0x2] =	stream.indirect.gather [hbm4b:s9+s1], $0x1, s20, s1, $0xb8;
	[tilespmem:$0x7C80] =	vst v63  }
0x55: {  	_ =	swait.ge [sflag:s31], $0x100  }
0x56: {  	[sflag:s31] =	ssyncset.done $0x0  }
0x57: {  	s25 =	simm.s32 $0x7000;
	[sflag:s31] =	ssyncadd.s32 $0xFFFFFF00  }
0x58: {  	[tilespmem:s25], [sflag:$0x2] =	stream.indirect.gather [hbm4b:s7+s1], $0x1, s26, s1, $0xb8;
	[tilespmem:$0x7C80] =	vst v63  }
0x59: {  	s29 =	simm.s32 $0x7080  }
0x5a: {  	[tilespmem:s29], [sflag:$0x2] =	stream.indirect.gather [hbm4b:s8+s1], $0x1, s26, s1, $0xb8;
	[tilespmem:$0x7C80] =	vst v63  }
0x5b: {  	s30 =	simm.s32 $0x7100  }
0x5c: {  	[tilespmem:s30], [sflag:$0x2] =	stream.indirect.gather [hbm4b:s9+s1], $0x1, s26, s1, $0xb8;
	[tilespmem:$0x7C80] =	vst v63  }
0x5d: {  	s20 =	simm.s32 $0x6A00;
	s19 =	rddreg [dreg:$0x13]  }
0x5e: {  	[tilespmem:s20], [sflag:$0x1] =	stream.linear.gather [hbm4b:s19+s6], $0x100, $0x38;
	[tilespmem:$0x7C80] =	vst v63  }
0x5f: {  	_ =	swait.ge [sflag:s11], $0x180  }
0x60: {  	[sflag:s11] =	ssyncset.done $0x0  }
0x61: {  	[sflag:s11] =	ssyncadd.s32 $0xFFFFFE80  }
0x62: {  	[spmem:s2] =	stream.indirect.scatter.add.f32 [tilespmem:s21], [sflag:$0x3], $0x1, s12, s1, $0xb8;
	[tilespmem:$0x7C80] =	vst v63  }
0x63: {  	_ = 	snop  }
0x64: {  	[spmem:s3] =	stream.indirect.scatter.add.f32 [tilespmem:s22], [sflag:$0x3], $0x1, s12, s1, $0xb8;
	[tilespmem:$0x7C80] =	vst v63  }
0x65: {  	p2 =	por $0x0, $0x0  }
0x66: {  	[spmem:s4] =	stream.indirect.scatter.add.f32 [tilespmem:s23], [sflag:$0x3], $0x1, s12, s1, $0xb8;
	[tilespmem:$0x7C80] =	vst v63  }
0x67: {  	s19 =	sand.u32 @!p2 $0x7, s14;
	s20 =	simm.s32 @!p2 $0x1  }
0x68: {  	[spmem:s5] =	stream.indirect.scatter.add.f32 [tilespmem:s13], [sflag:$0x3], $0x1, s12, s1, $0xb8;
	[tilespmem:$0x7C80] =	vst v63  }
0x69: {  	s21 =	sshll.u32 @!p2 s19, $0x9;
	s19 =	sshll.u32 @!p2 s19, $0x8;
	_ =	swait.ge @!p2 [sflag:s20], $0x100  }
0x6a: {  	p3 =	por @!p2 $0x0, $0x0;
	s19 =	sadd.s32 @!p2 $0x6400, s19;
	[sflag:s20] =	ssyncset.done @!p2 $0x0  }
0x6b: {  	s22 =	sadd.s32 @!p2 $0x6C00, s21;
	[sflag:s20] =	ssyncadd.s32 @!p2 $0xFFFFFF00;
	s20 =	simm.s32 @!p2 $0x80  }
0x6c: {  	[tilespmem:s22], [sflag:$0x2] =	stream.indirect.gather @!p2 [hbm4b:s7+s20], $0x1, s19, s20, $0xb8;
	[tilespmem:$0x7C80] =	vst v63  }
0x6d: {  	p3 =	por p3, p2;
	s28 =	sadd.s32 @!p2 $0x6C80, s21;
	s22 =	simm.s32 $0x700  }
0x6e: {  	[tilespmem:s28], [sflag:$0x2] =	stream.indirect.gather @!p2 [hbm4b:s8+s20], $0x1, s19, s20, $0xb8;
	[tilespmem:$0x7C80] =	vst v63  }
0x6f: {  	s24 =	simm.s32 $0x1;
	s21 =	sadd.s32 @!p2 $0x6D00, s21;
	s22 =	sand.u32 @!p3 $0x700, s22  }
0x70: {  	[tilespmem:s21], [sflag:$0x2] =	stream.indirect.gather @!p2 [hbm4b:s9+s20], $0x1, s19, s20, $0xb8;
	[tilespmem:$0x7C80] =	vst v63  }
0x71: {  	s0 =	rddreg [dreg:$0x14];
	s20 =	sadd.s32 @!p3 $0x6400, s22;
	s21 =	simm.s32 @!p3 $0x0  }
0x72: {  	[tilespmem:s20], [sflag:$0x1] =	stream.linear.gather @!p3 [hbm4b:s0+s21], $0x100, $0x38;
	[tilespmem:$0x7C80] =	vst v63  }
0x73: {  	s19 =	sand.u32 $0x7, s24;
	_ =	swait.ge [sflag:s11], $0x180  }
0x74: {  	s25 =	sshll.u32 s19, $0x9;
	s19 =	sshll.u32 s19, $0x8;
	[sflag:s11] =	ssyncset.done $0x0  }
0x75: {  	s29 =	sadd.s32 $0x6C00, s25;
	s19 =	sadd.s32 $0x6480, s19;
	[sflag:s11] =	ssyncadd.s32 $0xFFFFFE80  }
0x76: {  	[spmem:s2] =	stream.indirect.scatter.add.f32 [tilespmem:s29], [sflag:$0x3], $0x1, s19, s1, $0xb8;
	[tilespmem:$0x7C80] =	vst v63  }
0x77: {  	s30 =	sadd.s32 $0x6C80, s25  }
0x78: {  	[spmem:s3] =	stream.indirect.scatter.add.f32 [tilespmem:s30], [sflag:$0x3], $0x1, s19, s1, $0xb8;
	[tilespmem:$0x7C80] =	vst v63  }
0x79: {  	s20 =	sadd.s32 $0x6D00, s25  }
0x7a: {  	[spmem:s4] =	stream.indirect.scatter.add.f32 [tilespmem:s20], [sflag:$0x3], $0x1, s19, s1, $0xb8;
	[tilespmem:$0x7C80] =	vst v63  }
0x7b: {  	s28 =	simm.s32 $0x4  }
0x7c: {  	[spmem:s5] =	stream.indirect.scatter.add.f32 [tilespmem:s13], [sflag:$0x3], $0x1, s19, s1, $0xb8;
	[tilespmem:$0x7C80] =	vst v63  }
0x7d: {  	s22 =	simm.s32 $0x2;
	s21 =	simm.s32 $0x5;
	_ =	swait.ge [sflag:s14], $0x200  }
0x7e: {  	s20 =	sadd.s32 $0x20, s0;
	s19 =	simm.s32 $0x800;
	[sflag:s14] =	ssyncset.done $0x0  }
.LBB2_2:
0x7f: {  	p3 =	sgt.u32 s22, $0x617  }
0x80: {  	[sflag:s14] =	ssyncadd.s32 $0xFFFFFE00;
	s29 =	smov.u32 s21;
	s21 =	sadd.s32 $0x1, s21  }
0x81: {  	s28 =	sand.u32 @!p3 $0x7, s28;
	s30 =	simm.s32 @!p3 $0x1;
	p4 =	sgt.u32 @!p3 s22, $0x613  }
0x82: {  	_ =	swait.ge @!p3 [sflag:s30], $0x100;
	s0 =	sshll.u32 @!p3 s28, $0x9;
	s28 =	sshll.u32 @!p3 s28, $0x8  }
0x83: {  	[sflag:s30] =	ssyncset.done @!p3 $0x0;
	s24 =	sadd.s32 @!p3 $0x6C00, s0;
	s23 =	sadd.s32 @!p3 $0x6C80, s0  }
0x84: {  	s25 =	simm.s32 @!p3 $0x80;
	[sflag:s30] =	ssyncadd.s32 @!p3 $0xFFFFFF00;
	s30 =	sadd.s32 @!p3 $0x6400, s28  }
0x85: {  	[tilespmem:s24], [sflag:$0x2] =	stream.indirect.gather @!p3 [hbm4b:s7+s25], $0x1, s30, s25, $0xb8;
	[tilespmem:$0x7C80] =	vst v63  }
0x86: {  	p2 =	sne.s32 s21, $0x61C;
	p4 =	por p4, p3;
	s0 =	sadd.s32 @!p3 $0x6D00, s0  }
0x87: {  	[tilespmem:s23], [sflag:$0x2] =	stream.indirect.gather @!p3 [hbm4b:s8+s25], $0x1, s30, s25, $0xb8;
	[tilespmem:$0x7C80] =	vst v63  }
0x88: {  	s28 =	smov.u32 s29;
	s23 =	sand.u32 @!p4 $0x700, s19  }
0x89: {  	[tilespmem:s0], [sflag:$0x2] =	stream.indirect.gather @!p3 [hbm4b:s9+s25], $0x1, s30, s25, $0xb8;
	[tilespmem:$0x7C80] =	vst v63  }
0x8a: {  	s0 =	sadd.s32 @!p4 $0x6400, s23;
	s23 =	simm.s32 @!p4 $0x0  }
0x8b: {  	[tilespmem:s0], [sflag:$0x1] =	stream.linear.gather @!p4 [hbm4b:s20+s23], $0x100, $0x38;
	[tilespmem:$0x7C80] =	vst v63  }
0x8c: {  	s0 =	sand.u32 $0x7, s22;
	_ =	swait.ge [sflag:s11], $0x180  }
0x8d: {  	s22 =	sshll.u32 s0, $0x9;
	s0 =	sshll.u32 s0, $0x8;
	[sflag:s11] =	ssyncset.done $0x0  }
0x8e: {  	s23 =	sadd.s32 $0x6C00, s22;
	s0 =	sadd.s32 $0x6480, s0;
	[sflag:s11] =	ssyncadd.s32 $0xFFFFFE80  }
0x8f: {  	[spmem:s2] =	stream.indirect.scatter.add.f32 [tilespmem:s23], [sflag:$0x3], $0x1, s0, s1, $0xb8;
	[tilespmem:$0x7C80] =	vst v63  }
0x90: {  	s23 =	sadd.s32 $0x6C80, s22  }
0x91: {  	[spmem:s3] =	stream.indirect.scatter.add.f32 [tilespmem:s23], [sflag:$0x3], $0x1, s0, s1, $0xb8;
	[tilespmem:$0x7C80] =	vst v63  }
0x92: {  	s22 =	sadd.s32 $0x6D00, s22  }
0x93: {  	[spmem:s4] =	stream.indirect.scatter.add.f32 [tilespmem:s22], [sflag:$0x3], $0x1, s0, s1, $0xb8;
	[tilespmem:$0x7C80] =	vst v63  }
.Ltmp0:
0x94: {  	_ = 	snop;
	(pc) =	sbr.rel @p2 .LBB2_2-.Ltmp0, $4  }
0x95: {  	_ = 	snop  }
0x96: {  	[spmem:s5] =	stream.indirect.scatter.add.f32 [tilespmem:s13], [sflag:$0x3], $0x1, s0, s1, $0xb8;
	[tilespmem:$0x7C80] =	vst v63  }
0x97: {  	s19 =	sadd.s32 $0x100, s19;
	_ =	swait.ge [sflag:s14], $0x200  }
0x98: {  	s20 =	sadd.s32 $0x20, s20;
	s22 =	sadd.s32 $0xFFFFFFFE, s28;
	[sflag:s14] =	ssyncset.done $0x0  }
0x99: {  	p2 =	sgt.u32 s22, $0x617  }
0x9a: {  	[sflag:s14] =	ssyncadd.s32 $0xFFFFFE00;
	s0 =	sand.u32 @!p2 $0x7, s28;
	s21 =	simm.s32 @!p2 $0x1  }
0x9b: {  	_ =	swait.ge @!p2 [sflag:s21], $0x100;
	s23 =	sshll.u32 @!p2 s0, $0x9  }
0x9c: {  	s0 =	sshll.u32 @!p2 s0, $0x8;
	[sflag:s21] =	ssyncset.done @!p2 $0x0;
	s24 =	sadd.s32 @!p2 $0x6C00, s23  }
0x9d: {  	s0 =	sadd.s32 @!p2 $0x6400, s0;
	[sflag:s21] =	ssyncadd.s32 @!p2 $0xFFFFFF00;
	s21 =	simm.s32 @!p2 $0x80  }
0x9e: {  	[tilespmem:s24], [sflag:$0x2] =	stream.indirect.gather @!p2 [hbm4b:s7+s21], $0x1, s0, s21, $0xb8;
	[tilespmem:$0x7C80] =	vst v63  }
0x9f: {  	s24 =	sadd.s32 @!p2 $0x6C80, s23  }
0xa0: {  	[tilespmem:s24], [sflag:$0x2] =	stream.indirect.gather @!p2 [hbm4b:s8+s21], $0x1, s0, s21, $0xb8;
	[tilespmem:$0x7C80] =	vst v63  }
0xa1: {  	p3 =	sgt.u32 @!p2 s22, $0x613;
	s23 =	sadd.s32 @!p2 $0x6D00, s23  }
0xa2: {  	[tilespmem:s23], [sflag:$0x2] =	stream.indirect.gather @!p2 [hbm4b:s9+s21], $0x1, s0, s21, $0xb8;
	[tilespmem:$0x7C80] =	vst v63  }
0xa3: {  	p2 =	por p3, p2  }
0xa4: {  	s0 =	sand.u32 @!p2 $0x700, s19  }
0xa5: {  	s19 =	simm.s32 @!p2 $0x0;
	s0 =	sadd.s32 @!p2 $0x6400, s0  }
0xa6: {  	[tilespmem:s0], [sflag:$0x1] =	stream.linear.gather @!p2 [hbm4b:s20+s19], $0x100, $0x38;
	[tilespmem:$0x7C80] =	vst v63  }
0xa7: {  	s24 =	sand.u32 $0x7, s22;
	_ =	swait.ge [sflag:s11], $0x180  }
0xa8: {  	s25 =	sshll.u32 s24, $0x9;
	s0 =	sshll.u32 s24, $0x8;
	[sflag:s11] =	ssyncset.done $0x0  }
0xa9: {  	s28 =	sadd.s32 $0x6C00, s25;
	s0 =	sadd.s32 $0x6480, s0;
	[sflag:s11] =	ssyncadd.s32 $0xFFFFFE80  }
0xaa: {  	[spmem:s2] =	stream.indirect.scatter.add.f32 [tilespmem:s28], [sflag:$0x3], $0x1, s0, s1, $0xb8;
	[tilespmem:$0x7C80] =	vst v63  }
0xab: {  	s29 =	sadd.s32 $0x6C80, s25  }
0xac: {  	[spmem:s3] =	stream.indirect.scatter.add.f32 [tilespmem:s29], [sflag:$0x3], $0x1, s0, s1, $0xb8;
	[tilespmem:$0x7C80] =	vst v63  }
0xad: {  	s19 =	sadd.s32 $0x6D00, s25  }
0xae: {  	[spmem:s4] =	stream.indirect.scatter.add.f32 [tilespmem:s19], [sflag:$0x3], $0x1, s0, s1, $0xb8;
	[tilespmem:$0x7C80] =	vst v63  }
0xaf: {  	_ = 	snop  }
0xb0: {  	[spmem:s5] =	stream.indirect.scatter.add.f32 [tilespmem:s13], [sflag:$0x3], $0x1, s0, s1, $0xb8;
	[tilespmem:$0x7C80] =	vst v63  }
0xb1: {  	_ =	swait.ge [sflag:s14], $0x200  }
0xb2: {  	[sflag:s14] =	ssyncset.done $0x0  }
0xb3: {  	[sflag:s14] =	ssyncadd.s32 $0xFFFFFE00  }
0xb4: {  	_ =	swait.ge [sflag:s14], $0x200  }
0xb5: {  	s19 =	simm.s32 @!p1 $0x6400;
	[sflag:s14] =	ssyncset.done $0x0  }
0xb6: {  	s0 =	simm.s32 @!p1 $0x0;
	s20 =	rddreg [dreg:$0xd];
	[sflag:s14] =	ssyncadd.s32 $0xFFFFFE00  }
0xb7: {  	[tilespmem:s19], [sflag:$0x1] =	stream.linear.gather @!p1 [hbm4b:s20+s0], $0x100, $0x38;
	[tilespmem:$0x7C80] =	vst v63  }
0xb8: {  	s0 =	simm.s32 @!p1 $0x1  }
0xb9: {  	_ =	swait.ge @!p1 [sflag:s0], $0x100  }
0xba: {  	[sflag:s0] =	ssyncset.done @!p1 $0x0  }
0xbb: {  	s20 =	simm.s32 @!p1 $0x6C00;
	[sflag:s0] =	ssyncadd.s32 @!p1 $0xFFFFFF00;
	s0 =	simm.s32 @!p1 $0x80  }
0xbc: {  	[tilespmem:s20], [sflag:$0x2] =	stream.indirect.gather @!p1 [hbm4b:s7+s0], $0x1, s19, s0, $0xb8;
	[tilespmem:$0x7C80] =	vst v63  }
0xbd: {  	s21 =	simm.s32 @!p1 $0x6C80  }
0xbe: {  	[tilespmem:s21], [sflag:$0x2] =	stream.indirect.gather @!p1 [hbm4b:s8+s0], $0x1, s19, s0, $0xb8;
	[tilespmem:$0x7C80] =	vst v63  }
0xbf: {  	s22 =	simm.s32 @!p1 $0x6D00  }
0xc0: {  	[tilespmem:s22], [sflag:$0x2] =	stream.indirect.gather @!p1 [hbm4b:s9+s0], $0x1, s19, s0, $0xb8;
	[tilespmem:$0x7C80] =	vst v63  }
0xc1: {  	s19 =	simm.s32 @!p1 $0x2  }
0xc2: {  	_ =	swait.ge @!p1 [sflag:s19], $0x180  }
0xc3: {  	[sflag:s19] =	ssyncset.done @!p1 $0x0  }
0xc4: {  	[sflag:s19] =	ssyncadd.s32 @!p1 $0xFFFFFE80;
	s19 =	simm.s32 @!p1 $0x6480  }
0xc5: {  	[spmem:s2] =	stream.indirect.scatter.add.f32 @!p1 [tilespmem:s20], [sflag:$0x3], $0x1, s19, s0, $0xb8;
	[tilespmem:$0x7C80] =	vst v63  }
0xc6: {  	_ = 	snop  }
0xc7: {  	[spmem:s3] =	stream.indirect.scatter.add.f32 @!p1 [tilespmem:s21], [sflag:$0x3], $0x1, s19, s0, $0xb8;
	[tilespmem:$0x7C80] =	vst v63  }
0xc8: {  	_ = 	snop  }
0xc9: {  	[spmem:s4] =	stream.indirect.scatter.add.f32 @!p1 [tilespmem:s22], [sflag:$0x3], $0x1, s19, s0, $0xb8;
	[tilespmem:$0x7C80] =	vst v63  }
0xca: {  	s20 =	simm.s32 @!p1 $0x7C00  }
0xcb: {  	[spmem:s5] =	stream.indirect.scatter.add.f32 @!p1 [tilespmem:s20], [sflag:$0x3], $0x1, s19, s0, $0xb8;
	[tilespmem:$0x7C80] =	vst v63  }
0xcc: {  	s0 =	simm.s32 @!p1 $0x3  }
0xcd: {  	_ =	swait.ge @!p1 [sflag:s0], $0x200  }
0xce: {  	[sflag:s0] =	ssyncset.done @!p1 $0x0  }
0xcf: {  	[sflag:s0] =	ssyncadd.s32 @!p1 $0xFFFFFE00  }
0xd0: {  	[bflag:$0x0] =	sbarrier.arrive $0xFFFF  }
0xd1: {  	s0 =	simm.s32 @!p0 $0x1C04;
	s19 =	rddreg [dreg:$0xe]  }
0xd2: {  	[hbm:s19], [sflag:s0] =	dma.local @!p0 [spmem:s15], $0x3200  }
0xd3: {  	s15 =	simm.s32 @!p0 $0x4  }
0xd4: {  	_ =	swait.ge @!p0 [sflag:s15], $0x3200  }
0xd5: {  	[sflag:s15] =	ssyncset.done @!p0 $0x0  }
0xd6: {  	s19 =	rddreg [dreg:$0xf];
	[sflag:s15] =	ssyncadd.s32 @!p0 $0xFFFFCE00  }
0xd7: {  	[hbm:s19], [sflag:s0] =	dma.local @!p0 [spmem:s16], $0x3200  }
0xd8: {  	_ =	swait.ge @!p0 [sflag:s15], $0x3200  }
0xd9: {  	[sflag:s15] =	ssyncset.done @!p0 $0x0  }
0xda: {  	s16 =	rddreg [dreg:$0x10];
	[sflag:s15] =	ssyncadd.s32 @!p0 $0xFFFFCE00  }
0xdb: {  	[hbm:s16], [sflag:s0] =	dma.local @!p0 [spmem:s17], $0x3200  }
0xdc: {  	_ =	swait.ge @!p0 [sflag:s15], $0x3200  }
0xdd: {  	[sflag:s15] =	ssyncset.done @!p0 $0x0  }
0xde: {  	s16 =	rddreg [dreg:$0x11];
	[sflag:s15] =	ssyncadd.s32 @!p0 $0xFFFFCE00  }
0xdf: {  	[hbm:s16], [sflag:s0] =	dma.local @!p0 [spmem:s18], $0x3200  }
0xe0: {  	_ =	swait.ge @!p0 [sflag:s15], $0x3200  }
0xe1: {  	s10 =	sadd.s32 $0x1, s10;
	s30 =	rddreg [dreg:$0x12]  }
0xe2: {  	p2 =	sne.s32 s10, s30  }
.Ltmp1:
0xe3: {  	_ = 	snop;
	(pc) =	sbr.rel @p2 .LBB2_1-.Ltmp1, $3  }
0xe4: {  	_ =	sdelay $0x1  }
0xe5: {  	[sflag:s15] =	ssyncset.done @!p0 $0x0  }
0xe6: {  	[sflag:s15] =	ssyncadd.s32 @!p0 $0xFFFFCE00  }
0xe7: {  	_ =	sfence.sel $0x180000  }
0xe8: {  	[bflag:$0x0] =	sbarrier.arrive $0xFFFF  }
0xe9: {  	_ =	strace $0x90000047  }
0xea: {  	[bflag:$0x2] =	sbarrier.arrive $0xFFFF  }
0xeb: {  	s0 =	rddreg [dreg:$0x6]  }
0xec: {  	s0 =	sadd.s32 @!p0 $0x100000, s0  }
0xed: {  	[sflag:s0] =	ssyncadd.tile.s32 @!p0 $0x1;
	_ =	shalt  }
.Lfunc_end2:
_tile_overlayer_lowered:
.L_overlay_start_2:
0xee: {  	(tag) =	ssettag $0x2  }
0xef: {  	s0 =	rddreg [dreg:$0x0];
	s2 =	stileid.u32  }
0xf0: {  	s1 =	rddreg [dreg:$0x1];
	p0 =	sne.s32 s2, $0x0  }
0xf1: {  	s3 =	rddreg [dreg:$0x2];
	[bflag:$0x3] =	sbarrier.arrive $0xFFFF;
	s2 =	simm.s32 @!p0 $0x1C04  }
0xf2: {  	[timem:s3], [sflag:s2] =	dma.local @!p0 [hbm:s0], s1  }
0xf3: {  	s0 =	simm.s32 @!p0 $0x4  }
0xf4: {  	_ =	swait.ge @!p0 [sflag:s0], s1  }
0xf5: {  	s1 =	ssub.s32 @!p0 $0x0, s1;
	[sflag:s0] =	ssyncset.done @!p0 $0x0  }
0xf6: {  	[sflag:s0] =	ssyncadd.s32 @!p0 s1  }
0xf7: {  	[bflag:$0x3] =	sbarrier.arrive $0xFFFF  }
0xf8: {  	_ =	shalt  }

// kernel: kernel.9.cloned.1.call-start
scs
__scs_entry_jumppad:
0x0: {  	(pc) =	sbr.rel $0x88, $3  }
0x1: {  	(tag) =	ssettag $0x0;
	lr =	simm.s32 $0x1  }
0x2: {  	[smem:$0x3F97] =	sst lr;
	_ =	strace $0xD0000000  }
0x3: {  	_ = 	snop  }
0x4: {  	_ = 	snop  }
0x5: {  	_ = 	snop  }
0x6: {  	_ = 	snop  }
0x7: {  	_ = 	snop  }
__scs_overlays_trampoline_lowered:
0x8: {  	[smem:$0x3FA6] =	sst s0  }
0x9: {  	[smem:$0x3FA7] =	sst s1  }
0xa: {  	[smem:$0x3FA8] =	sst s2  }
0xb: {  	[smem:$0x3FA9] =	sst s3  }
0xc: {  	[smem:$0x3FAA] =	sst s4  }
0xd: {  	[smem:$0x3FAB] =	sst s5  }
0xe: {  	[smem:$0x3FAC] =	sst s6  }
0xf: {  	[smem:$0x3FAD] =	sst s7  }
0x10: {  	[smem:$0x3FAE] =	sst s8  }
0x11: {  	[smem:$0x3FAF] =	sst s9;
	s0 =	simm.s32 @!p0 $0x0  }
0x12: {  	s1 =	sld [smem:$0x3F95];
	s0 =	simm.s32 @p0 $0x1  }
0x13: {  	[smem:$0x3FB0] =	sst s0;
	s0 =	simm.s32 @!p1 $0x0  }
0x14: {  	s2 =	sld [smem:$0x3F94];
	s0 =	simm.s32 @p1 $0x1  }
0x15: {  	[smem:$0x3FB1] =	sst s0;
	s0 =	simm.s32 @!p2 $0x0  }
0x16: {  	s3 =	sld [smem:$0x3FDB];
	s0 =	simm.s32 @p2 $0x1  }
0x17: {  	s4 =	simm.s32 $0x1BF5;
	[smem:$0x3FB3] =	sst s0  }
0x18: {  	s0 =	sld [smem:$0x3F96];
	_ =	swait.ge [sflag:s4], $0x0  }
0x19: {  	s7 =	sld [smem:$0x3F97]  }
0x1a: {  	s8 =	sadd.s32 $0xFFFFE003, lr  }
0x1b: {  	s9 =	sadd.s32 $0xFFFFFEF7, lr;
	s5 =	simm.s32 $0xFFFFFFFF;
	p2 =	slt.u32 s8, $0xFFFFF086  }
0x1c: {  	p1 =	slt.u32 s9, $0xF7A;
	s5 =	simm.s32 @!p2 $0x0  }
0x1d: {  	s5 =	simm.s32 @p1 $0x1;
	p0 =	seq.s32 s7, s2  }
0x1e: {  	s7 =	smul.u32 @!p0 $0xF7A, s2;
	p2 =	seq.s32 @!p0 s5, $0x0  }
0x1f: {  	s9 =	smul.u32 $0xF7A, s1;
	s8 =	simm.s32 @!p0 $0x1BF5;
	p2 =	por !p2, p0  }
0x20: {  	[sflag:s8] =	ssyncset.s32 @!p0 $0xFFFFF086;
	s6 =	sadd.s32 @!p0 s3, s7;
	s7 =	simm.s32 @!p0 $0x108  }
0x21: {  	s3 =	sadd.s32 s3, s9;
	s6 =	sadd.s32 @!p0 $0x88, s6;
	s7 =	simm.s32 @p2 $0x1082  }
0x22: {  	[simem:s7], [sflag:s8] =	dma.local @!p0 [hbm:s6], $0xF7A  }
0x23: {  	s9 =	sor.u32 $0xD0000000, s2;
	s6 =	simm.s32 $0x108;
	_ =	swait.ge @!p0 [sflag:s8], $0x0  }
0x24: {  	s3 =	sadd.s32 $0x88, s3;
	s6 =	simm.s32 @!p1 $0x1082;
	[sflag:s4] =	ssyncset.s32 $0xFFFFF086  }
0x25: {  	[simem:s6], [sflag:s4] =	dma.local [hbm:s3], $0xF7A  }
0x26: {  	[smem:$0x3F97] =	sst s1;
	(tag) =	ssettag s2;
	_ =	strace s9  }
0x27: {  	s1 =	sld [smem:$0x3FA7]  }
0x28: {  	s2 =	sld [smem:$0x3FA8]  }
0x29: {  	s4 =	sld [smem:$0x3FAA]  }
0x2a: {  	p0 =	seq.s32 s5, $0x0;
	s5 =	sld [smem:$0x3FAB]  }
0x2b: {  	s6 =	sld [smem:$0x3FAC]  }
0x2c: {  	s7 =	sld [smem:$0x3FAD]  }
0x2d: {  	s3 =	simm.s32 $0x108;
	s8 =	sld [smem:$0x3FAE]  }
0x2e: {  	s3 =	simm.s32 @!p0 $0x1082;
	s9 =	sld [smem:$0x3FAF]  }
0x2f: {  	lr =	sadd.s32 s0, s3;
	s0 =	sld [smem:$0x3FA6]  }
0x30: {  	s3 =	sld [smem:$0x3FA9]  }
0x31: {  	[smem:$0x3FB2] =	sst s10  }
0x32: {  	s10 =	sld [smem:$0x3FB0];
	_ =	sdelay $0x3  }
0x33: {  	p0 =	seq.s32 s10, $0x1;
	s10 =	sld [smem:$0x3FB2];
	_ =	sdelay $0x3  }
0x34: {  	[smem:$0x3FB2] =	sst s10  }
0x35: {  	s10 =	sld [smem:$0x3FB1];
	_ =	sdelay $0x3  }
0x36: {  	p1 =	seq.s32 s10, $0x1;
	s10 =	sld [smem:$0x3FB2];
	_ =	sdelay $0x3  }
0x37: {  	[smem:$0x3FB2] =	sst s10  }
0x38: {  	s10 =	sld [smem:$0x3FB3]  }
0x39: {  	_ = 	snop;
	(pc) =	sbr.ind lr, $3  }
0x3a: {  	_ = 	snop  }
0x3b: {  	_ = 	snop  }
0x3c: {  	p2 =	seq.s32 s10, $0x1;
	s10 =	sld [smem:$0x3FB2]  }
0x3d: {  	_ =	shalt  }
0x3e: {  	_ =	shalt  }
0x3f: {  	_ =	shalt  }
0x40: {  	_ =	shalt  }
0x41: {  	_ =	shalt  }
0x42: {  	_ =	shalt  }
0x43: {  	_ =	shalt  }
0x44: {  	_ =	shalt  }
0x45: {  	_ =	shalt  }
0x46: {  	_ =	shalt  }
0x47: {  	_ =	shalt  }
0x48: {  	_ =	shalt  }
0x49: {  	_ =	shalt  }
0x4a: {  	_ =	shalt  }
0x4b: {  	_ =	shalt  }
0x4c: {  	_ =	shalt  }
0x4d: {  	_ =	shalt  }
0x4e: {  	_ =	shalt  }
0x4f: {  	_ =	shalt  }
0x50: {  	_ =	shalt  }
0x51: {  	_ =	shalt  }
0x52: {  	_ =	shalt  }
0x53: {  	_ =	shalt  }
0x54: {  	_ =	shalt  }
0x55: {  	_ =	shalt  }
0x56: {  	_ =	shalt  }
0x57: {  	_ =	shalt  }
0x58: {  	_ =	shalt  }
0x59: {  	_ =	shalt  }
0x5a: {  	_ =	shalt  }
0x5b: {  	_ =	shalt  }
0x5c: {  	_ =	shalt  }
0x5d: {  	_ =	shalt  }
0x5e: {  	_ =	shalt  }
0x5f: {  	_ =	shalt  }
0x60: {  	_ =	shalt  }
0x61: {  	_ =	shalt  }
0x62: {  	_ =	shalt  }
0x63: {  	_ =	shalt  }
0x64: {  	_ =	shalt  }
0x65: {  	_ =	shalt  }
0x66: {  	_ =	shalt  }
0x67: {  	_ =	shalt  }
0x68: {  	_ =	shalt  }
0x69: {  	_ =	shalt  }
0x6a: {  	_ =	shalt  }
0x6b: {  	_ =	shalt  }
0x6c: {  	_ =	shalt  }
0x6d: {  	_ =	shalt  }
0x6e: {  	_ =	shalt  }
0x6f: {  	_ =	shalt  }
0x70: {  	_ =	shalt  }
0x71: {  	_ =	shalt  }
0x72: {  	_ =	shalt  }
0x73: {  	_ =	shalt  }
0x74: {  	_ =	shalt  }
0x75: {  	_ =	shalt  }
0x76: {  	_ =	shalt  }
0x77: {  	_ =	shalt  }
0x78: {  	_ =	shalt  }
0x79: {  	_ =	shalt  }
0x7a: {  	_ =	shalt  }
0x7b: {  	_ =	shalt  }
0x7c: {  	_ =	shalt  }
0x7d: {  	_ =	shalt  }
0x7e: {  	_ =	shalt  }
0x7f: {  	_ =	shalt  }
0x80: {  	_ =	shalt  }
0x81: {  	_ =	shalt  }
0x82: {  	_ =	shalt  }
0x83: {  	_ =	shalt  }
0x84: {  	_ =	shalt  }
0x85: {  	_ =	shalt  }
0x86: {  	_ =	shalt  }
0x87: {  	_ =	shalt  }
.Lfunc_end0:
.L_simem_size_0:
called_computation.1_lowered:
.L_overlay_start_0:
0x88: {  	s2 =	sld [smem:$0x3FD9]  }
0x89: {  	s3 =	sld [smem:$0x3FFE];
	_ =	sdelay $0x1  }
0x8a: {  	s1 =	srdreg.scid  }
0x8b: {  	s0 =	sand.u32 $0x1, s1  }
0x8c: {  	s17 =	sshll.u32 s0, $0xA;
	s2 =	sadd.s32 s3, s2  }
0x8d: {  	s2 =	sadd.s32 s2, s17  }
0x8e: {  	[smem:$0x3FBE] =	sst s2  }
0x8f: {  	_ = 	snop  }
0x90: {  	s2 =	sld [smem:$0x3FD0];
	(tm) =	ssettm $0x1  }
0x91: {  	s18 =	sld [smem:$0x3FFB];
	_ =	sdelay $0x3  }
0x92: {  	_ =	strace s18  }
0x93: {  	s3 =	sld [smem:$0x3FFC];
	_ =	sdelay $0x3  }
0x94: {  	_ =	strace s3  }
0x95: {  	s3 =	sld [smem:$0x3FFD];
	_ =	sdelay $0x3  }
0x96: {  	_ =	strace s3  }
0x97: {  	_ =	strace $0x8FFFFFFF  }
0x98: {  	s19 =	sld [smem:$0x3FDB];
	_ =	sdelay $0x1  }
0x99: {  	s4 =	simm.s32 $_scs_section_size  }
0x9a: {  	s5 =	simm.s32 $_size__tile_overlayer_lowered;
	s6 =	simm.s32 $_tile_overlayer_lowered  }
0x9b: {  	s22 =	simm.s32 $0x1BFF;
	s21 =	sshll.u32 s6, $0x1;
	s3 =	sadd.s32 s4, s19  }
0x9c: {  	s7 =	simm.s32 $0x0;
	s20 =	sshll.u32 s5, $0x1;
	s5 =	sadd.s32 s21, s3  }
0x9d: {  	[timem:s7], [sflag:s22] =	dma.local [hbm:s5], s20  }
0x9e: {  	_ =	swait.ge [sflag:s22], s20  }
0x9f: {  	s4 =	ssub.s32 $0x0, s20;
	[sflag:s22] =	ssyncset.done $0x0  }
0xa0: {  	[sflag:s22] =	ssyncadd.s32 s4;
	_ =	sdelay $0x1  }
0xa1: {  	s23 =	simm.s32 $0x1B8B  }
0xa2: {  	_ =	swait.ge [sflag:s23], $0x1  }
0xa3: {  	[sflag:s23] =	ssyncset.done $0x0  }
0xa4: {  	s25 =	simm.s32 $0x1B8E;
	s24 =	sld [smem:$0x3FFE];
	[sflag:s23] =	ssyncadd.s32 $0xFFFFFFFF  }
0xa5: {  	s26 =	simm.s32 $execute0_lowered;
	[smem:$0x3FD2] =	sst s25  }
0xa6: {  	s5 =	sshll.u32 s26, $0x1;
	_ =	strace $0x80000049;
	[dreg:$0x1] =	wrdreg $0xFFFFFFFF  }
0xa7: {  	s28 =	simm.s32 $_size_execute0_lowered;
	s3 =	sadd.s32 s3, s5;
	[dreg:$0x0] =	wrdreg $0x0  }
0xa8: {  	s5 =	sshll.u32 s28, $0x1;
	[dreg:$0x2] =	wrdreg s3  }
0xa9: {  	[dreg:$0x3] =	wrdreg s5  }
0xaa: {  	[dreg:$0x4] =	wrdreg $0xC0  }
0xab: {  	_ =	task [dreg:s7], $0x5FFFF  }
0xac: {  	[dreg:$0x1] =	wrdreg $0xFFFFFFFF  }
0xad: {  	[dreg:$0x0] =	wrdreg $0x60  }
0xae: {  	[dreg:$0x2] =	wrdreg s2  }
0xaf: {  	[dreg:$0x3] =	wrdreg s24  }
0xb0: {  	[dreg:$0x4] =	wrdreg $0x0  }
0xb1: {  	[dreg:$0x5] =	wrdreg $0x19000  }
0xb2: {  	[dreg:$0x6] =	wrdreg $0x9  }
0xb3: {  	_ =	task.clear_ibuf [dreg:s7], $0x7FFFF;
	_ =	strace $0x90000049  }
0xb4: {  	s29 =	simm.s32 $0x9;
	_ =	strace $0x8000004B  }
0xb5: {  	_ =	swait.ge [sflag:s29], $0x1  }
0xb6: {  	[sflag:s29] =	ssyncadd.s32 $0xFFFFFFFF  }
0xb7: {  	_ =	strace $0x9000004B  }
0xb8: {  	_ =	sfence  }
0xb9: {  	s30 =	sld [smem:$0x0];
	_ =	sdelay $0x2  }
0xba: {  	s31 =	sshll.u32 s1, $0xD;
	s1 =	sshrl.u32 s1, $0x2  }
0xbb: {  	s3 =	sand.u32 $0x4000, s31;
	s1 =	sadd.s32 s1, s30  }
0xbc: {  	s0 =	sor.u32 s3, s0;
	s1 =	sshll.u32 s1, $0x11  }
0xbd: {  	s0 =	sor.u32 s1, s0  }
0xbe: {  	s0 =	sadd.s32 $0x8F2B, s0  }
0xbf: {  	[sflag:s0] =	ssyncadd.remote.s32 $0x1  }
0xc0: {  	_ =	sfence.sel $0xFFFF  }
0xc1: {  	[dreg:$0x0] =	wrdreg $0xFFFFFFFF;
	(pc) =	sbr.abs _section_cstart, $3  }
0xc2: {  	[dreg:$0x1] =	wrdreg $0xFFFFFFFF  }
0xc3: {  	_ =	task.clear_ibuf [dreg:s7], $0x2FFFF;
	_ =	strace $0x9FFFFFFF  }
0xc4: {  	(tm) =	ssettm $0x7FFFFFFF  }
0xc5: {  	_ =	shalt  }
tec
execute0_lowered:
.L_overlay_start_1:
0x0: {  	(tag) =	ssettag $0x1  }
0x1: {  	s0 =	rddreg [dreg:$0x1]  }
0x2: {  	s2 =	rddreg [dreg:$0x2]  }
0x3: {  	s3 =	rddreg [dreg:$0x3]  }
0x4: {  	s1 =	srdreg.scid;
	s8 =	stileid.u32;
	s4 =	simm.s32 $0x0  }
0x5: {  	s28 =	simm.s32 $0x80;
	s29 =	simm.s32 $0x3A00;
	s30 =	simm.s32 $0x3A80  }
0x6: {  	s31 =	simm.s32 $0x2;
	s1 =	sand.u32 $0x1, s1;
	s5 =	sshll.u32 s8, $0x1  }
0x7: {  	[smem:$0x7FF] =	sst s4;
	s6 =	sadd.s32 $0x6400, s0;
	s15 =	sadd.s32 $0xCFE00, s0  }
0x8: {  	s24 =	sshll.u32 s8, $0x5;
	p0 =	sne.s32 s8, $0x0;
	s9 =	sor.u32 s1, s5  }
0x9: {  	_ =	strace $0x8000004A;
	s5 =	sadd.s32 $0x3200, s0;
	s10 =	smul.u32 $0x3200, s1  }
0xa: {  	s11 =	ssub.s32 $0x2, s1;
	s13 =	sshll.u32 s1, $0x9;
	s7 =	smul.u32 $0x61A00, s9  }
0xb: {  	p1 =	sne.s32 s1, $0x0;
	s26 =	sshrl.u32 s11, $0x1;
	s9 =	smul.u32 $0xC340, s9  }
0xc: {  	s0 =	sadd.s32 s10, s0;
	s16 =	ssub.s32 s11, s26;
	s12 =	sand.u32 $0xFFFC00, s7  }
0xd: {  	s9 =	sadd.s32 s9, s15;
	s12 =	sor.u32 s13, s12;
	s13 =	sshrl.u32 s7, $0x3  }
0xe: {  	s16 =	smax.u32 s16, $0x1;
	s11 =	sshrl.u32 s12, $0x3;
	s17 =	sadd.s32 s15, s13  }
0xf: {  	s18 =	sadd.s32 $0x400, s12;
	s13 =	sadd.s32 s24, s15;
	s14 =	sadd.s32 s15, s11  }
0x10: {  	s24 =	simm.s32 $0x3;
	s19 =	sadd.s32 $0x40, s17;
	[dreg:$0x5] =	wrdreg s14  }
0x11: {  	s20 =	sshrl.u32 s18, $0x3;
	s21 =	sadd.s32 $0x60, s17;
	[dreg:$0x7] =	wrdreg s19  }
0x12: {  	s23 =	sadd.s32 $0xA0, s17;
	s17 =	smul.u32 $0x18680, s8;
	[dreg:$0x8] =	wrdreg s21  }
0x13: {  	s18 =	smul.u32 $0xC340, s1;
	s25 =	sadd.s32 $0x186800, s13;
	[dreg:$0xa] =	wrdreg s23  }
0x14: {  	s7 =	sadd.s32 $0x20, s14;
	s22 =	sadd.s32 s15, s20;
	[dreg:$0xb] =	wrdreg s25  }
0x15: {  	s14 =	sadd.s32 $0x9600, s0;
	s19 =	sshrl.u32 @!p0 s2, $0x3;
	s20 =	sshrl.u32 @!p0 s3, $0x3  }
0x16: {  	s21 =	simm.s32 $0x3200;
	s23 =	simm.s32 $0x3400;
	[dreg:$0x6] =	wrdreg s7  }
0x17: {  	s25 =	simm.s32 $0x0;
	[dreg:$0x9] =	wrdreg s22;
	s17 =	sadd.s32 s17, s15  }
0x18: {  	s15 =	sadd.s32 $0xFA00, s0;
	s22 =	simm.s32 $0x3300;
	s26 =	sadd.s32 s18, s17  }
0x19: {  	s0 =	simm.s32 $0x3280;
	s17 =	sadd.s32 $0xC0, s9;
	s18 =	sadd.s32 $0xE0, s26  }
.LBB2_1:
0x1a: {  	s1 =	simm.s32 @!p0 $0x1C04;
	s7 =	rddreg [dreg:$0x0];
	s8 =	simm.s32 @!p0 $0x4  }
0x1b: {  	[spmem:s19], [sflag:s1] =	dma.local @!p0 [hbm:s7], $0x3200  }
0x1c: {  	_ =	swait.ge @!p0 [sflag:s8], $0x3200  }
0x1d: {  	[sflag:s8] =	ssyncset.done @!p0 $0x0  }
0x1e: {  	[sflag:s8] =	ssyncadd.s32 @!p0 $0xFFFFCE00  }
0x1f: {  	[spmem:s20], [sflag:s1] =	dma.local @!p0 [hbm:s7], $0x3200  }
0x20: {  	_ =	swait.ge @!p0 [sflag:s8], $0x3200  }
0x21: {  	[sflag:s8] =	ssyncset.done @!p0 $0x0  }
0x22: {  	[sflag:s8] =	ssyncadd.s32 @!p0 $0xFFFFCE00  }
0x23: {  	[bflag:$0x0] =	sbarrier.arrive $0xFFFF  }
0x24: {  	s12 =	rddreg [dreg:$0x5]  }
0x25: {  	[tilespmem:s21], [sflag:$0x1] =	stream.linear.gather [hbm4b:s12+s4], $0x100, $0x38;
	[tilespmem:$0x4200] =	vst v63  }
0x26: {  	s13 =	rddreg [dreg:$0x6]  }
0x27: {  	[tilespmem:s22], [sflag:$0x1] =	stream.linear.gather [hbm4b:s13+s4], $0x100, $0x38;
	[tilespmem:$0x4200] =	vst v63  }
0x28: {  	s26 =	rddreg [dreg:$0x7]  }
0x29: {  	[tilespmem:s23], [sflag:$0x1] =	stream.linear.gather [hbm4b:s26+s4], $0x100, $0x38;
	[tilespmem:$0x4200] =	vst v63  }
0x2a: {  	s8 =	simm.s32 $0x3500;
	s7 =	rddreg [dreg:$0x8]  }
0x2b: {  	[tilespmem:s8], [sflag:$0x1] =	stream.linear.gather [hbm4b:s7+s4], $0x100, $0x38;
	[tilespmem:$0x4200] =	vst v63  }
0x2c: {  	s10 =	simm.s32 $0x3600;
	s9 =	rddreg [dreg:$0x9]  }
0x2d: {  	[tilespmem:s10], [sflag:$0x1] =	stream.linear.gather [hbm4b:s9+s4], $0x100, $0x38;
	[tilespmem:$0x4200] =	vst v63  }
0x2e: {  	s11 =	rddreg [dreg:$0xa];
	s12 =	simm.s32 $0x3700;
	s13 =	simm.s32 $0x1  }
0x2f: {  	[tilespmem:s12], [sflag:$0x1] =	stream.linear.gather [hbm4b:s11+s4], $0x100, $0x38;
	[tilespmem:$0x4200] =	vst v63  }
0x30: {  	_ =	swait.ge [sflag:s13], $0x100  }
0x31: {  	[sflag:s13] =	ssyncset.done $0x0  }
0x32: {  	[sflag:s13] =	ssyncadd.s32 $0xFFFFFF00  }
0x33: {  	[tilespmem:s29], [sflag:$0x2] =	stream.indirect.gather [hbm4b:s5+s28], $0x1, s21, s28, $0xb8;
	[tilespmem:$0x4200] =	vst v63  }
0x34: {  	_ = 	snop  }
0x35: {  	[tilespmem:s30], [sflag:$0x2] =	stream.indirect.gather [hbm4b:s6+s28], $0x1, s21, s28, $0xb8;
	[tilespmem:$0x4200] =	vst v63  }
0x36: {  	_ =	swait.ge [sflag:s13], $0x100  }
0x37: {  	[sflag:s13] =	ssyncset.done $0x0  }
0x38: {  	s26 =	simm.s32 $0x3B00;
	[sflag:s13] =	ssyncadd.s32 $0xFFFFFF00  }
0x39: {  	[tilespmem:s26], [sflag:$0x2] =	stream.indirect.gather [hbm4b:s5+s28], $0x1, s22, s28, $0xb8;
	[tilespmem:$0x4200] =	vst v63  }
0x3a: {  	s8 =	simm.s32 $0x3B80  }
0x3b: {  	[tilespmem:s8], [sflag:$0x2] =	stream.indirect.gather [hbm4b:s6+s28], $0x1, s22, s28, $0xb8;
	[tilespmem:$0x4200] =	vst v63  }
0x3c: {  	_ =	swait.ge [sflag:s13], $0x100  }
0x3d: {  	[sflag:s13] =	ssyncset.done $0x0  }
0x3e: {  	s9 =	simm.s32 $0x3C00;
	[sflag:s13] =	ssyncadd.s32 $0xFFFFFF00  }
0x3f: {  	[tilespmem:s9], [sflag:$0x2] =	stream.indirect.gather [hbm4b:s5+s28], $0x1, s23, s28, $0xb8;
	[tilespmem:$0x4200] =	vst v63  }
0x40: {  	s10 =	simm.s32 $0x3C80  }
0x41: {  	[tilespmem:s10], [sflag:$0x2] =	stream.indirect.gather [hbm4b:s6+s28], $0x1, s23, s28, $0xb8;
	[tilespmem:$0x4200] =	vst v63  }
0x42: {  	s11 =	simm.s32 $0x3800  }
0x43: {  	[tilespmem:s11], [sflag:$0x1] =	stream.linear.gather [hbm4b:s17+s4], $0x100, $0x38;
	[tilespmem:$0x4200] =	vst v63  }
0x44: {  	_ =	swait.ge [sflag:s31], $0x100  }
0x45: {  	[sflag:s31] =	ssyncset.done $0x0  }
0x46: {  	p2 =	por $0x0, $0x0;
	[sflag:s31] =	ssyncadd.s32 $0xFFFFFF00  }
0x47: {  	[spmem:s2] =	stream.indirect.scatter.add.f32 [tilespmem:s29], [sflag:$0x3], $0x1, s0, s28, $0xb8;
	[tilespmem:$0x4200] =	vst v63  }
0x48: {  	s1 =	simm.s32 @!p2 $0x1  }
0x49: {  	[spmem:s3] =	stream.indirect.scatter.add.f32 [tilespmem:s30], [sflag:$0x3], $0x1, s0, s28, $0xb8;
	[tilespmem:$0x4200] =	vst v63  }
0x4a: {  	p3 =	por @!p2 $0x0, $0x0;
	s8 =	simm.s32 @!p2 $0x300;
	_ =	swait.ge @!p2 [sflag:s1], $0x100  }
0x4b: {  	s26 =	simm.s32 @!p2 $0x80;
	s8 =	sand.u32 @!p2 $0x700, s8;
	[sflag:s1] =	ssyncset.done @!p2 $0x0  }
0x4c: {  	s9 =	sadd.s32 @!p2 $0x3A00, s8;
	[sflag:s1] =	ssyncadd.s32 @!p2 $0xFFFFFF00;
	s1 =	sadd.s32 @!p2 $0x3200, s8  }
0x4d: {  	[tilespmem:s9], [sflag:$0x2] =	stream.indirect.gather @!p2 [hbm4b:s5+s26], $0x1, s1, s26, $0xb8;
	[tilespmem:$0x4200] =	vst v63  }
0x4e: {  	p3 =	por p3, p2;
	s9 =	simm.s32 $0x700  }
0x4f: {  	s8 =	sadd.s32 @!p2 $0x3A80, s8;
	s9 =	sand.u32 @!p3 $0x700, s9  }
0x50: {  	[tilespmem:s8], [sflag:$0x2] =	stream.indirect.gather @!p2 [hbm4b:s6+s26], $0x1, s1, s26, $0xb8;
	[tilespmem:$0x4200] =	vst v63  }
0x51: {  	s1 =	sadd.s32 @!p3 $0x3200, s9;
	s8 =	simm.s32 @!p3 $0x0  }
0x52: {  	[tilespmem:s1], [sflag:$0x1] =	stream.linear.gather @!p3 [hbm4b:s18+s8], $0x100, $0x38;
	[tilespmem:$0x4200] =	vst v63  }
0x53: {  	s12 =	simm.s32 $0x100;
	_ =	swait.ge [sflag:s31], $0x100  }
0x54: {  	s1 =	sand.u32 $0x700, s12;
	[sflag:s31] =	ssyncset.done $0x0  }
0x55: {  	s13 =	sadd.s32 $0x3A00, s1;
	s26 =	sadd.s32 $0x3280, s1;
	[sflag:s31] =	ssyncadd.s32 $0xFFFFFF00  }
0x56: {  	[spmem:s2] =	stream.indirect.scatter.add.f32 [tilespmem:s13], [sflag:$0x3], $0x1, s26, s28, $0xb8;
	[tilespmem:$0x4200] =	vst v63  }
0x57: {  	s1 =	sadd.s32 $0x3A80, s1  }
0x58: {  	[spmem:s3] =	stream.indirect.scatter.add.f32 [tilespmem:s1], [sflag:$0x3], $0x1, s26, s28, $0xb8;
	[tilespmem:$0x4200] =	vst v63  }
0x59: {  	s9 =	simm.s32 $0x2;
	s8 =	simm.s32 $0x3;
	_ =	swait.ge [sflag:s24], $0x100  }
0x5a: {  	s1 =	sadd.s32 $0x20, s18;
	s26 =	simm.s32 $0x800;
	[sflag:s24] =	ssyncset.done $0x0  }
.LBB2_2:
0x5b: {  	p3 =	sgt.u32 s9, $0x617  }
0x5c: {  	[sflag:s24] =	ssyncadd.s32 $0xFFFFFF00;
	s10 =	smov.u32 s8;
	s8 =	sadd.s32 $0x1, s8  }
0x5d: {  	s11 =	simm.s32 @!p3 $0x1;
	s7 =	sadd.s32 @!p3 $0xFFFFFC00, s26;
	p2 =	sgt.u32 @!p3 s9, $0x613  }
0x5e: {  	_ =	swait.ge @!p3 [sflag:s11], $0x100;
	s7 =	sand.u32 @!p3 $0x700, s7;
	p4 =	por p2, p3  }
0x5f: {  	[sflag:s11] =	ssyncset.done @!p3 $0x0;
	s9 =	sadd.s32 @!p3 $0x3A00, s7;
	s12 =	sadd.s32 @!p3 $0x3A80, s7  }
0x60: {  	s7 =	sadd.s32 @!p3 $0x3200, s7;
	[sflag:s11] =	ssyncadd.s32 @!p3 $0xFFFFFF00;
	s11 =	simm.s32 @!p3 $0x80  }
0x61: {  	[tilespmem:s9], [sflag:$0x2] =	stream.indirect.gather @!p3 [hbm4b:s5+s11], $0x1, s7, s11, $0xb8;
	[tilespmem:$0x4200] =	vst v63  }
0x62: {  	p2 =	sne.s32 s8, $0x61A;
	s13 =	sand.u32 @!p4 $0x700, s26;
	s9 =	smov.u32 s10  }
0x63: {  	[tilespmem:s12], [sflag:$0x2] =	stream.indirect.gather @!p3 [hbm4b:s6+s11], $0x1, s7, s11, $0xb8;
	[tilespmem:$0x4200] =	vst v63  }
0x64: {  	s10 =	simm.s32 @!p4 $0x0;
	s7 =	sadd.s32 @!p4 $0x3200, s13  }
0x65: {  	[tilespmem:s7], [sflag:$0x1] =	stream.linear.gather @!p4 [hbm4b:s1+s10], $0x100, $0x38;
	[tilespmem:$0x4200] =	vst v63  }
0x66: {  	s7 =	sadd.s32 $0xFFFFFA00, s26;
	_ =	swait.ge [sflag:s31], $0x100  }
0x67: {  	s7 =	sand.u32 $0x700, s7;
	[sflag:s31] =	ssyncset.done $0x0  }
0x68: {  	s10 =	sadd.s32 $0x3A00, s7;
	s11 =	sadd.s32 $0x3280, s7;
	[sflag:s31] =	ssyncadd.s32 $0xFFFFFF00  }
0x69: {  	[spmem:s2] =	stream.indirect.scatter.add.f32 [tilespmem:s10], [sflag:$0x3], $0x1, s11, s28, $0xb8;
	[tilespmem:$0x4200] =	vst v63  }
.Ltmp0:
0x6a: {  	_ = 	snop;
	(pc) =	sbr.rel @p2 .LBB2_2-.Ltmp0, $4  }
0x6b: {  	s7 =	sadd.s32 $0x3A80, s7  }
0x6c: {  	[spmem:s3] =	stream.indirect.scatter.add.f32 [tilespmem:s7], [sflag:$0x3], $0x1, s11, s28, $0xb8;
	[tilespmem:$0x4200] =	vst v63  }
0x6d: {  	_ =	swait.ge [sflag:s24], $0x100  }
0x6e: {  	s1 =	sadd.s32 $0x20, s1;
	s26 =	sadd.s32 $0x100, s26;
	[sflag:s24] =	ssyncset.done $0x0  }
0x6f: {  	p2 =	sgt.u32 s9, $0x617  }
0x70: {  	[sflag:s24] =	ssyncadd.s32 $0xFFFFFF00;
	s7 =	simm.s32 @!p2 $0x1;
	s8 =	sadd.s32 @!p2 $0xFFFFFC00, s26  }
0x71: {  	p3 =	sgt.u32 @!p2 s9, $0x613;
	s10 =	simm.s32 @!p2 $0x80;
	_ =	swait.ge @!p2 [sflag:s7], $0x100  }
0x72: {  	s8 =	sand.u32 @!p2 $0x700, s8;
	p3 =	por p3, p2;
	[sflag:s7] =	ssyncset.done @!p2 $0x0  }
0x73: {  	s9 =	sadd.s32 @!p2 $0x3A00, s8;
	[sflag:s7] =	ssyncadd.s32 @!p2 $0xFFFFFF00;
	s7 =	sadd.s32 @!p2 $0x3200, s8  }
0x74: {  	[tilespmem:s9], [sflag:$0x2] =	stream.indirect.gather @!p2 [hbm4b:s5+s10], $0x1, s7, s10, $0xb8;
	[tilespmem:$0x4200] =	vst v63  }
0x75: {  	s8 =	sadd.s32 @!p2 $0x3A80, s8;
	s9 =	sand.u32 @!p3 $0x700, s26  }
0x76: {  	[tilespmem:s8], [sflag:$0x2] =	stream.indirect.gather @!p2 [hbm4b:s6+s10], $0x1, s7, s10, $0xb8;
	[tilespmem:$0x4200] =	vst v63  }
0x77: {  	s7 =	sadd.s32 @!p3 $0x3200, s9;
	s8 =	simm.s32 @!p3 $0x0  }
0x78: {  	[tilespmem:s7], [sflag:$0x1] =	stream.linear.gather @!p3 [hbm4b:s1+s8], $0x100, $0x38;
	[tilespmem:$0x4200] =	vst v63  }
0x79: {  	s12 =	sadd.s32 $0xFFFFFA00, s26;
	_ =	swait.ge [sflag:s31], $0x100  }
0x7a: {  	s1 =	sand.u32 $0x700, s12;
	[sflag:s31] =	ssyncset.done $0x0  }
0x7b: {  	s13 =	sadd.s32 $0x3A00, s1;
	s26 =	sadd.s32 $0x3280, s1;
	[sflag:s31] =	ssyncadd.s32 $0xFFFFFF00  }
0x7c: {  	[spmem:s2] =	stream.indirect.scatter.add.f32 [tilespmem:s13], [sflag:$0x3], $0x1, s26, s28, $0xb8;
	[tilespmem:$0x4200] =	vst v63  }
0x7d: {  	s1 =	sadd.s32 $0x3A80, s1  }
0x7e: {  	[spmem:s3] =	stream.indirect.scatter.add.f32 [tilespmem:s1], [sflag:$0x3], $0x1, s26, s28, $0xb8;
	[tilespmem:$0x4200] =	vst v63  }
0x7f: {  	_ =	swait.ge [sflag:s24], $0x100  }
0x80: {  	[sflag:s24] =	ssyncset.done $0x0  }
0x81: {  	[sflag:s24] =	ssyncadd.s32 $0xFFFFFF00  }
0x82: {  	_ =	swait.ge [sflag:s24], $0x100  }
0x83: {  	s7 =	simm.s32 @!p1 $0x3200;
	[sflag:s24] =	ssyncset.done $0x0  }
0x84: {  	s1 =	simm.s32 @!p1 $0x0;
	s8 =	rddreg [dreg:$0xb];
	[sflag:s24] =	ssyncadd.s32 $0xFFFFFF00  }
0x85: {  	[tilespmem:s7], [sflag:$0x1] =	stream.linear.gather @!p1 [hbm4b:s8+s1], $0x100, $0x38;
	[tilespmem:$0x4200] =	vst v63  }
0x86: {  	s1 =	simm.s32 @!p1 $0x1  }
0x87: {  	_ =	swait.ge @!p1 [sflag:s1], $0x100  }
0x88: {  	[sflag:s1] =	ssyncset.done @!p1 $0x0  }
0x89: {  	s8 =	simm.s32 @!p1 $0x3A00;
	[sflag:s1] =	ssyncadd.s32 @!p1 $0xFFFFFF00;
	s1 =	simm.s32 @!p1 $0x80  }
0x8a: {  	[tilespmem:s8], [sflag:$0x2] =	stream.indirect.gather @!p1 [hbm4b:s5+s1], $0x1, s7, s1, $0xb8;
	[tilespmem:$0x4200] =	vst v63  }
0x8b: {  	s9 =	simm.s32 @!p1 $0x3A80  }
0x8c: {  	[tilespmem:s9], [sflag:$0x2] =	stream.indirect.gather @!p1 [hbm4b:s6+s1], $0x1, s7, s1, $0xb8;
	[tilespmem:$0x4200] =	vst v63  }
0x8d: {  	s7 =	simm.s32 @!p1 $0x2  }
0x8e: {  	_ =	swait.ge @!p1 [sflag:s7], $0x100  }
0x8f: {  	[sflag:s7] =	ssyncset.done @!p1 $0x0  }
0x90: {  	[sflag:s7] =	ssyncadd.s32 @!p1 $0xFFFFFF00;
	s7 =	simm.s32 @!p1 $0x3280  }
0x91: {  	[spmem:s2] =	stream.indirect.scatter.add.f32 @!p1 [tilespmem:s8], [sflag:$0x3], $0x1, s7, s1, $0xb8;
	[tilespmem:$0x4200] =	vst v63  }
0x92: {  	_ = 	snop  }
0x93: {  	[spmem:s3] =	stream.indirect.scatter.add.f32 @!p1 [tilespmem:s9], [sflag:$0x3], $0x1, s7, s1, $0xb8;
	[tilespmem:$0x4200] =	vst v63  }
0x94: {  	s1 =	simm.s32 @!p1 $0x3  }
0x95: {  	_ =	swait.ge @!p1 [sflag:s1], $0x100  }
0x96: {  	[sflag:s1] =	ssyncset.done @!p1 $0x0  }
0x97: {  	[sflag:s1] =	ssyncadd.s32 @!p1 $0xFFFFFF00  }
0x98: {  	s7 =	simm.s32 @!p0 $0x4;
	s1 =	simm.s32 @!p0 $0x1C04;
	[bflag:$0x0] =	sbarrier.arrive $0xFFFF  }
0x99: {  	[hbm:s14], [sflag:s1] =	dma.local @!p0 [spmem:s19], $0x3200  }
0x9a: {  	s25 =	sadd.s32 $0x1, s25;
	_ =	swait.ge @!p0 [sflag:s7], $0x3200  }
0x9b: {  	p2 =	sne.s32 s25, s16;
	[sflag:s7] =	ssyncset.done @!p0 $0x0  }
.Ltmp1:
0x9c: {  	[sflag:s7] =	ssyncadd.s32 @!p0 $0xFFFFCE00;
	(pc) =	sbr.rel @p2 .LBB2_1-.Ltmp1, $4  }
0x9d: {  	[hbm:s15], [sflag:s1] =	dma.local @!p0 [spmem:s20], $0x3200  }
0x9e: {  	_ =	swait.ge @!p0 [sflag:s7], $0x3200  }
0x9f: {  	[sflag:s7] =	ssyncset.done @!p0 $0x0  }
0xa0: {  	[sflag:s7] =	ssyncadd.s32 @!p0 $0xFFFFCE00  }
0xa1: {  	_ =	sfence.sel $0x180000  }
0xa2: {  	[bflag:$0x0] =	sbarrier.arrive $0xFFFF  }
0xa3: {  	_ =	strace $0x9000004A  }
0xa4: {  	[bflag:$0x2] =	sbarrier.arrive $0xFFFF  }
0xa5: {  	s0 =	rddreg [dreg:$0x4]  }
0xa6: {  	s0 =	sadd.s32 @!p0 $0x100000, s0  }
0xa7: {  	[sflag:s0] =	ssyncadd.tile.s32 @!p0 $0x1;
	_ =	shalt  }
.Lfunc_end2:
_tile_overlayer_lowered:
.L_overlay_start_2:
0xa8: {  	(tag) =	ssettag $0x2  }
0xa9: {  	s0 =	rddreg [dreg:$0x0];
	s2 =	stileid.u32  }
0xaa: {  	s1 =	rddreg [dreg:$0x1];
	p0 =	sne.s32 s2, $0x0  }
0xab: {  	s3 =	rddreg [dreg:$0x2];
	[bflag:$0x3] =	sbarrier.arrive $0xFFFF;
	s2 =	simm.s32 @!p0 $0x1C04  }
0xac: {  	[timem:s3], [sflag:s2] =	dma.local @!p0 [hbm:s0], s1  }
0xad: {  	s0 =	simm.s32 @!p0 $0x4  }
0xae: {  	_ =	swait.ge @!p0 [sflag:s0], s1  }
0xaf: {  	s1 =	ssub.s32 @!p0 $0x0, s1;
	[sflag:s0] =	ssyncset.done @!p0 $0x0  }
0xb0: {  	[sflag:s0] =	ssyncadd.s32 @!p0 s1  }
0xb1: {  	[bflag:$0x3] =	sbarrier.arrive $0xFFFF  }
0xb2: {  	_ =	shalt  }

</sc_bundles>
